<compile_context>
chip_gen: v7x
topology: tpu7x:2x2x1
jax: 0.10.2.dev20260603
libtpu: 0.0.44.dev20260713+nightly
codegen_flags: <defaults>
</compile_context>

<pallas_src>
import functools

import jax
import jax.numpy as jnp
from jax import lax
from jax.experimental import pallas as pl
from jax.experimental.pallas import tpu as pltpu
from jax.experimental.pallas import tpu_sc as plsc

D_H = 1024
D_E = 512
N_E = 16
T_TOTAL = 4096
N_PAIR = 2 * T_TOTAL
TBLK = 512
NT = T_TOTAL // TBLK

BLK = 512
N_PAD = N_PAIR + N_E * BLK
NBLK = N_PAD // BLK

NC, NS = 2, 16
NW = NC * NS
TOK_W = T_TOTAL // NW
PAIR_W = 2 * TOK_W


def _silu(v):
    return v * jax.nn.sigmoid(v)


def _dot_t(a, b):
    return lax.dot_general(a, b, (((1,), (1,)), ((), ())),
                           preferred_element_type=jnp.float32)


def _k0_body(x_ref, wgr_ref, epair_ref, wpair_ref, hist_ref):
    xb = x_ref[...]
    logits = _dot_t(xb, wgr_ref[...])
    m = jnp.max(logits, axis=1, keepdims=True)
    p = jnp.exp(logits - m)
    p = p / jnp.sum(p, axis=1, keepdims=True)
    iota = lax.broadcasted_iota(jnp.int32, p.shape, 1)
    m1 = jnp.max(p, axis=1, keepdims=True)
    e1 = jnp.min(jnp.where(p == m1, iota, N_E), axis=1, keepdims=True)
    pm = jnp.where(iota == e1, -jnp.inf, p)
    m2 = jnp.max(pm, axis=1, keepdims=True)
    e2 = jnp.min(jnp.where(pm == m2, iota, N_E), axis=1, keepdims=True)
    epair_ref[...] = jnp.concatenate([e1, e2], axis=1)
    wpair_ref[...] = jnp.concatenate([m1, m2], axis=1)
    oh = ((iota == e1) | (iota == e2)).astype(jnp.int32)
    ri = lax.broadcasted_iota(jnp.int32, (TBLK, N_E), 0)
    for cc in range(TBLK // TOK_W):
        msk = (ri >= cc * TOK_W) & (ri < (cc + 1) * TOK_W)
        r = jnp.sum(jnp.where(msk, oh, 0), axis=0)
        hist_ref[0, pl.ds(cc, 1), :] = r[None, :]


def _k0(x_flat, Wg_router):
    return pl.pallas_call(
        _k0_body,
        grid=(NT,),
        in_specs=[
            pl.BlockSpec((TBLK, D_H), lambda i: (i, 0)),
            pl.BlockSpec((N_E, D_H), lambda i: (0, 0)),
        ],
        out_specs=[
            pl.BlockSpec((TBLK, 2), lambda i: (i, 0)),
            pl.BlockSpec((TBLK, 2), lambda i: (i, 0)),
            pl.BlockSpec((1, TBLK // TOK_W, N_E), lambda i: (i, 0, 0)),
        ],
        out_shape=[
            jax.ShapeDtypeStruct((T_TOTAL, 2), jnp.int32),
            jax.ShapeDtypeStruct((T_TOTAL, 2), jnp.float32),
            jax.ShapeDtypeStruct((NT, TBLK // TOK_W, N_E), jnp.int32),
        ],
    )(x_flat, Wg_router)


def _k1s_body(x_ref, wsg_ref, wsu_ref, wsd_ref, shared_ref):
    xb = x_ref[...]
    sg = _dot_t(xb, wsg_ref[...])
    su = _dot_t(xb, wsu_ref[...])
    h = _silu(sg) * su
    shared_ref[...] = _dot_t(h, wsd_ref[...])


def _k1s(x_flat, Ws_gate, Ws_up, Ws_down):
    return pl.pallas_call(
        _k1s_body,
        grid=(NT,),
        in_specs=[
            pl.BlockSpec((TBLK, D_H), lambda i: (i, 0)),
            pl.BlockSpec((D_H, D_H), lambda i: (0, 0)),
            pl.BlockSpec((D_H, D_H), lambda i: (0, 0)),
            pl.BlockSpec((D_H, D_H), lambda i: (0, 0)),
        ],
        out_specs=pl.BlockSpec((TBLK, D_H), lambda i: (i, 0)),
        out_shape=jax.ShapeDtypeStruct((T_TOTAL, D_H), jnp.float32),
    )(x_flat, Ws_gate, Ws_up, Ws_down)


def _k2(epair_flat, x_flat, hist):
    mesh = plsc.VectorSubcoreMesh(core_axis_name="c", subcore_axis_name="s",
                                  num_cores=NC, num_subcores=NS)

    @functools.partial(
        pl.kernel,
        out_type=(
            jax.ShapeDtypeStruct((N_PAIR,), jnp.int32),
            jax.ShapeDtypeStruct((N_PAD, D_H), jnp.float32),
            jax.ShapeDtypeStruct((NBLK,), jnp.int32),
            jax.ShapeDtypeStruct((NBLK,), jnp.int32),
            jax.ShapeDtypeStruct((NBLK,), jnp.int32),
        ),
        mesh=mesh,
        scratch_types=[
            pltpu.VMEM((PAIR_W,), jnp.int32),
            pltpu.VMEM((PAIR_W,), jnp.int32),
            pltpu.VMEM((NW, 16), jnp.int32),
            pltpu.VMEM((64, D_H), jnp.float32),
            pltpu.VMEM((64,), jnp.int32),
            pltpu.VMEM((64,), jnp.int32),
            pltpu.VMEM((NBLK,), jnp.int32),
            pltpu.VMEM((NBLK,), jnp.int32),
            pltpu.VMEM((NBLK,), jnp.int32),
            pltpu.SemaphoreType.DMA,
            pltpu.SemaphoreType.DMA,
        ],
        compiler_params=pltpu.CompilerParams(needs_layout_passes=False),
    )
    def k2(epair_hbm, x_hbm, hist_hbm,
           pos_hbm, xs_hbm, bmap_hbm, xsblk_hbm, bvalid_hbm,
           ids_a, pos_v, hist_all, rows_v,
           idx_a, idx_b, bstage, xstage, vstage,
           sem_a, sem_b):
        c = lax.axis_index("c")
        s = lax.axis_index("s")
        w_own = c * NS + s
        iota16 = lax.iota(jnp.int32, 16)
        zeros16 = jnp.zeros((16,), jnp.int32)

        pltpu.sync_copy(epair_hbm.at[pl.ds(w_own * PAIR_W, PAIR_W)], ids_a)
        pltpu.sync_copy(hist_hbm, hist_all)

        def acc_body(w, carry):
            counts, before = carry
            row = hist_all[w]
            take = jnp.full((16,), w) < jnp.full((16,), w_own)
            return (counts + row,
                    before + jnp.where(take, row, zeros16))

        counts, before = lax.fori_loop(0, NW, acc_body, (zeros16, zeros16))

        nblk = (counts + (BLK - 1)) // BLK
        cum_incl = plsc.cumsum(nblk)
        off = (cum_incl - nblk) * BLK
        slot_base = off + before

        def rank_body(j, ctr):
            v = ids_a[pl.ds(j * 16, 16)]
            base = ctr.at[v].get(mode="promise_in_bounds")
            within = zeros16
            for e in range(N_E):
                mask = v == e
                mi = mask.astype(jnp.int32)
                cs = plsc.cumsum(mi)
                within = jnp.where(mask, cs - 1, within)
                tot = jnp.sum(mi)
                ctr = jnp.where(iota16 == e, ctr + tot, ctr)
            pos_v[pl.ds(j * 16, 16)] = base + within
            return ctr

        lax.fori_loop(0, PAIR_W // 16, rank_body, slot_base)

        pltpu.sync_copy(pos_v, pos_hbm.at[pl.ds(w_own * PAIR_W, PAIR_W)])

        tok0 = w_own * TOK_W
        for ch in range(2):
            pltpu.sync_copy(x_hbm.at[pl.ds(tok0 + ch * 64, 64)], rows_v)
            for i in range(4):
                g0 = jnp.full((16,), ch * 128) + 2 * (i * 16 + iota16)
                idx_a[pl.ds(i * 16, 16)] = plsc.load_gather(pos_v, [g0])
                idx_b[pl.ds(i * 16, 16)] = plsc.load_gather(pos_v, [g0 + 1])
            cp_a = pltpu.async_copy(rows_v, xs_hbm.at[idx_a], sem_a)
            cp_b = pltpu.async_copy(rows_v, xs_hbm.at[idx_b], sem_b)
            cp_a.wait()
            cp_b.wait()

        @pl.when(jnp.logical_and(c == 0, s == 0))
        def _():
            used = jnp.sum(nblk)
            for j in range(NBLK // 16):
                bb = iota16 + j * 16
                ee = zeros16
                for e in range(N_E):
                    ci = jnp.sum(jnp.where(iota16 == e, cum_incl, zeros16))
                    ee = ee + (bb >= jnp.full((16,), ci)).astype(jnp.int32)
                ee = jnp.minimum(ee, N_E - 1)
                bstage[pl.ds(j * 16, 16)] = ee
                xstage[pl.ds(j * 16, 16)] = jnp.minimum(
                    bb, jnp.full((16,), used - 1))
                vstage[pl.ds(j * 16, 16)] = (
                    bb < jnp.full((16,), used)).astype(jnp.int32)
            pltpu.sync_copy(bstage, bmap_hbm)
            pltpu.sync_copy(xstage, xsblk_hbm)
            pltpu.sync_copy(vstage, bvalid_hbm)

    return k2(epair_flat, x_flat, hist)


def _k3_body(xsblk_ref, bmap_ref, bvalid_ref,
             xs_ref, wg_ref, wu_ref, wd_ref, ys_ref):
    b = pl.program_id(0)

    @pl.when(bvalid_ref[b] == 1)
    def _():
        xb = xs_ref[...]
        g = _dot_t(xb, wg_ref[0])
        u = _dot_t(xb, wu_ref[0])
        h = _silu(g) * u
        ys_ref[...] = _dot_t(h, wd_ref[0])


def _k3(xs, W_gate, W_up, W_down, xsblk, bmap, bvalid):
    grid_spec = pltpu.PrefetchScalarGridSpec(
        num_scalar_prefetch=3,
        grid=(NBLK,),
        in_specs=[
            pl.BlockSpec((BLK, D_H), lambda b, xi, bm, bv: (xi[b], 0)),
            pl.BlockSpec((1, D_E, D_H), lambda b, xi, bm, bv: (bm[b], 0, 0)),
            pl.BlockSpec((1, D_E, D_H), lambda b, xi, bm, bv: (bm[b], 0, 0)),
            pl.BlockSpec((1, D_H, D_E), lambda b, xi, bm, bv: (bm[b], 0, 0)),
        ],
        out_specs=pl.BlockSpec((BLK, D_H), lambda b, xi, bm, bv: (xi[b], 0)),
    )
    return pl.pallas_call(
        _k3_body,
        grid_spec=grid_spec,
        out_shape=jax.ShapeDtypeStruct((N_PAD, D_H), jnp.float32),
    )(xsblk, bmap, bvalid, xs, W_gate, W_up, W_down)


def _k4sc(ys, pos):
    mesh = plsc.VectorSubcoreMesh(core_axis_name="c", subcore_axis_name="s",
                                  num_cores=NC, num_subcores=NS)

    @functools.partial(
        pl.kernel,
        out_type=jax.ShapeDtypeStruct((N_PAIR, D_H), jnp.float32),
        mesh=mesh,
        scratch_types=[
            pltpu.VMEM((PAIR_W,), jnp.int32),
            pltpu.VMEM((32, D_H), jnp.float32),
            pltpu.VMEM((32, D_H), jnp.float32),
            pltpu.VMEM((32,), jnp.int32),
            pltpu.VMEM((32,), jnp.int32),
            pltpu.SemaphoreType.DMA,
            pltpu.SemaphoreType.DMA,
            pltpu.SemaphoreType.DMA,
            pltpu.SemaphoreType.DMA,
        ],
        compiler_params=pltpu.CompilerParams(needs_layout_passes=False),
    )
    def k4(ys_hbm, pos_hbm, yp_hbm, posall, yr0, yr1, ix0, ix1,
           sg0, sg1, sw0, sw1):
        c = lax.axis_index("c")
        s = lax.axis_index("s")
        w_own = c * NS + s
        pltpu.sync_copy(pos_hbm.at[pl.ds(w_own * PAIR_W, PAIR_W)], posall)
        bufs = (yr0, yr1)
        idxs = (ix0, ix1)
        gsems = (sg0, sg1)
        wsems = (sw0, sw1)
        writes = [None] * 8
        for ch in range(8):
            b = ch % 2
            if ch >= 2:
                writes[ch - 2].wait()
            ii = idxs[b]
            ii[pl.ds(0, 16)] = posall[pl.ds(ch * 32, 16)]
            ii[pl.ds(16, 16)] = posall[pl.ds(ch * 32 + 16, 16)]
            pltpu.async_copy(ys_hbm.at[ii], bufs[b], gsems[b]).wait()
            writes[ch] = pltpu.async_copy(
                bufs[b], yp_hbm.at[pl.ds(w_own * PAIR_W + ch * 32, 32)],
                wsems[b])
        writes[6].wait()
        writes[7].wait()

    return k4(ys, pos)


def _k5_body(shared_ref, yp_ref, wp_ref, out_ref):
    w0 = wp_ref[...][:, 0:1]
    w1 = wp_ref[...][:, 1:2]
    yp = yp_ref[...]
    out_ref[...] = (shared_ref[...] + w0 * yp[:, :D_H] + w1 * yp[:, D_H:])


def _k5(shared, ypairs2, wpair):
    return pl.pallas_call(
        _k5_body,
        grid=(NT,),
        in_specs=[
            pl.BlockSpec((TBLK, D_H), lambda i: (i, 0)),
            pl.BlockSpec((TBLK, 2 * D_H), lambda i: (i, 0)),
            pl.BlockSpec((TBLK, 2), lambda i: (i, 0)),
        ],
        out_specs=pl.BlockSpec((TBLK, D_H), lambda i: (i, 0)),
        out_shape=jax.ShapeDtypeStruct((T_TOTAL, D_H), jnp.float32),
    )(shared, ypairs2, wpair)


def kernel(x, Wg_router, W_gate, W_up, W_down, Ws_gate, Ws_up, Ws_down):
    B, S, H = x.shape
    x_flat = x.reshape(-1, H)
    epair, wpair, hist = _k0(x_flat, Wg_router)
    pos, xs, bmap, xsblk, bvalid = _k2(epair.reshape(-1), x_flat,
                                       hist.reshape(NW, N_E))
    ys = _k3(xs, W_gate, W_up, W_down, xsblk, bmap, bvalid)
    ypairs = _k4sc(ys, pos)
    shared = x_flat * 0.0
    out = _k5(shared, ypairs.reshape(T_TOTAL, 2 * D_H), wpair)
    return out.reshape(B, S, H)

# --- scband reference (transcript-rebuilt; emitter-appended) ---
"""Pipeline reference for scband-mo-e-68075231641816 (READ-ONLY COPY).

The authoritative reference and input builder live on the scoring server;
editing this copy changes nothing except your own understanding.
"""

import jax, jax.numpy as jnp
import numpy as np

D_HIDDEN = 1024
D_EXPERT = 512
N_EXPERTS = 16
TOP_K = 2
N_SHARED = 2


def silu(v):
    return v * jax.nn.sigmoid(v)


def setup_inputs(seed: int = 0) -> dict:
    key = jax.random.key(seed)
    ks = jax.random.split(key, 9)
    s = 0.02
    x = jax.random.normal(ks[0], (2, 2048, D_HIDDEN), dtype=jnp.float32)
    Wg_router = jax.random.normal(ks[1], (N_EXPERTS, D_HIDDEN), dtype=jnp.float32) * s
    W_gate = jax.random.normal(ks[2], (N_EXPERTS, D_EXPERT, D_HIDDEN), dtype=jnp.float32) * s
    W_up = jax.random.normal(ks[3], (N_EXPERTS, D_EXPERT, D_HIDDEN), dtype=jnp.float32) * s
    W_down = jax.random.normal(ks[4], (N_EXPERTS, D_HIDDEN, D_EXPERT), dtype=jnp.float32) * s
    ds = D_EXPERT * N_SHARED
    Ws_gate = jax.random.normal(ks[5], (ds, D_HIDDEN), dtype=jnp.float32) * s
    Ws_up = jax.random.normal(ks[6], (ds, D_HIDDEN), dtype=jnp.float32) * s
    Ws_down = jax.random.normal(ks[7], (D_HIDDEN, ds), dtype=jnp.float32) * s
    return {"x": x, "Wg_router": Wg_router, "W_gate": W_gate, "W_up": W_up,
            "W_down": W_down, "Ws_gate": Ws_gate, "Ws_up": Ws_up, "Ws_down": Ws_down}


def reference(x, Wg_router, W_gate, W_up, W_down, Ws_gate, Ws_up, Ws_down):
    B, S, H = x.shape
    x_flat = x.reshape(-1, H)
    # shared expert (SwiGLU)
    sg = silu(x_flat @ Ws_gate.T)
    su = x_flat @ Ws_up.T
    shared_out = (sg * su) @ Ws_down.T
    # gating: softmax then top-k
    logits = x_flat @ Wg_router.T
    scores = jax.nn.softmax(logits, axis=-1)
    topk_scores, topk_idx = jax.lax.top_k(scores, TOP_K)
    # per-token per-expert combine weights [T, E]
    weights = (jax.nn.one_hot(topk_idx, N_EXPERTS, dtype=x.dtype) * topk_scores[..., None]).sum(axis=1)
    routed = jnp.zeros_like(x_flat)
    for e in range(N_EXPERTS):
        g = silu(x_flat @ W_gate[e].T)
        u = x_flat @ W_up[e].T
        out_e = (g * u) @ W_down[e].T
        routed = routed + weights[:, e:e + 1] * out_e
    out = routed + shared_out
    return out.reshape(B, S, H)

if __name__ == "__main__":
    import jax
    _d = setup_inputs()
    print(jax.jit(kernel)(*tuple(_d.values())))

</pallas_src>

<mosaic_0001>
#map = affine_map<(d0, d1) -> (0, 0)>
#map1 = affine_map<(d0, d1) -> (0)>
module attributes {stable_mosaic.version = 14 : i64} {
  func.func @k4(%arg0: i32, %arg1: i32, %arg2: memref<16384x1024xf32, #tpu.memory_space<hbm>>, %arg3: memref<8192xi32, #tpu.memory_space<hbm>>, %arg4: memref<8192x1024xf32, #tpu.memory_space<hbm>>, %arg5: memref<256xi32, #tpu.memory_space<vmem>>, %arg6: memref<32x1024xf32, #tpu.memory_space<vmem>>, %arg7: memref<32x1024xf32, #tpu.memory_space<vmem>>, %arg8: memref<32xi32, #tpu.memory_space<vmem>>, %arg9: memref<32xi32, #tpu.memory_space<vmem>>, %arg10: memref<!tpu.dma_semaphore, #tpu.memory_space<semaphore_mem>>, %arg11: memref<!tpu.dma_semaphore, #tpu.memory_space<semaphore_mem>>, %arg12: memref<!tpu.dma_semaphore, #tpu.memory_space<semaphore_mem>>, %arg13: memref<!tpu.dma_semaphore, #tpu.memory_space<semaphore_mem>>) attributes {dimension_semantics = [#tpu.dimension_semantics<core_parallel>, #tpu.dimension_semantics<subcore_parallel>], iteration_bounds = array<i64: 2, 16>, scalar_prefetch = 0 : i64, scratch_operands = 9 : i64, tpu.core_type = #tpu.core_type<sc_vector_subcore>, window_params = [{transform_indices = #map}, {transform_indices = #map1}, {transform_indices = #map}]} {
    %mul3A = arith.constant 16 : i32
    %mul3A_0 = arith.muli %arg0, %mul3A : i32
    %add3A = arith.addi %mul3A_0, %arg1 : i32
    %mul3A_1 = arith.constant 256 : i32
    %mul3A_2 = arith.muli %add3A, %mul3A_1 : i32
    "tpu.region"() ({
      %run_scoped3A = tpu.sem_alloc : memref<!tpu.dma_semaphore, #tpu.memory_space<semaphore_mem>>
      %dma_start3A_207 = tpu.memref_slice %arg3[%mul3A_2] : memref<8192xi32, #tpu.memory_space<hbm>> -> memref<256xi32, #tpu.memory_space<hbm>>
      %dma_start3A_208 = tpu.memref_slice %arg3[%mul3A_2] : memref<8192xi32, #tpu.memory_space<hbm>> -> memref<256xi32, #tpu.memory_space<hbm>>
      tpu.enqueue_dma source(%dma_start3A_208 : memref<256xi32, #tpu.memory_space<hbm>>) target(%arg5 : memref<256xi32, #tpu.memory_space<vmem>>) target_semaphore(%run_scoped3A : memref<!tpu.dma_semaphore, #tpu.memory_space<semaphore_mem>>)
      %dma_wait3A_209 = tpu.memref_slice %arg3[%mul3A_2] : memref<8192xi32, #tpu.memory_space<hbm>> -> memref<256xi32, #tpu.memory_space<hbm>>
      %dma_wait3A_210 = tpu.memref_slice %arg3[%mul3A_2] : memref<8192xi32, #tpu.memory_space<hbm>> -> memref<256xi32, #tpu.memory_space<hbm>>
      tpu.wait_dma2 semaphore(%run_scoped3A : memref<!tpu.dma_semaphore, #tpu.memory_space<semaphore_mem>>) src(%dma_wait3A_210 : memref<256xi32, #tpu.memory_space<hbm>>) dst(%arg5 : memref<256xi32, #tpu.memory_space<vmem>>)
      tpu.yield
    }) : () -> ()
    %get3A = arith.constant 0 : index
    %get3A_3 = tpu.vector_load %arg5[%get3A] {strides = array<i32>} : memref<256xi32, #tpu.memory_space<vmem>>, vector<16xi32>,
    %swap3A = arith.constant 0 : index
    %swap3A_4 = tpu.vector_load %arg8[%swap3A] {strides = array<i32>} : memref<32xi32, #tpu.memory_space<vmem>>, vector<16xi32>,
    tpu.vector_store %arg8[%swap3A], %get3A_3 {strides = array<i32>} : memref<32xi32, #tpu.memory_space<vmem>>, vector<16xi32>,
    %get3A_5 = arith.constant 16 : index
    %get3A_6 = tpu.vector_load %arg5[%get3A_5] {strides = array<i32>} : memref<256xi32, #tpu.memory_space<vmem>>, vector<16xi32>,
    %swap3A_7 = arith.constant 16 : index
    %swap3A_8 = tpu.vector_load %arg8[%swap3A_7] {strides = array<i32>} : memref<32xi32, #tpu.memory_space<vmem>>, vector<16xi32>,
    tpu.vector_store %arg8[%swap3A_7], %get3A_6 {strides = array<i32>} : memref<32xi32, #tpu.memory_space<vmem>>, vector<16xi32>,
    %dma_start3A = arith.constant 0 : i32
    %dma_start3A_9 = arith.constant 0 : i32
    %dma_start3A_10 = tpu.memref_slice %arg2[%dma_start3A, %dma_start3A_9] : memref<16384x1024xf32, #tpu.memory_space<hbm>> -> memref<16384x1024xf32, #tpu.memory_space<hbm>>
    tpu.enqueue_indirect_dma source(%dma_start3A_10 : memref<16384x1024xf32, #tpu.memory_space<hbm>>) target(%arg6 : memref<32x1024xf32, #tpu.memory_space<vmem>>) offsets(%arg8 : memref<32xi32, #tpu.memory_space<vmem>>) semaphore(%arg10 : memref<!tpu.dma_semaphore, #tpu.memory_space<semaphore_mem>>)
    %dma_wait3A = arith.constant 0 : i32
    %dma_wait3A_11 = arith.constant 0 : i32
    %dma_wait3A_12 = tpu.memref_slice %arg2[%dma_wait3A, %dma_wait3A_11] : memref<16384x1024xf32, #tpu.memory_space<hbm>> -> memref<16384x1024xf32, #tpu.memory_space<hbm>>
    tpu.wait_indirect_dma semaphore(%arg10 : memref<!tpu.dma_semaphore, #tpu.memory_space<semaphore_mem>>) src(%dma_wait3A_12 : memref<16384x1024xf32, #tpu.memory_space<hbm>>) dst(%arg6 : memref<32x1024xf32, #tpu.memory_space<vmem>>)
    %mul3A_13 = arith.constant 256 : i32
    %mul3A_14 = arith.muli %add3A, %mul3A_13 : i32
    %add3A_15 = arith.constant 0 : i32
    %add3A_16 = arith.addi %mul3A_14, %add3A_15 : i32
    %dma_start3A_17 = arith.constant 0 : i32
    %dma_start3A_18 = tpu.memref_slice %arg4[%add3A_16, %dma_start3A_17] : memref<8192x1024xf32, #tpu.memory_space<hbm>> -> memref<32x1024xf32, #tpu.memory_space<hbm>>
    %dma_start3A_19 = arith.constant 0 : i32
    %dma_start3A_20 = tpu.memref_slice %arg4[%add3A_16, %dma_start3A_19] : memref<8192x1024xf32, #tpu.memory_space<hbm>> -> memref<32x1024xf32, #tpu.memory_space<hbm>>
    tpu.enqueue_dma source(%arg6 : memref<32x1024xf32, #tpu.memory_space<vmem>>) target(%dma_start3A_20 : memref<32x1024xf32, #tpu.memory_space<hbm>>) target_semaphore(%arg12 : memref<!tpu.dma_semaphore, #tpu.memory_space<semaphore_mem>>)
    %get3A_21 = arith.constant 32 : index
    %get3A_22 = tpu.vector_load %arg5[%get3A_21] {strides = array<i32>} : memref<256xi32, #tpu.memory_space<vmem>>, vector<16xi32>,
    %swap3A_23 = arith.constant 0 : index
    %swap3A_24 = tpu.vector_load %arg9[%swap3A_23] {strides = array<i32>} : memref<32xi32, #tpu.memory_space<vmem>>, vector<16xi32>,
    tpu.vector_store %arg9[%swap3A_23], %get3A_22 {strides = array<i32>} : memref<32xi32, #tpu.memory_space<vmem>>, vector<16xi32>,
    %get3A_25 = arith.constant 48 : index
    %get3A_26 = tpu.vector_load %arg5[%get3A_25] {strides = array<i32>} : memref<256xi32, #tpu.memory_space<vmem>>, vector<16xi32>,
    %swap3A_27 = arith.constant 16 : index
    %swap3A_28 = tpu.vector_load %arg9[%swap3A_27] {strides = array<i32>} : memref<32xi32, #tpu.memory_space<vmem>>, vector<16xi32>,
    tpu.vector_store %arg9[%swap3A_27], %get3A_26 {strides = array<i32>} : memref<32xi32, #tpu.memory_space<vmem>>, vector<16xi32>,
    %dma_start3A_29 = arith.constant 0 : i32
    %dma_start3A_30 = arith.constant 0 : i32
    %dma_start3A_31 = tpu.memref_slice %arg2[%dma_start3A_29, %dma_start3A_30] : memref<16384x1024xf32, #tpu.memory_space<hbm>> -> memref<16384x1024xf32, #tpu.memory_space<hbm>>
    tpu.enqueue_indirect_dma source(%dma_start3A_31 : memref<16384x1024xf32, #tpu.memory_space<hbm>>) target(%arg7 : memref<32x1024xf32, #tpu.memory_space<vmem>>) offsets(%arg9 : memref<32xi32, #tpu.memory_space<vmem>>) semaphore(%arg11 : memref<!tpu.dma_semaphore, #tpu.memory_space<semaphore_mem>>)
    %dma_wait3A_32 = arith.constant 0 : i32
    %dma_wait3A_33 = arith.constant 0 : i32
    %dma_wait3A_34 = tpu.memref_slice %arg2[%dma_wait3A_32, %dma_wait3A_33] : memref<16384x1024xf32, #tpu.memory_space<hbm>> -> memref<16384x1024xf32, #tpu.memory_space<hbm>>
    tpu.wait_indirect_dma semaphore(%arg11 : memref<!tpu.dma_semaphore, #tpu.memory_space<semaphore_mem>>) src(%dma_wait3A_34 : memref<16384x1024xf32, #tpu.memory_space<hbm>>) dst(%arg7 : memref<32x1024xf32, #tpu.memory_space<vmem>>)
    %mul3A_35 = arith.constant 256 : i32
    %mul3A_36 = arith.muli %add3A, %mul3A_35 : i32
    %add3A_37 = arith.constant 32 : i32
    %add3A_38 = arith.addi %mul3A_36, %add3A_37 : i32
    %dma_start3A_39 = arith.constant 0 : i32
    %dma_start3A_40 = tpu.memref_slice %arg4[%add3A_38, %dma_start3A_39] : memref<8192x1024xf32, #tpu.memory_space<hbm>> -> memref<32x1024xf32, #tpu.memory_space<hbm>>
    %dma_start3A_41 = arith.constant 0 : i32
    %dma_start3A_42 = tpu.memref_slice %arg4[%add3A_38, %dma_start3A_41] : memref<8192x1024xf32, #tpu.memory_space<hbm>> -> memref<32x1024xf32, #tpu.memory_space<hbm>>
    tpu.enqueue_dma source(%arg7 : memref<32x1024xf32, #tpu.memory_space<vmem>>) target(%dma_start3A_42 : memref<32x1024xf32, #tpu.memory_space<hbm>>) target_semaphore(%arg13 : memref<!tpu.dma_semaphore, #tpu.memory_space<semaphore_mem>>)
    %dma_wait3A_43 = arith.constant 0 : i32
    %dma_wait3A_44 = tpu.memref_slice %arg4[%add3A_16, %dma_wait3A_43] : memref<8192x1024xf32, #tpu.memory_space<hbm>> -> memref<32x1024xf32, #tpu.memory_space<hbm>>
    %dma_wait3A_45 = arith.constant 0 : i32
    %dma_wait3A_46 = tpu.memref_slice %arg4[%add3A_16, %dma_wait3A_45] : memref<8192x1024xf32, #tpu.memory_space<hbm>> -> memref<32x1024xf32, #tpu.memory_space<hbm>>
    tpu.wait_dma2 semaphore(%arg12 : memref<!tpu.dma_semaphore, #tpu.memory_space<semaphore_mem>>) src(%arg6 : memref<32x1024xf32, #tpu.memory_space<vmem>>) dst(%dma_wait3A_46 : memref<32x1024xf32, #tpu.memory_space<hbm>>)
    %get3A_47 = arith.constant 64 : index
    %get3A_48 = tpu.vector_load %arg5[%get3A_47] {strides = array<i32>} : memref<256xi32, #tpu.memory_space<vmem>>, vector<16xi32>,
    %swap3A_49 = arith.constant 0 : index
    %swap3A_50 = tpu.vector_load %arg8[%swap3A_49] {strides = array<i32>} : memref<32xi32, #tpu.memory_space<vmem>>, vector<16xi32>,
    tpu.vector_store %arg8[%swap3A_49], %get3A_48 {strides = array<i32>} : memref<32xi32, #tpu.memory_space<vmem>>, vector<16xi32>,
    %get3A_51 = arith.constant 80 : index
    %get3A_52 = tpu.vector_load %arg5[%get3A_51] {strides = array<i32>} : memref<256xi32, #tpu.memory_space<vmem>>, vector<16xi32>,
    %swap3A_53 = arith.constant 16 : index
    %swap3A_54 = tpu.vector_load %arg8[%swap3A_53] {strides = array<i32>} : memref<32xi32, #tpu.memory_space<vmem>>, vector<16xi32>,
    tpu.vector_store %arg8[%swap3A_53], %get3A_52 {strides = array<i32>} : memref<32xi32, #tpu.memory_space<vmem>>, vector<16xi32>,
    %dma_start3A_55 = arith.constant 0 : i32
    %dma_start3A_56 = arith.constant 0 : i32
    %dma_start3A_57 = tpu.memref_slice %arg2[%dma_start3A_55, %dma_start3A_56] : memref<16384x1024xf32, #tpu.memory_space<hbm>> -> memref<16384x1024xf32, #tpu.memory_space<hbm>>
    tpu.enqueue_indirect_dma source(%dma_start3A_57 : memref<16384x1024xf32, #tpu.memory_space<hbm>>) target(%arg6 : memref<32x1024xf32, #tpu.memory_space<vmem>>) offsets(%arg8 : memref<32xi32, #tpu.memory_space<vmem>>) semaphore(%arg10 : memref<!tpu.dma_semaphore, #tpu.memory_space<semaphore_mem>>)
    %dma_wait3A_58 = arith.constant 0 : i32
    %dma_wait3A_59 = arith.constant 0 : i32
    %dma_wait3A_60 = tpu.memref_slice %arg2[%dma_wait3A_58, %dma_wait3A_59] : memref<16384x1024xf32, #tpu.memory_space<hbm>> -> memref<16384x1024xf32, #tpu.memory_space<hbm>>
    tpu.wait_indirect_dma semaphore(%arg10 : memref<!tpu.dma_semaphore, #tpu.memory_space<semaphore_mem>>) src(%dma_wait3A_60 : memref<16384x1024xf32, #tpu.memory_space<hbm>>) dst(%arg6 : memref<32x1024xf32, #tpu.memory_space<vmem>>)
    %mul3A_61 = arith.constant 256 : i32
    %mul3A_62 = arith.muli %add3A, %mul3A_61 : i32
    %add3A_63 = arith.constant 64 : i32
    %add3A_64 = arith.addi %mul3A_62, %add3A_63 : i32
    %dma_start3A_65 = arith.constant 0 : i32
    %dma_start3A_66 = tpu.memref_slice %arg4[%add3A_64, %dma_start3A_65] : memref<8192x1024xf32, #tpu.memory_space<hbm>> -> memref<32x1024xf32, #tpu.memory_space<hbm>>
    %dma_start3A_67 = arith.constant 0 : i32
    %dma_start3A_68 = tpu.memref_slice %arg4[%add3A_64, %dma_start3A_67] : memref<8192x1024xf32, #tpu.memory_space<hbm>> -> memref<32x1024xf32, #tpu.memory_space<hbm>>
    tpu.enqueue_dma source(%arg6 : memref<32x1024xf32, #tpu.memory_space<vmem>>) target(%dma_start3A_68 : memref<32x1024xf32, #tpu.memory_space<hbm>>) target_semaphore(%arg12 : memref<!tpu.dma_semaphore, #tpu.memory_space<semaphore_mem>>)
    %dma_wait3A_69 = arith.constant 0 : i32
    %dma_wait3A_70 = tpu.memref_slice %arg4[%add3A_38, %dma_wait3A_69] : memref<8192x1024xf32, #tpu.memory_space<hbm>> -> memref<32x1024xf32, #tpu.memory_space<hbm>>
    %dma_wait3A_71 = arith.constant 0 : i32
    %dma_wait3A_72 = tpu.memref_slice %arg4[%add3A_38, %dma_wait3A_71] : memref<8192x1024xf32, #tpu.memory_space<hbm>> -> memref<32x1024xf32, #tpu.memory_space<hbm>>
    tpu.wait_dma2 semaphore(%arg13 : memref<!tpu.dma_semaphore, #tpu.memory_space<semaphore_mem>>) src(%arg7 : memref<32x1024xf32, #tpu.memory_space<vmem>>) dst(%dma_wait3A_72 : memref<32x1024xf32, #tpu.memory_space<hbm>>)
    %get3A_73 = arith.constant 96 : index
    %get3A_74 = tpu.vector_load %arg5[%get3A_73] {strides = array<i32>} : memref<256xi32, #tpu.memory_space<vmem>>, vector<16xi32>,
    %swap3A_75 = arith.constant 0 : index
    %swap3A_76 = tpu.vector_load %arg9[%swap3A_75] {strides = array<i32>} : memref<32xi32, #tpu.memory_space<vmem>>, vector<16xi32>,
    tpu.vector_store %arg9[%swap3A_75], %get3A_74 {strides = array<i32>} : memref<32xi32, #tpu.memory_space<vmem>>, vector<16xi32>,
    %get3A_77 = arith.constant 112 : index
    %get3A_78 = tpu.vector_load %arg5[%get3A_77] {strides = array<i32>} : memref<256xi32, #tpu.memory_space<vmem>>, vector<16xi32>,
    %swap3A_79 = arith.constant 16 : index
    %swap3A_80 = tpu.vector_load %arg9[%swap3A_79] {strides = array<i32>} : memref<32xi32, #tpu.memory_space<vmem>>, vector<16xi32>,
    tpu.vector_store %arg9[%swap3A_79], %get3A_78 {strides = array<i32>} : memref<32xi32, #tpu.memory_space<vmem>>, vector<16xi32>,
    %dma_start3A_81 = arith.constant 0 : i32
    %dma_start3A_82 = arith.constant 0 : i32
    %dma_start3A_83 = tpu.memref_slice %arg2[%dma_start3A_81, %dma_start3A_82] : memref<16384x1024xf32, #tpu.memory_space<hbm>> -> memref<16384x1024xf32, #tpu.memory_space<hbm>>
    tpu.enqueue_indirect_dma source(%dma_start3A_83 : memref<16384x1024xf32, #tpu.memory_space<hbm>>) target(%arg7 : memref<32x1024xf32, #tpu.memory_space<vmem>>) offsets(%arg9 : memref<32xi32, #tpu.memory_space<vmem>>) semaphore(%arg11 : memref<!tpu.dma_semaphore, #tpu.memory_space<semaphore_mem>>)
    %dma_wait3A_84 = arith.constant 0 : i32
    %dma_wait3A_85 = arith.constant 0 : i32
    %dma_wait3A_86 = tpu.memref_slice %arg2[%dma_wait3A_84, %dma_wait3A_85] : memref<16384x1024xf32, #tpu.memory_space<hbm>> -> memref<16384x1024xf32, #tpu.memory_space<hbm>>
    tpu.wait_indirect_dma semaphore(%arg11 : memref<!tpu.dma_semaphore, #tpu.memory_space<semaphore_mem>>) src(%dma_wait3A_86 : memref<16384x1024xf32, #tpu.memory_space<hbm>>) dst(%arg7 : memref<32x1024xf32, #tpu.memory_space<vmem>>)
    %mul3A_87 = arith.constant 256 : i32
    %mul3A_88 = arith.muli %add3A, %mul3A_87 : i32
    %add3A_89 = arith.constant 96 : i32
    %add3A_90 = arith.addi %mul3A_88, %add3A_89 : i32
    %dma_start3A_91 = arith.constant 0 : i32
    %dma_start3A_92 = tpu.memref_slice %arg4[%add3A_90, %dma_start3A_91] : memref<8192x1024xf32, #tpu.memory_space<hbm>> -> memref<32x1024xf32, #tpu.memory_space<hbm>>
    %dma_start3A_93 = arith.constant 0 : i32
    %dma_start3A_94 = tpu.memref_slice %arg4[%add3A_90, %dma_start3A_93] : memref<8192x1024xf32, #tpu.memory_space<hbm>> -> memref<32x1024xf32, #tpu.memory_space<hbm>>
    tpu.enqueue_dma source(%arg7 : memref<32x1024xf32, #tpu.memory_space<vmem>>) target(%dma_start3A_94 : memref<32x1024xf32, #tpu.memory_space<hbm>>) target_semaphore(%arg13 : memref<!tpu.dma_semaphore, #tpu.memory_space<semaphore_mem>>)
    %dma_wait3A_95 = arith.constant 0 : i32
    %dma_wait3A_96 = tpu.memref_slice %arg4[%add3A_64, %dma_wait3A_95] : memref<8192x1024xf32, #tpu.memory_space<hbm>> -> memref<32x1024xf32, #tpu.memory_space<hbm>>
    %dma_wait3A_97 = arith.constant 0 : i32
    %dma_wait3A_98 = tpu.memref_slice %arg4[%add3A_64, %dma_wait3A_97] : memref<8192x1024xf32, #tpu.memory_space<hbm>> -> memref<32x1024xf32, #tpu.memory_space<hbm>>
    tpu.wait_dma2 semaphore(%arg12 : memref<!tpu.dma_semaphore, #tpu.memory_space<semaphore_mem>>) src(%arg6 : memref<32x1024xf32, #tpu.memory_space<vmem>>) dst(%dma_wait3A_98 : memref<32x1024xf32, #tpu.memory_space<hbm>>)
    %get3A_99 = arith.constant 128 : index
    %get3A_100 = tpu.vector_load %arg5[%get3A_99] {strides = array<i32>} : memref<256xi32, #tpu.memory_space<vmem>>, vector<16xi32>,
    %swap3A_101 = arith.constant 0 : index
    %swap3A_102 = tpu.vector_load %arg8[%swap3A_101] {strides = array<i32>} : memref<32xi32, #tpu.memory_space<vmem>>, vector<16xi32>,
    tpu.vector_store %arg8[%swap3A_101], %get3A_100 {strides = array<i32>} : memref<32xi32, #tpu.memory_space<vmem>>, vector<16xi32>,
    %get3A_103 = arith.constant 144 : index
    %get3A_104 = tpu.vector_load %arg5[%get3A_103] {strides = array<i32>} : memref<256xi32, #tpu.memory_space<vmem>>, vector<16xi32>,
    %swap3A_105 = arith.constant 16 : index
    %swap3A_106 = tpu.vector_load %arg8[%swap3A_105] {strides = array<i32>} : memref<32xi32, #tpu.memory_space<vmem>>, vector<16xi32>,
    tpu.vector_store %arg8[%swap3A_105], %get3A_104 {strides = array<i32>} : memref<32xi32, #tpu.memory_space<vmem>>, vector<16xi32>,
    %dma_start3A_107 = arith.constant 0 : i32
    %dma_start3A_108 = arith.constant 0 : i32
    %dma_start3A_109 = tpu.memref_slice %arg2[%dma_start3A_107, %dma_start3A_108] : memref<16384x1024xf32, #tpu.memory_space<hbm>> -> memref<16384x1024xf32, #tpu.memory_space<hbm>>
    tpu.enqueue_indirect_dma source(%dma_start3A_109 : memref<16384x1024xf32, #tpu.memory_space<hbm>>) target(%arg6 : memref<32x1024xf32, #tpu.memory_space<vmem>>) offsets(%arg8 : memref<32xi32, #tpu.memory_space<vmem>>) semaphore(%arg10 : memref<!tpu.dma_semaphore, #tpu.memory_space<semaphore_mem>>)
    %dma_wait3A_110 = arith.constant 0 : i32
    %dma_wait3A_111 = arith.constant 0 : i32
    %dma_wait3A_112 = tpu.memref_slice %arg2[%dma_wait3A_110, %dma_wait3A_111] : memref<16384x1024xf32, #tpu.memory_space<hbm>> -> memref<16384x1024xf32, #tpu.memory_space<hbm>>
    tpu.wait_indirect_dma semaphore(%arg10 : memref<!tpu.dma_semaphore, #tpu.memory_space<semaphore_mem>>) src(%dma_wait3A_112 : memref<16384x1024xf32, #tpu.memory_space<hbm>>) dst(%arg6 : memref<32x1024xf32, #tpu.memory_space<vmem>>)
    %mul3A_113 = arith.constant 256 : i32
    %mul3A_114 = arith.muli %add3A, %mul3A_113 : i32
    %add3A_115 = arith.constant 128 : i32
    %add3A_116 = arith.addi %mul3A_114, %add3A_115 : i32
    %dma_start3A_117 = arith.constant 0 : i32
    %dma_start3A_118 = tpu.memref_slice %arg4[%add3A_116, %dma_start3A_117] : memref<8192x1024xf32, #tpu.memory_space<hbm>> -> memref<32x1024xf32, #tpu.memory_space<hbm>>
    %dma_start3A_119 = arith.constant 0 : i32
    %dma_start3A_120 = tpu.memref_slice %arg4[%add3A_116, %dma_start3A_119] : memref<8192x1024xf32, #tpu.memory_space<hbm>> -> memref<32x1024xf32, #tpu.memory_space<hbm>>
    tpu.enqueue_dma source(%arg6 : memref<32x1024xf32, #tpu.memory_space<vmem>>) target(%dma_start3A_120 : memref<32x1024xf32, #tpu.memory_space<hbm>>) target_semaphore(%arg12 : memref<!tpu.dma_semaphore, #tpu.memory_space<semaphore_mem>>)
    %dma_wait3A_121 = arith.constant 0 : i32
    %dma_wait3A_122 = tpu.memref_slice %arg4[%add3A_90, %dma_wait3A_121] : memref<8192x1024xf32, #tpu.memory_space<hbm>> -> memref<32x1024xf32, #tpu.memory_space<hbm>>
    %dma_wait3A_123 = arith.constant 0 : i32
    %dma_wait3A_124 = tpu.memref_slice %arg4[%add3A_90, %dma_wait3A_123] : memref<8192x1024xf32, #tpu.memory_space<hbm>> -> memref<32x1024xf32, #tpu.memory_space<hbm>>
    tpu.wait_dma2 semaphore(%arg13 : memref<!tpu.dma_semaphore, #tpu.memory_space<semaphore_mem>>) src(%arg7 : memref<32x1024xf32, #tpu.memory_space<vmem>>) dst(%dma_wait3A_124 : memref<32x1024xf32, #tpu.memory_space<hbm>>)
    %get3A_125 = arith.constant 160 : index
    %get3A_126 = tpu.vector_load %arg5[%get3A_125] {strides = array<i32>} : memref<256xi32, #tpu.memory_space<vmem>>, vector<16xi32>,
    %swap3A_127 = arith.constant 0 : index
    %swap3A_128 = tpu.vector_load %arg9[%swap3A_127] {strides = array<i32>} : memref<32xi32, #tpu.memory_space<vmem>>, vector<16xi32>,
    tpu.vector_store %arg9[%swap3A_127], %get3A_126 {strides = array<i32>} : memref<32xi32, #tpu.memory_space<vmem>>, vector<16xi32>,
    %get3A_129 = arith.constant 176 : index
    %get3A_130 = tpu.vector_load %arg5[%get3A_129] {strides = array<i32>} : memref<256xi32, #tpu.memory_space<vmem>>, vector<16xi32>,
    %swap3A_131 = arith.constant 16 : index
    %swap3A_132 = tpu.vector_load %arg9[%swap3A_131] {strides = array<i32>} : memref<32xi32, #tpu.memory_space<vmem>>, vector<16xi32>,
    tpu.vector_store %arg9[%swap3A_131], %get3A_130 {strides = array<i32>} : memref<32xi32, #tpu.memory_space<vmem>>, vector<16xi32>,
    %dma_start3A_133 = arith.constant 0 : i32
    %dma_start3A_134 = arith.constant 0 : i32
    %dma_start3A_135 = tpu.memref_slice %arg2[%dma_start3A_133, %dma_start3A_134] : memref<16384x1024xf32, #tpu.memory_space<hbm>> -> memref<16384x1024xf32, #tpu.memory_space<hbm>>
    tpu.enqueue_indirect_dma source(%dma_start3A_135 : memref<16384x1024xf32, #tpu.memory_space<hbm>>) target(%arg7 : memref<32x1024xf32, #tpu.memory_space<vmem>>) offsets(%arg9 : memref<32xi32, #tpu.memory_space<vmem>>) semaphore(%arg11 : memref<!tpu.dma_semaphore, #tpu.memory_space<semaphore_mem>>)
    %dma_wait3A_136 = arith.constant 0 : i32
    %dma_wait3A_137 = arith.constant 0 : i32
    %dma_wait3A_138 = tpu.memref_slice %arg2[%dma_wait3A_136, %dma_wait3A_137] : memref<16384x1024xf32, #tpu.memory_space<hbm>> -> memref<16384x1024xf32, #tpu.memory_space<hbm>>
    tpu.wait_indirect_dma semaphore(%arg11 : memref<!tpu.dma_semaphore, #tpu.memory_space<semaphore_mem>>) src(%dma_wait3A_138 : memref<16384x1024xf32, #tpu.memory_space<hbm>>) dst(%arg7 : memref<32x1024xf32, #tpu.memory_space<vmem>>)
    %mul3A_139 = arith.constant 256 : i32
    %mul3A_140 = arith.muli %add3A, %mul3A_139 : i32
    %add3A_141 = arith.constant 160 : i32
    %add3A_142 = arith.addi %mul3A_140, %add3A_141 : i32
    %dma_start3A_143 = arith.constant 0 : i32
    %dma_start3A_144 = tpu.memref_slice %arg4[%add3A_142, %dma_start3A_143] : memref<8192x1024xf32, #tpu.memory_space<hbm>> -> memref<32x1024xf32, #tpu.memory_space<hbm>>
    %dma_start3A_145 = arith.constant 0 : i32
    %dma_start3A_146 = tpu.memref_slice %arg4[%add3A_142, %dma_start3A_145] : memref<8192x1024xf32, #tpu.memory_space<hbm>> -> memref<32x1024xf32, #tpu.memory_space<hbm>>
    tpu.enqueue_dma source(%arg7 : memref<32x1024xf32, #tpu.memory_space<vmem>>) target(%dma_start3A_146 : memref<32x1024xf32, #tpu.memory_space<hbm>>) target_semaphore(%arg13 : memref<!tpu.dma_semaphore, #tpu.memory_space<semaphore_mem>>)
    %dma_wait3A_147 = arith.constant 0 : i32
    %dma_wait3A_148 = tpu.memref_slice %arg4[%add3A_116, %dma_wait3A_147] : memref<8192x1024xf32, #tpu.memory_space<hbm>> -> memref<32x1024xf32, #tpu.memory_space<hbm>>
    %dma_wait3A_149 = arith.constant 0 : i32
    %dma_wait3A_150 = tpu.memref_slice %arg4[%add3A_116, %dma_wait3A_149] : memref<8192x1024xf32, #tpu.memory_space<hbm>> -> memref<32x1024xf32, #tpu.memory_space<hbm>>
    tpu.wait_dma2 semaphore(%arg12 : memref<!tpu.dma_semaphore, #tpu.memory_space<semaphore_mem>>) src(%arg6 : memref<32x1024xf32, #tpu.memory_space<vmem>>) dst(%dma_wait3A_150 : memref<32x1024xf32, #tpu.memory_space<hbm>>)
    %get3A_151 = arith.constant 192 : index
    %get3A_152 = tpu.vector_load %arg5[%get3A_151] {strides = array<i32>} : memref<256xi32, #tpu.memory_space<vmem>>, vector<16xi32>,
    %swap3A_153 = arith.constant 0 : index
    %swap3A_154 = tpu.vector_load %arg8[%swap3A_153] {strides = array<i32>} : memref<32xi32, #tpu.memory_space<vmem>>, vector<16xi32>,
    tpu.vector_store %arg8[%swap3A_153], %get3A_152 {strides = array<i32>} : memref<32xi32, #tpu.memory_space<vmem>>, vector<16xi32>,
    %get3A_155 = arith.constant 208 : index
    %get3A_156 = tpu.vector_load %arg5[%get3A_155] {strides = array<i32>} : memref<256xi32, #tpu.memory_space<vmem>>, vector<16xi32>,
    %swap3A_157 = arith.constant 16 : index
    %swap3A_158 = tpu.vector_load %arg8[%swap3A_157] {strides = array<i32>} : memref<32xi32, #tpu.memory_space<vmem>>, vector<16xi32>,
    tpu.vector_store %arg8[%swap3A_157], %get3A_156 {strides = array<i32>} : memref<32xi32, #tpu.memory_space<vmem>>, vector<16xi32>,
    %dma_start3A_159 = arith.constant 0 : i32
    %dma_start3A_160 = arith.constant 0 : i32
    %dma_start3A_161 = tpu.memref_slice %arg2[%dma_start3A_159, %dma_start3A_160] : memref<16384x1024xf32, #tpu.memory_space<hbm>> -> memref<16384x1024xf32, #tpu.memory_space<hbm>>
    tpu.enqueue_indirect_dma source(%dma_start3A_161 : memref<16384x1024xf32, #tpu.memory_space<hbm>>) target(%arg6 : memref<32x1024xf32, #tpu.memory_space<vmem>>) offsets(%arg8 : memref<32xi32, #tpu.memory_space<vmem>>) semaphore(%arg10 : memref<!tpu.dma_semaphore, #tpu.memory_space<semaphore_mem>>)
    %dma_wait3A_162 = arith.constant 0 : i32
    %dma_wait3A_163 = arith.constant 0 : i32
    %dma_wait3A_164 = tpu.memref_slice %arg2[%dma_wait3A_162, %dma_wait3A_163] : memref<16384x1024xf32, #tpu.memory_space<hbm>> -> memref<16384x1024xf32, #tpu.memory_space<hbm>>
    tpu.wait_indirect_dma semaphore(%arg10 : memref<!tpu.dma_semaphore, #tpu.memory_space<semaphore_mem>>) src(%dma_wait3A_164 : memref<16384x1024xf32, #tpu.memory_space<hbm>>) dst(%arg6 : memref<32x1024xf32, #tpu.memory_space<vmem>>)
    %mul3A_165 = arith.constant 256 : i32
    %mul3A_166 = arith.muli %add3A, %mul3A_165 : i32
    %add3A_167 = arith.constant 192 : i32
    %add3A_168 = arith.addi %mul3A_166, %add3A_167 : i32
    %dma_start3A_169 = arith.constant 0 : i32
    %dma_start3A_170 = tpu.memref_slice %arg4[%add3A_168, %dma_start3A_169] : memref<8192x1024xf32, #tpu.memory_space<hbm>> -> memref<32x1024xf32, #tpu.memory_space<hbm>>
    %dma_start3A_171 = arith.constant 0 : i32
    %dma_start3A_172 = tpu.memref_slice %arg4[%add3A_168, %dma_start3A_171] : memref<8192x1024xf32, #tpu.memory_space<hbm>> -> memref<32x1024xf32, #tpu.memory_space<hbm>>
    tpu.enqueue_dma source(%arg6 : memref<32x1024xf32, #tpu.memory_space<vmem>>) target(%dma_start3A_172 : memref<32x1024xf32, #tpu.memory_space<hbm>>) target_semaphore(%arg12 : memref<!tpu.dma_semaphore, #tpu.memory_space<semaphore_mem>>)
    %dma_wait3A_173 = arith.constant 0 : i32
    %dma_wait3A_174 = tpu.memref_slice %arg4[%add3A_142, %dma_wait3A_173] : memref<8192x1024xf32, #tpu.memory_space<hbm>> -> memref<32x1024xf32, #tpu.memory_space<hbm>>
    %dma_wait3A_175 = arith.constant 0 : i32
    %dma_wait3A_176 = tpu.memref_slice %arg4[%add3A_142, %dma_wait3A_175] : memref<8192x1024xf32, #tpu.memory_space<hbm>> -> memref<32x1024xf32, #tpu.memory_space<hbm>>
    tpu.wait_dma2 semaphore(%arg13 : memref<!tpu.dma_semaphore, #tpu.memory_space<semaphore_mem>>) src(%arg7 : memref<32x1024xf32, #tpu.memory_space<vmem>>) dst(%dma_wait3A_176 : memref<32x1024xf32, #tpu.memory_space<hbm>>)
    %get3A_177 = arith.constant 224 : index
    %get3A_178 = tpu.vector_load %arg5[%get3A_177] {strides = array<i32>} : memref<256xi32, #tpu.memory_space<vmem>>, vector<16xi32>,
    %swap3A_179 = arith.constant 0 : index
    %swap3A_180 = tpu.vector_load %arg9[%swap3A_179] {strides = array<i32>} : memref<32xi32, #tpu.memory_space<vmem>>, vector<16xi32>,
    tpu.vector_store %arg9[%swap3A_179], %get3A_178 {strides = array<i32>} : memref<32xi32, #tpu.memory_space<vmem>>, vector<16xi32>,
    %get3A_181 = arith.constant 240 : index
    %get3A_182 = tpu.vector_load %arg5[%get3A_181] {strides = array<i32>} : memref<256xi32, #tpu.memory_space<vmem>>, vector<16xi32>,
    %swap3A_183 = arith.constant 16 : index
    %swap3A_184 = tpu.vector_load %arg9[%swap3A_183] {strides = array<i32>} : memref<32xi32, #tpu.memory_space<vmem>>, vector<16xi32>,
    tpu.vector_store %arg9[%swap3A_183], %get3A_182 {strides = array<i32>} : memref<32xi32, #tpu.memory_space<vmem>>, vector<16xi32>,
    %dma_start3A_185 = arith.constant 0 : i32
    %dma_start3A_186 = arith.constant 0 : i32
    %dma_start3A_187 = tpu.memref_slice %arg2[%dma_start3A_185, %dma_start3A_186] : memref<16384x1024xf32, #tpu.memory_space<hbm>> -> memref<16384x1024xf32, #tpu.memory_space<hbm>>
    tpu.enqueue_indirect_dma source(%dma_start3A_187 : memref<16384x1024xf32, #tpu.memory_space<hbm>>) target(%arg7 : memref<32x1024xf32, #tpu.memory_space<vmem>>) offsets(%arg9 : memref<32xi32, #tpu.memory_space<vmem>>) semaphore(%arg11 : memref<!tpu.dma_semaphore, #tpu.memory_space<semaphore_mem>>)
    %dma_wait3A_188 = arith.constant 0 : i32
    %dma_wait3A_189 = arith.constant 0 : i32
    %dma_wait3A_190 = tpu.memref_slice %arg2[%dma_wait3A_188, %dma_wait3A_189] : memref<16384x1024xf32, #tpu.memory_space<hbm>> -> memref<16384x1024xf32, #tpu.memory_space<hbm>>
    tpu.wait_indirect_dma semaphore(%arg11 : memref<!tpu.dma_semaphore, #tpu.memory_space<semaphore_mem>>) src(%dma_wait3A_190 : memref<16384x1024xf32, #tpu.memory_space<hbm>>) dst(%arg7 : memref<32x1024xf32, #tpu.memory_space<vmem>>)
    %mul3A_191 = arith.constant 256 : i32
    %mul3A_192 = arith.muli %add3A, %mul3A_191 : i32
    %add3A_193 = arith.constant 224 : i32
    %add3A_194 = arith.addi %mul3A_192, %add3A_193 : i32
    %dma_start3A_195 = arith.constant 0 : i32
    %dma_start3A_196 = tpu.memref_slice %arg4[%add3A_194, %dma_start3A_195] : memref<8192x1024xf32, #tpu.memory_space<hbm>> -> memref<32x1024xf32, #tpu.memory_space<hbm>>
    %dma_start3A_197 = arith.constant 0 : i32
    %dma_start3A_198 = tpu.memref_slice %arg4[%add3A_194, %dma_start3A_197] : memref<8192x1024xf32, #tpu.memory_space<hbm>> -> memref<32x1024xf32, #tpu.memory_space<hbm>>
    tpu.enqueue_dma source(%arg7 : memref<32x1024xf32, #tpu.memory_space<vmem>>) target(%dma_start3A_198 : memref<32x1024xf32, #tpu.memory_space<hbm>>) target_semaphore(%arg13 : memref<!tpu.dma_semaphore, #tpu.memory_space<semaphore_mem>>)
    %dma_wait3A_199 = arith.constant 0 : i32
    %dma_wait3A_200 = tpu.memref_slice %arg4[%add3A_168, %dma_wait3A_199] : memref<8192x1024xf32, #tpu.memory_space<hbm>> -> memref<32x1024xf32, #tpu.memory_space<hbm>>
    %dma_wait3A_201 = arith.constant 0 : i32
    %dma_wait3A_202 = tpu.memref_slice %arg4[%add3A_168, %dma_wait3A_201] : memref<8192x1024xf32, #tpu.memory_space<hbm>> -> memref<32x1024xf32, #tpu.memory_space<hbm>>
    tpu.wait_dma2 semaphore(%arg12 : memref<!tpu.dma_semaphore, #tpu.memory_space<semaphore_mem>>) src(%arg6 : memref<32x1024xf32, #tpu.memory_space<vmem>>) dst(%dma_wait3A_202 : memref<32x1024xf32, #tpu.memory_space<hbm>>)
    %dma_wait3A_203 = arith.constant 0 : i32
    %dma_wait3A_204 = tpu.memref_slice %arg4[%add3A_194, %dma_wait3A_203] : memref<8192x1024xf32, #tpu.memory_space<hbm>> -> memref<32x1024xf32, #tpu.memory_space<hbm>>
    %dma_wait3A_205 = arith.constant 0 : i32
    %dma_wait3A_206 = tpu.memref_slice %arg4[%add3A_194, %dma_wait3A_205] : memref<8192x1024xf32, #tpu.memory_space<hbm>> -> memref<32x1024xf32, #tpu.memory_space<hbm>>
    tpu.wait_dma2 semaphore(%arg13 : memref<!tpu.dma_semaphore, #tpu.memory_space<semaphore_mem>>) src(%arg7 : memref<32x1024xf32, #tpu.memory_space<vmem>>) dst(%dma_wait3A_206 : memref<32x1024xf32, #tpu.memory_space<hbm>>)
    return
  }
}

#map = affine_map<(d0, d1) -> (0)>
#map1 = affine_map<(d0, d1) -> (0, 0)>
module attributes {stable_mosaic.version = 14 : i64} {
  func.func @k2(%arg0: i32, %arg1: i32, %arg2: memref<8192xi32, #tpu.memory_space<hbm>>, %arg3: memref<4096x1024xf32, #tpu.memory_space<hbm>>, %arg4: memref<32x16xi32, #tpu.memory_space<hbm>>, %arg5: memref<8192xi32, #tpu.memory_space<hbm>>, %arg6: memref<16384x1024xf32, #tpu.memory_space<hbm>>, %arg7: memref<32xi32, #tpu.memory_space<hbm>>, %arg8: memref<32xi32, #tpu.memory_space<hbm>>, %arg9: memref<32xi32, #tpu.memory_space<hbm>>, %arg10: memref<256xi32, #tpu.memory_space<vmem>>, %arg11: memref<256xi32, #tpu.memory_space<vmem>>, %arg12: memref<32x16xi32, #tpu.memory_space<vmem>>, %arg13: memref<64x1024xf32, #tpu.memory_space<vmem>>, %arg14: memref<64xi32, #tpu.memory_space<vmem>>, %arg15: memref<64xi32, #tpu.memory_space<vmem>>, %arg16: memref<32xi32, #tpu.memory_space<vmem>>, %arg17: memref<32xi32, #tpu.memory_space<vmem>>, %arg18: memref<32xi32, #tpu.memory_space<vmem>>, %arg19: memref<!tpu.dma_semaphore, #tpu.memory_space<semaphore_mem>>, %arg20: memref<!tpu.dma_semaphore, #tpu.memory_space<semaphore_mem>>) attributes {dimension_semantics = [#tpu.dimension_semantics<core_parallel>, #tpu.dimension_semantics<subcore_parallel>], iteration_bounds = array<i64: 2, 16>, scalar_prefetch = 0 : i64, scratch_operands = 11 : i64, tpu.core_type = #tpu.core_type<sc_vector_subcore>, window_params = [{transform_indices = #map}, {transform_indices = #map1}, {transform_indices = #map1}, {transform_indices = #map}, {transform_indices = #map1}, {transform_indices = #map}, {transform_indices = #map}, {transform_indices = #map}]} {
    %mul3A = arith.constant 16 : i32
    %mul3A_0 = arith.muli %arg0, %mul3A : i32
    %add3A = arith.addi %mul3A_0, %arg1 : i32
    %iota3A = tpu.iota {dimensions = array<i32: 0>} : vector<16xi32>
    %broadcast_in_dim3A = arith.constant 0 : i32
    %broadcast_in_dim3A_1 = vector.broadcast %broadcast_in_dim3A : i32 to vector<16xi32>
    %mul3A_2 = arith.constant 256 : i32
    %mul3A_3 = arith.muli %add3A, %mul3A_2 : i32
    "tpu.region"() ({
      %run_scoped3A = tpu.sem_alloc : memref<!tpu.dma_semaphore, #tpu.memory_space<semaphore_mem>>
      %dma_start3A_225 = tpu.memref_slice %arg2[%mul3A_3] : memref<8192xi32, #tpu.memory_space<hbm>> -> memref<256xi32, #tpu.memory_space<hbm>>
      %dma_start3A_226 = tpu.memref_slice %arg2[%mul3A_3] : memref<8192xi32, #tpu.memory_space<hbm>> -> memref<256xi32, #tpu.memory_space<hbm>>
      tpu.enqueue_dma source(%dma_start3A_226 : memref<256xi32, #tpu.memory_space<hbm>>) target(%arg10 : memref<256xi32, #tpu.memory_space<vmem>>) target_semaphore(%run_scoped3A : memref<!tpu.dma_semaphore, #tpu.memory_space<semaphore_mem>>)
      %dma_wait3A_227 = tpu.memref_slice %arg2[%mul3A_3] : memref<8192xi32, #tpu.memory_space<hbm>> -> memref<256xi32, #tpu.memory_space<hbm>>
      %dma_wait3A_228 = tpu.memref_slice %arg2[%mul3A_3] : memref<8192xi32, #tpu.memory_space<hbm>> -> memref<256xi32, #tpu.memory_space<hbm>>
      tpu.wait_dma2 semaphore(%run_scoped3A : memref<!tpu.dma_semaphore, #tpu.memory_space<semaphore_mem>>) src(%dma_wait3A_228 : memref<256xi32, #tpu.memory_space<hbm>>) dst(%arg10 : memref<256xi32, #tpu.memory_space<vmem>>)
      tpu.yield
    }) : () -> ()
    "tpu.region"() ({
      %run_scoped3A = tpu.sem_alloc : memref<!tpu.dma_semaphore, #tpu.memory_space<semaphore_mem>>
      tpu.enqueue_dma source(%arg4 : memref<32x16xi32, #tpu.memory_space<hbm>>) target(%arg12 : memref<32x16xi32, #tpu.memory_space<vmem>>) target_semaphore(%run_scoped3A : memref<!tpu.dma_semaphore, #tpu.memory_space<semaphore_mem>>)
      tpu.wait_dma2 semaphore(%run_scoped3A : memref<!tpu.dma_semaphore, #tpu.memory_space<semaphore_mem>>) src(%arg4 : memref<32x16xi32, #tpu.memory_space<hbm>>) dst(%arg12 : memref<32x16xi32, #tpu.memory_space<vmem>>)
      tpu.yield
    }) : () -> ()
    %scan3A = arith.constant 0 : i32
    %scan3A_4 = arith.constant 32 : i32
    %scan3A_5 = arith.addi %scan3A, %scan3A_4 : i32
    %scan3A_6 = arith.constant 1 : i32
    %scan3A_7:2 = scf.for %scan3A_225 = %scan3A to %scan3A_5 step %scan3A_6 iter_args(%scan3A_226 = %broadcast_in_dim3A_1, %scan3A_227 = %broadcast_in_dim3A_1) -> (vector<16xi32>, vector<16xi32>)  : i32 {
      %get3A = arith.index_cast %scan3A_225 : i32 to index
      %get3A_228 = arith.constant 0 : index
      %get3A_229 = tpu.vector_load %arg12[%get3A, %get3A_228] {strides = array<i32>} : memref<32x16xi32, #tpu.memory_space<vmem>>, vector<16xi32>,
      %broadcast_in_dim3A_230 = vector.broadcast %scan3A_225 : i32 to vector<16xi32>
      %broadcast_in_dim3A_231 = vector.broadcast %add3A : i32 to vector<16xi32>
      %lt3A = arith.cmpi slt, %broadcast_in_dim3A_230, %broadcast_in_dim3A_231 : vector<16xi32>
      %add3A_232 = arith.addi %scan3A_226, %get3A_229 : vector<16xi32>
      %select_n3A_233 = arith.select %lt3A, %get3A_229, %broadcast_in_dim3A_1 : vector<16xi1>, vector<16xi32>
      %add3A_234 = arith.addi %scan3A_227, %select_n3A_233 : vector<16xi32>
      scf.yield %add3A_232, %add3A_234 : vector<16xi32>, vector<16xi32>
    }
    %scan3A_8 = arith.constant 32 : i32
    %add3A_9 = arith.constant 511 : i32
    %add3A_10 = vector.broadcast %add3A_9 : i32 to vector<16xi32>
    %add3A_11 = arith.addi %scan3A_7#0, %add3A_10 : vector<16xi32>
    %jit3A = arith.constant 512 : i32
    %div3A = vector.broadcast %jit3A : i32 to vector<16xi32>
    %div3A_12 = arith.divsi %add3A_11, %div3A : vector<16xi32>
    %sign3A = arith.constant 0 : i32
    %sign3A_13 = vector.broadcast %sign3A : i32 to vector<16xi32>
    %sign3A_14 = arith.cmpi sgt, %add3A_11, %sign3A_13 : vector<16xi32>
    %sign3A_15 = arith.extui %sign3A_14 : vector<16xi1> to vector<16xi32>
    %sign3A_16 = arith.constant 0 : i32
    %sign3A_17 = vector.broadcast %sign3A_16 : i32 to vector<16xi32>
    %sign3A_18 = arith.cmpi slt, %add3A_11, %sign3A_17 : vector<16xi32>
    %sign3A_19 = arith.extui %sign3A_18 : vector<16xi1> to vector<16xi32>
    %sign3A_20 = arith.subi %sign3A_15, %sign3A_19 : vector<16xi32>
    %sign3A_21 = arith.constant 0 : i32
    %sign3A_22 = arith.cmpi sgt, %jit3A, %sign3A_21 : i32
    %sign3A_23 = arith.extui %sign3A_22 : i1 to i32
    %sign3A_24 = arith.constant 0 : i32
    %sign3A_25 = arith.cmpi slt, %jit3A, %sign3A_24 : i32
    %sign3A_26 = arith.extui %sign3A_25 : i1 to i32
    %sign3A_27 = arith.subi %sign3A_23, %sign3A_26 : i32
    %ne3A = vector.broadcast %sign3A_27 : i32 to vector<16xi32>
    %ne3A_28 = arith.cmpi ne, %sign3A_20, %ne3A : vector<16xi32>
    %rem3A = vector.broadcast %jit3A : i32 to vector<16xi32>
    %rem3A_29 = arith.remsi %add3A_11, %rem3A : vector<16xi32>
    %ne3A_30 = arith.constant 0 : i32
    %ne3A_31 = vector.broadcast %ne3A_30 : i32 to vector<16xi32>
    %ne3A_32 = arith.cmpi ne, %rem3A_29, %ne3A_31 : vector<16xi32>
    %and3A = arith.andi %ne3A_28, %ne3A_32 : vector<16xi1>
    %sub3A = arith.constant 1 : i32
    %sub3A_33 = vector.broadcast %sub3A : i32 to vector<16xi32>
    %sub3A_34 = arith.subi %div3A_12, %sub3A_33 : vector<16xi32>
    %select_n3A = arith.select %and3A, %sub3A_34, %div3A_12 : vector<16xi1>, vector<16xi32>
    %broadcast_in_dim3A_35 = arith.constant true
    %broadcast_in_dim3A_36 = vector.broadcast %broadcast_in_dim3A_35 : i1 to vector<16xi1>
    %masked_cumsum3A = tpu.scan <sum>, %select_n3A masked %broadcast_in_dim3A_36 : vector<16xi32>, vector<16xi1> -> vector<16xi32>
    %sub3A_37 = arith.subi %masked_cumsum3A, %select_n3A : vector<16xi32>
    %mul3A_38 = arith.constant 512 : i32
    %mul3A_39 = vector.broadcast %mul3A_38 : i32 to vector<16xi32>
    %mul3A_40 = arith.muli %sub3A_37, %mul3A_39 : vector<16xi32>
    %add3A_41 = arith.addi %mul3A_40, %scan3A_7#1 : vector<16xi32>
    %scan3A_42 = arith.constant 0 : i32
    %scan3A_43 = arith.constant 16 : i32
    %scan3A_44 = arith.addi %scan3A_42, %scan3A_43 : i32
    %scan3A_45 = arith.constant 1 : i32
    %scan3A_46 = scf.for %scan3A_225 = %scan3A_42 to %scan3A_44 step %scan3A_45 iter_args(%scan3A_226 = %add3A_41) -> (vector<16xi32>)  : i32 {
      %mul3A_227 = arith.constant 16 : i32
      %mul3A_228 = arith.muli %scan3A_225, %mul3A_227 : i32
      %get3A = arith.index_cast %mul3A_228 : i32 to index
      %get3A_229 = tpu.vector_load %arg10[%get3A] {strides = array<i32>} : memref<256xi32, #tpu.memory_space<vmem>>, vector<16xi32>,
      %lt3A = arith.constant 0 : i32
      %lt3A_230 = vector.broadcast %lt3A : i32 to vector<16xi32>
      %lt3A_231 = arith.cmpi slt, %get3A_229, %lt3A_230 : vector<16xi32>
      %add3A_232 = arith.constant 16 : i32
      %add3A_233 = vector.broadcast %add3A_232 : i32 to vector<16xi32>
      %add3A_234 = arith.addi %get3A_229, %add3A_233 : vector<16xi32>
      %select_n3A_235 = arith.select %lt3A_231, %add3A_234, %get3A_229 : vector<16xi1>, vector<16xi32>
      %broadcast_in_dim3A_236 = vector.shape_cast %select_n3A_235 : vector<16xi32> to vector<16x1xi32>
      %gather3A_237 = vector.shape_cast %broadcast_in_dim3A_236 : vector<16x1xi32> to vector<16xi32>
      %gather3A_238 = tpu.dynamic_gather %scan3A_226[%gather3A_237] in [0] : vector<16xi32>, vector<16xi32> -> vector<16xi32>
      %eq3A_239 = arith.constant 0 : i32
      %eq3A_240 = vector.broadcast %eq3A_239 : i32 to vector<16xi32>
      %eq3A_241 = arith.cmpi eq, %get3A_229, %eq3A_240 : vector<16xi32>
      %convert_element_type3A_242 = arith.extui %eq3A_241 : vector<16xi1> to vector<16xi32>
      %broadcast_in_dim3A_243 = arith.constant true
      %broadcast_in_dim3A_244 = vector.broadcast %broadcast_in_dim3A_243 : i1 to vector<16xi1>
      %masked_cumsum3A_245 = tpu.scan <sum>, %convert_element_type3A_242 masked %broadcast_in_dim3A_244 : vector<16xi32>, vector<16xi1> -> vector<16xi32>
      %sub3A_246 = arith.constant 1 : i32
      %sub3A_247 = vector.broadcast %sub3A_246 : i32 to vector<16xi32>
      %sub3A_248 = arith.subi %masked_cumsum3A_245, %sub3A_247 : vector<16xi32>
      %select_n3A_249 = arith.select %eq3A_241, %sub3A_248, %broadcast_in_dim3A_1 : vector<16xi1>, vector<16xi32>
      %reduce_sum3A = arith.constant true
      %reduce_sum3A_250 = vector.broadcast %reduce_sum3A : i1 to vector<16xi1>
      %reduce_sum3A_251 = tpu.scan <sum>, %convert_element_type3A_242 masked %reduce_sum3A_250 : vector<16xi32>, vector<16xi1> -> vector<16xi32>
      %reduce_sum3A_252 = vector.extract %reduce_sum3A_251[15] : i32 from vector<16xi32>
      %eq3A_253 = arith.constant 0 : i32
      %eq3A_254 = vector.broadcast %eq3A_253 : i32 to vector<16xi32>
      %eq3A_255 = arith.cmpi eq, %iota3A, %eq3A_254 : vector<16xi32>
      %add3A_256 = vector.broadcast %reduce_sum3A_252 : i32 to vector<16xi32>
      %add3A_257 = arith.addi %scan3A_226, %add3A_256 : vector<16xi32>
      %select_n3A_258 = arith.select %eq3A_255, %add3A_257, %scan3A_226 : vector<16xi1>, vector<16xi32>
      %eq3A_259 = arith.constant 1 : i32
      %eq3A_260 = vector.broadcast %eq3A_259 : i32 to vector<16xi32>
      %eq3A_261 = arith.cmpi eq, %get3A_229, %eq3A_260 : vector<16xi32>
      %convert_element_type3A_262 = arith.extui %eq3A_261 : vector<16xi1> to vector<16xi32>
      %broadcast_in_dim3A_263 = arith.constant true
      %broadcast_in_dim3A_264 = vector.broadcast %broadcast_in_dim3A_263 : i1 to vector<16xi1>
      %masked_cumsum3A_265 = tpu.scan <sum>, %convert_element_type3A_262 masked %broadcast_in_dim3A_264 : vector<16xi32>, vector<16xi1> -> vector<16xi32>
      %sub3A_266 = arith.constant 1 : i32
      %sub3A_267 = vector.broadcast %sub3A_266 : i32 to vector<16xi32>
      %sub3A_268 = arith.subi %masked_cumsum3A_265, %sub3A_267 : vector<16xi32>
      %select_n3A_269 = arith.select %eq3A_261, %sub3A_268, %select_n3A_249 : vector<16xi1>, vector<16xi32>
      %reduce_sum3A_270 = arith.constant true
      %reduce_sum3A_271 = vector.broadcast %reduce_sum3A_270 : i1 to vector<16xi1>
      %reduce_sum3A_272 = tpu.scan <sum>, %convert_element_type3A_262 masked %reduce_sum3A_271 : vector<16xi32>, vector<16xi1> -> vector<16xi32>
      %reduce_sum3A_273 = vector.extract %reduce_sum3A_272[15] : i32 from vector<16xi32>
      %eq3A_274 = arith.constant 1 : i32
      %eq3A_275 = vector.broadcast %eq3A_274 : i32 to vector<16xi32>
      %eq3A_276 = arith.cmpi eq, %iota3A, %eq3A_275 : vector<16xi32>
      %add3A_277 = vector.broadcast %reduce_sum3A_273 : i32 to vector<16xi32>
      %add3A_278 = arith.addi %select_n3A_258, %add3A_277 : vector<16xi32>
      %select_n3A_279 = arith.select %eq3A_276, %add3A_278, %select_n3A_258 : vector<16xi1>, vector<16xi32>
      %eq3A_280 = arith.constant 2 : i32
      %eq3A_281 = vector.broadcast %eq3A_280 : i32 to vector<16xi32>
      %eq3A_282 = arith.cmpi eq, %get3A_229, %eq3A_281 : vector<16xi32>
      %convert_element_type3A_283 = arith.extui %eq3A_282 : vector<16xi1> to vector<16xi32>
      %broadcast_in_dim3A_284 = arith.constant true
      %broadcast_in_dim3A_285 = vector.broadcast %broadcast_in_dim3A_284 : i1 to vector<16xi1>
      %masked_cumsum3A_286 = tpu.scan <sum>, %convert_element_type3A_283 masked %broadcast_in_dim3A_285 : vector<16xi32>, vector<16xi1> -> vector<16xi32>
      %sub3A_287 = arith.constant 1 : i32
      %sub3A_288 = vector.broadcast %sub3A_287 : i32 to vector<16xi32>
      %sub3A_289 = arith.subi %masked_cumsum3A_286, %sub3A_288 : vector<16xi32>
      %select_n3A_290 = arith.select %eq3A_282, %sub3A_289, %select_n3A_269 : vector<16xi1>, vector<16xi32>
      %reduce_sum3A_291 = arith.constant true
      %reduce_sum3A_292 = vector.broadcast %reduce_sum3A_291 : i1 to vector<16xi1>
      %reduce_sum3A_293 = tpu.scan <sum>, %convert_element_type3A_283 masked %reduce_sum3A_292 : vector<16xi32>, vector<16xi1> -> vector<16xi32>
      %reduce_sum3A_294 = vector.extract %reduce_sum3A_293[15] : i32 from vector<16xi32>
      %eq3A_295 = arith.constant 2 : i32
      %eq3A_296 = vector.broadcast %eq3A_295 : i32 to vector<16xi32>
      %eq3A_297 = arith.cmpi eq, %iota3A, %eq3A_296 : vector<16xi32>
      %add3A_298 = vector.broadcast %reduce_sum3A_294 : i32 to vector<16xi32>
      %add3A_299 = arith.addi %select_n3A_279, %add3A_298 : vector<16xi32>
      %select_n3A_300 = arith.select %eq3A_297, %add3A_299, %select_n3A_279 : vector<16xi1>, vector<16xi32>
      %eq3A_301 = arith.constant 3 : i32
      %eq3A_302 = vector.broadcast %eq3A_301 : i32 to vector<16xi32>
      %eq3A_303 = arith.cmpi eq, %get3A_229, %eq3A_302 : vector<16xi32>
      %convert_element_type3A_304 = arith.extui %eq3A_303 : vector<16xi1> to vector<16xi32>
      %broadcast_in_dim3A_305 = arith.constant true
      %broadcast_in_dim3A_306 = vector.broadcast %broadcast_in_dim3A_305 : i1 to vector<16xi1>
      %masked_cumsum3A_307 = tpu.scan <sum>, %convert_element_type3A_304 masked %broadcast_in_dim3A_306 : vector<16xi32>, vector<16xi1> -> vector<16xi32>
      %sub3A_308 = arith.constant 1 : i32
      %sub3A_309 = vector.broadcast %sub3A_308 : i32 to vector<16xi32>
      %sub3A_310 = arith.subi %masked_cumsum3A_307, %sub3A_309 : vector<16xi32>
      %select_n3A_311 = arith.select %eq3A_303, %sub3A_310, %select_n3A_290 : vector<16xi1>, vector<16xi32>
      %reduce_sum3A_312 = arith.constant true
      %reduce_sum3A_313 = vector.broadcast %reduce_sum3A_312 : i1 to vector<16xi1>
      %reduce_sum3A_314 = tpu.scan <sum>, %convert_element_type3A_304 masked %reduce_sum3A_313 : vector<16xi32>, vector<16xi1> -> vector<16xi32>
      %reduce_sum3A_315 = vector.extract %reduce_sum3A_314[15] : i32 from vector<16xi32>
      %eq3A_316 = arith.constant 3 : i32
      %eq3A_317 = vector.broadcast %eq3A_316 : i32 to vector<16xi32>
      %eq3A_318 = arith.cmpi eq, %iota3A, %eq3A_317 : vector<16xi32>
      %add3A_319 = vector.broadcast %reduce_sum3A_315 : i32 to vector<16xi32>
      %add3A_320 = arith.addi %select_n3A_300, %add3A_319 : vector<16xi32>
      %select_n3A_321 = arith.select %eq3A_318, %add3A_320, %select_n3A_300 : vector<16xi1>, vector<16xi32>
      %eq3A_322 = arith.constant 4 : i32
      %eq3A_323 = vector.broadcast %eq3A_322 : i32 to vector<16xi32>
      %eq3A_324 = arith.cmpi eq, %get3A_229, %eq3A_323 : vector<16xi32>
      %convert_element_type3A_325 = arith.extui %eq3A_324 : vector<16xi1> to vector<16xi32>
      %broadcast_in_dim3A_326 = arith.constant true
      %broadcast_in_dim3A_327 = vector.broadcast %broadcast_in_dim3A_326 : i1 to vector<16xi1>
      %masked_cumsum3A_328 = tpu.scan <sum>, %convert_element_type3A_325 masked %broadcast_in_dim3A_327 : vector<16xi32>, vector<16xi1> -> vector<16xi32>
      %sub3A_329 = arith.constant 1 : i32
      %sub3A_330 = vector.broadcast %sub3A_329 : i32 to vector<16xi32>
      %sub3A_331 = arith.subi %masked_cumsum3A_328, %sub3A_330 : vector<16xi32>
      %select_n3A_332 = arith.select %eq3A_324, %sub3A_331, %select_n3A_311 : vector<16xi1>, vector<16xi32>
      %reduce_sum3A_333 = arith.constant true
      %reduce_sum3A_334 = vector.broadcast %reduce_sum3A_333 : i1 to vector<16xi1>
      %reduce_sum3A_335 = tpu.scan <sum>, %convert_element_type3A_325 masked %reduce_sum3A_334 : vector<16xi32>, vector<16xi1> -> vector<16xi32>
      %reduce_sum3A_336 = vector.extract %reduce_sum3A_335[15] : i32 from vector<16xi32>
      %eq3A_337 = arith.constant 4 : i32
      %eq3A_338 = vector.broadcast %eq3A_337 : i32 to vector<16xi32>
      %eq3A_339 = arith.cmpi eq, %iota3A, %eq3A_338 : vector<16xi32>
      %add3A_340 = vector.broadcast %reduce_sum3A_336 : i32 to vector<16xi32>
      %add3A_341 = arith.addi %select_n3A_321, %add3A_340 : vector<16xi32>
      %select_n3A_342 = arith.select %eq3A_339, %add3A_341, %select_n3A_321 : vector<16xi1>, vector<16xi32>
      %eq3A_343 = arith.constant 5 : i32
      %eq3A_344 = vector.broadcast %eq3A_343 : i32 to vector<16xi32>
      %eq3A_345 = arith.cmpi eq, %get3A_229, %eq3A_344 : vector<16xi32>
      %convert_element_type3A_346 = arith.extui %eq3A_345 : vector<16xi1> to vector<16xi32>
      %broadcast_in_dim3A_347 = arith.constant true
      %broadcast_in_dim3A_348 = vector.broadcast %broadcast_in_dim3A_347 : i1 to vector<16xi1>
      %masked_cumsum3A_349 = tpu.scan <sum>, %convert_element_type3A_346 masked %broadcast_in_dim3A_348 : vector<16xi32>, vector<16xi1> -> vector<16xi32>
      %sub3A_350 = arith.constant 1 : i32
      %sub3A_351 = vector.broadcast %sub3A_350 : i32 to vector<16xi32>
      %sub3A_352 = arith.subi %masked_cumsum3A_349, %sub3A_351 : vector<16xi32>
      %select_n3A_353 = arith.select %eq3A_345, %sub3A_352, %select_n3A_332 : vector<16xi1>, vector<16xi32>
      %reduce_sum3A_354 = arith.constant true
      %reduce_sum3A_355 = vector.broadcast %reduce_sum3A_354 : i1 to vector<16xi1>
      %reduce_sum3A_356 = tpu.scan <sum>, %convert_element_type3A_346 masked %reduce_sum3A_355 : vector<16xi32>, vector<16xi1> -> vector<16xi32>
      %reduce_sum3A_357 = vector.extract %reduce_sum3A_356[15] : i32 from vector<16xi32>
      %eq3A_358 = arith.constant 5 : i32
      %eq3A_359 = vector.broadcast %eq3A_358 : i32 to vector<16xi32>
      %eq3A_360 = arith.cmpi eq, %iota3A, %eq3A_359 : vector<16xi32>
      %add3A_361 = vector.broadcast %reduce_sum3A_357 : i32 to vector<16xi32>
      %add3A_362 = arith.addi %select_n3A_342, %add3A_361 : vector<16xi32>
      %select_n3A_363 = arith.select %eq3A_360, %add3A_362, %select_n3A_342 : vector<16xi1>, vector<16xi32>
      %eq3A_364 = arith.constant 6 : i32
      %eq3A_365 = vector.broadcast %eq3A_364 : i32 to vector<16xi32>
      %eq3A_366 = arith.cmpi eq, %get3A_229, %eq3A_365 : vector<16xi32>
      %convert_element_type3A_367 = arith.extui %eq3A_366 : vector<16xi1> to vector<16xi32>
      %broadcast_in_dim3A_368 = arith.constant true
      %broadcast_in_dim3A_369 = vector.broadcast %broadcast_in_dim3A_368 : i1 to vector<16xi1>
      %masked_cumsum3A_370 = tpu.scan <sum>, %convert_element_type3A_367 masked %broadcast_in_dim3A_369 : vector<16xi32>, vector<16xi1> -> vector<16xi32>
      %sub3A_371 = arith.constant 1 : i32
      %sub3A_372 = vector.broadcast %sub3A_371 : i32 to vector<16xi32>
      %sub3A_373 = arith.subi %masked_cumsum3A_370, %sub3A_372 : vector<16xi32>
      %select_n3A_374 = arith.select %eq3A_366, %sub3A_373, %select_n3A_353 : vector<16xi1>, vector<16xi32>
      %reduce_sum3A_375 = arith.constant true
      %reduce_sum3A_376 = vector.broadcast %reduce_sum3A_375 : i1 to vector<16xi1>
      %reduce_sum3A_377 = tpu.scan <sum>, %convert_element_type3A_367 masked %reduce_sum3A_376 : vector<16xi32>, vector<16xi1> -> vector<16xi32>
      %reduce_sum3A_378 = vector.extract %reduce_sum3A_377[15] : i32 from vector<16xi32>
      %eq3A_379 = arith.constant 6 : i32
      %eq3A_380 = vector.broadcast %eq3A_379 : i32 to vector<16xi32>
      %eq3A_381 = arith.cmpi eq, %iota3A, %eq3A_380 : vector<16xi32>
      %add3A_382 = vector.broadcast %reduce_sum3A_378 : i32 to vector<16xi32>
      %add3A_383 = arith.addi %select_n3A_363, %add3A_382 : vector<16xi32>
      %select_n3A_384 = arith.select %eq3A_381, %add3A_383, %select_n3A_363 : vector<16xi1>, vector<16xi32>
      %eq3A_385 = arith.constant 7 : i32
      %eq3A_386 = vector.broadcast %eq3A_385 : i32 to vector<16xi32>
      %eq3A_387 = arith.cmpi eq, %get3A_229, %eq3A_386 : vector<16xi32>
      %convert_element_type3A_388 = arith.extui %eq3A_387 : vector<16xi1> to vector<16xi32>
      %broadcast_in_dim3A_389 = arith.constant true
      %broadcast_in_dim3A_390 = vector.broadcast %broadcast_in_dim3A_389 : i1 to vector<16xi1>
      %masked_cumsum3A_391 = tpu.scan <sum>, %convert_element_type3A_388 masked %broadcast_in_dim3A_390 : vector<16xi32>, vector<16xi1> -> vector<16xi32>
      %sub3A_392 = arith.constant 1 : i32
      %sub3A_393 = vector.broadcast %sub3A_392 : i32 to vector<16xi32>
      %sub3A_394 = arith.subi %masked_cumsum3A_391, %sub3A_393 : vector<16xi32>
      %select_n3A_395 = arith.select %eq3A_387, %sub3A_394, %select_n3A_374 : vector<16xi1>, vector<16xi32>
      %reduce_sum3A_396 = arith.constant true
      %reduce_sum3A_397 = vector.broadcast %reduce_sum3A_396 : i1 to vector<16xi1>
      %reduce_sum3A_398 = tpu.scan <sum>, %convert_element_type3A_388 masked %reduce_sum3A_397 : vector<16xi32>, vector<16xi1> -> vector<16xi32>
      %reduce_sum3A_399 = vector.extract %reduce_sum3A_398[15] : i32 from vector<16xi32>
      %eq3A_400 = arith.constant 7 : i32
      %eq3A_401 = vector.broadcast %eq3A_400 : i32 to vector<16xi32>
      %eq3A_402 = arith.cmpi eq, %iota3A, %eq3A_401 : vector<16xi32>
      %add3A_403 = vector.broadcast %reduce_sum3A_399 : i32 to vector<16xi32>
      %add3A_404 = arith.addi %select_n3A_384, %add3A_403 : vector<16xi32>
      %select_n3A_405 = arith.select %eq3A_402, %add3A_404, %select_n3A_384 : vector<16xi1>, vector<16xi32>
      %eq3A_406 = arith.constant 8 : i32
      %eq3A_407 = vector.broadcast %eq3A_406 : i32 to vector<16xi32>
      %eq3A_408 = arith.cmpi eq, %get3A_229, %eq3A_407 : vector<16xi32>
      %convert_element_type3A_409 = arith.extui %eq3A_408 : vector<16xi1> to vector<16xi32>
      %broadcast_in_dim3A_410 = arith.constant true
      %broadcast_in_dim3A_411 = vector.broadcast %broadcast_in_dim3A_410 : i1 to vector<16xi1>
      %masked_cumsum3A_412 = tpu.scan <sum>, %convert_element_type3A_409 masked %broadcast_in_dim3A_411 : vector<16xi32>, vector<16xi1> -> vector<16xi32>
      %sub3A_413 = arith.constant 1 : i32
      %sub3A_414 = vector.broadcast %sub3A_413 : i32 to vector<16xi32>
      %sub3A_415 = arith.subi %masked_cumsum3A_412, %sub3A_414 : vector<16xi32>
      %select_n3A_416 = arith.select %eq3A_408, %sub3A_415, %select_n3A_395 : vector<16xi1>, vector<16xi32>
      %reduce_sum3A_417 = arith.constant true
      %reduce_sum3A_418 = vector.broadcast %reduce_sum3A_417 : i1 to vector<16xi1>
      %reduce_sum3A_419 = tpu.scan <sum>, %convert_element_type3A_409 masked %reduce_sum3A_418 : vector<16xi32>, vector<16xi1> -> vector<16xi32>
      %reduce_sum3A_420 = vector.extract %reduce_sum3A_419[15] : i32 from vector<16xi32>
      %eq3A_421 = arith.constant 8 : i32
      %eq3A_422 = vector.broadcast %eq3A_421 : i32 to vector<16xi32>
      %eq3A_423 = arith.cmpi eq, %iota3A, %eq3A_422 : vector<16xi32>
      %add3A_424 = vector.broadcast %reduce_sum3A_420 : i32 to vector<16xi32>
      %add3A_425 = arith.addi %select_n3A_405, %add3A_424 : vector<16xi32>
      %select_n3A_426 = arith.select %eq3A_423, %add3A_425, %select_n3A_405 : vector<16xi1>, vector<16xi32>
      %eq3A_427 = arith.constant 9 : i32
      %eq3A_428 = vector.broadcast %eq3A_427 : i32 to vector<16xi32>
      %eq3A_429 = arith.cmpi eq, %get3A_229, %eq3A_428 : vector<16xi32>
      %convert_element_type3A_430 = arith.extui %eq3A_429 : vector<16xi1> to vector<16xi32>
      %broadcast_in_dim3A_431 = arith.constant true
      %broadcast_in_dim3A_432 = vector.broadcast %broadcast_in_dim3A_431 : i1 to vector<16xi1>
      %masked_cumsum3A_433 = tpu.scan <sum>, %convert_element_type3A_430 masked %broadcast_in_dim3A_432 : vector<16xi32>, vector<16xi1> -> vector<16xi32>
      %sub3A_434 = arith.constant 1 : i32
      %sub3A_435 = vector.broadcast %sub3A_434 : i32 to vector<16xi32>
      %sub3A_436 = arith.subi %masked_cumsum3A_433, %sub3A_435 : vector<16xi32>
      %select_n3A_437 = arith.select %eq3A_429, %sub3A_436, %select_n3A_416 : vector<16xi1>, vector<16xi32>
      %reduce_sum3A_438 = arith.constant true
      %reduce_sum3A_439 = vector.broadcast %reduce_sum3A_438 : i1 to vector<16xi1>
      %reduce_sum3A_440 = tpu.scan <sum>, %convert_element_type3A_430 masked %reduce_sum3A_439 : vector<16xi32>, vector<16xi1> -> vector<16xi32>
      %reduce_sum3A_441 = vector.extract %reduce_sum3A_440[15] : i32 from vector<16xi32>
      %eq3A_442 = arith.constant 9 : i32
      %eq3A_443 = vector.broadcast %eq3A_442 : i32 to vector<16xi32>
      %eq3A_444 = arith.cmpi eq, %iota3A, %eq3A_443 : vector<16xi32>
      %add3A_445 = vector.broadcast %reduce_sum3A_441 : i32 to vector<16xi32>
      %add3A_446 = arith.addi %select_n3A_426, %add3A_445 : vector<16xi32>
      %select_n3A_447 = arith.select %eq3A_444, %add3A_446, %select_n3A_426 : vector<16xi1>, vector<16xi32>
      %eq3A_448 = arith.constant 10 : i32
      %eq3A_449 = vector.broadcast %eq3A_448 : i32 to vector<16xi32>
      %eq3A_450 = arith.cmpi eq, %get3A_229, %eq3A_449 : vector<16xi32>
      %convert_element_type3A_451 = arith.extui %eq3A_450 : vector<16xi1> to vector<16xi32>
      %broadcast_in_dim3A_452 = arith.constant true
      %broadcast_in_dim3A_453 = vector.broadcast %broadcast_in_dim3A_452 : i1 to vector<16xi1>
      %masked_cumsum3A_454 = tpu.scan <sum>, %convert_element_type3A_451 masked %broadcast_in_dim3A_453 : vector<16xi32>, vector<16xi1> -> vector<16xi32>
      %sub3A_455 = arith.constant 1 : i32
      %sub3A_456 = vector.broadcast %sub3A_455 : i32 to vector<16xi32>
      %sub3A_457 = arith.subi %masked_cumsum3A_454, %sub3A_456 : vector<16xi32>
      %select_n3A_458 = arith.select %eq3A_450, %sub3A_457, %select_n3A_437 : vector<16xi1>, vector<16xi32>
      %reduce_sum3A_459 = arith.constant true
      %reduce_sum3A_460 = vector.broadcast %reduce_sum3A_459 : i1 to vector<16xi1>
      %reduce_sum3A_461 = tpu.scan <sum>, %convert_element_type3A_451 masked %reduce_sum3A_460 : vector<16xi32>, vector<16xi1> -> vector<16xi32>
      %reduce_sum3A_462 = vector.extract %reduce_sum3A_461[15] : i32 from vector<16xi32>
      %eq3A_463 = arith.constant 10 : i32
      %eq3A_464 = vector.broadcast %eq3A_463 : i32 to vector<16xi32>
      %eq3A_465 = arith.cmpi eq, %iota3A, %eq3A_464 : vector<16xi32>
      %add3A_466 = vector.broadcast %reduce_sum3A_462 : i32 to vector<16xi32>
      %add3A_467 = arith.addi %select_n3A_447, %add3A_466 : vector<16xi32>
      %select_n3A_468 = arith.select %eq3A_465, %add3A_467, %select_n3A_447 : vector<16xi1>, vector<16xi32>
      %eq3A_469 = arith.constant 11 : i32
      %eq3A_470 = vector.broadcast %eq3A_469 : i32 to vector<16xi32>
      %eq3A_471 = arith.cmpi eq, %get3A_229, %eq3A_470 : vector<16xi32>
      %convert_element_type3A_472 = arith.extui %eq3A_471 : vector<16xi1> to vector<16xi32>
      %broadcast_in_dim3A_473 = arith.constant true
      %broadcast_in_dim3A_474 = vector.broadcast %broadcast_in_dim3A_473 : i1 to vector<16xi1>
      %masked_cumsum3A_475 = tpu.scan <sum>, %convert_element_type3A_472 masked %broadcast_in_dim3A_474 : vector<16xi32>, vector<16xi1> -> vector<16xi32>
      %sub3A_476 = arith.constant 1 : i32
      %sub3A_477 = vector.broadcast %sub3A_476 : i32 to vector<16xi32>
      %sub3A_478 = arith.subi %masked_cumsum3A_475, %sub3A_477 : vector<16xi32>
      %select_n3A_479 = arith.select %eq3A_471, %sub3A_478, %select_n3A_458 : vector<16xi1>, vector<16xi32>
      %reduce_sum3A_480 = arith.constant true
      %reduce_sum3A_481 = vector.broadcast %reduce_sum3A_480 : i1 to vector<16xi1>
      %reduce_sum3A_482 = tpu.scan <sum>, %convert_element_type3A_472 masked %reduce_sum3A_481 : vector<16xi32>, vector<16xi1> -> vector<16xi32>
      %reduce_sum3A_483 = vector.extract %reduce_sum3A_482[15] : i32 from vector<16xi32>
      %eq3A_484 = arith.constant 11 : i32
      %eq3A_485 = vector.broadcast %eq3A_484 : i32 to vector<16xi32>
      %eq3A_486 = arith.cmpi eq, %iota3A, %eq3A_485 : vector<16xi32>
      %add3A_487 = vector.broadcast %reduce_sum3A_483 : i32 to vector<16xi32>
      %add3A_488 = arith.addi %select_n3A_468, %add3A_487 : vector<16xi32>
      %select_n3A_489 = arith.select %eq3A_486, %add3A_488, %select_n3A_468 : vector<16xi1>, vector<16xi32>
      %eq3A_490 = arith.constant 12 : i32
      %eq3A_491 = vector.broadcast %eq3A_490 : i32 to vector<16xi32>
      %eq3A_492 = arith.cmpi eq, %get3A_229, %eq3A_491 : vector<16xi32>
      %convert_element_type3A_493 = arith.extui %eq3A_492 : vector<16xi1> to vector<16xi32>
      %broadcast_in_dim3A_494 = arith.constant true
      %broadcast_in_dim3A_495 = vector.broadcast %broadcast_in_dim3A_494 : i1 to vector<16xi1>
      %masked_cumsum3A_496 = tpu.scan <sum>, %convert_element_type3A_493 masked %broadcast_in_dim3A_495 : vector<16xi32>, vector<16xi1> -> vector<16xi32>
      %sub3A_497 = arith.constant 1 : i32
      %sub3A_498 = vector.broadcast %sub3A_497 : i32 to vector<16xi32>
      %sub3A_499 = arith.subi %masked_cumsum3A_496, %sub3A_498 : vector<16xi32>
      %select_n3A_500 = arith.select %eq3A_492, %sub3A_499, %select_n3A_479 : vector<16xi1>, vector<16xi32>
      %reduce_sum3A_501 = arith.constant true
      %reduce_sum3A_502 = vector.broadcast %reduce_sum3A_501 : i1 to vector<16xi1>
      %reduce_sum3A_503 = tpu.scan <sum>, %convert_element_type3A_493 masked %reduce_sum3A_502 : vector<16xi32>, vector<16xi1> -> vector<16xi32>
      %reduce_sum3A_504 = vector.extract %reduce_sum3A_503[15] : i32 from vector<16xi32>
      %eq3A_505 = arith.constant 12 : i32
      %eq3A_506 = vector.broadcast %eq3A_505 : i32 to vector<16xi32>
      %eq3A_507 = arith.cmpi eq, %iota3A, %eq3A_506 : vector<16xi32>
      %add3A_508 = vector.broadcast %reduce_sum3A_504 : i32 to vector<16xi32>
      %add3A_509 = arith.addi %select_n3A_489, %add3A_508 : vector<16xi32>
      %select_n3A_510 = arith.select %eq3A_507, %add3A_509, %select_n3A_489 : vector<16xi1>, vector<16xi32>
      %eq3A_511 = arith.constant 13 : i32
      %eq3A_512 = vector.broadcast %eq3A_511 : i32 to vector<16xi32>
      %eq3A_513 = arith.cmpi eq, %get3A_229, %eq3A_512 : vector<16xi32>
      %convert_element_type3A_514 = arith.extui %eq3A_513 : vector<16xi1> to vector<16xi32>
      %broadcast_in_dim3A_515 = arith.constant true
      %broadcast_in_dim3A_516 = vector.broadcast %broadcast_in_dim3A_515 : i1 to vector<16xi1>
      %masked_cumsum3A_517 = tpu.scan <sum>, %convert_element_type3A_514 masked %broadcast_in_dim3A_516 : vector<16xi32>, vector<16xi1> -> vector<16xi32>
      %sub3A_518 = arith.constant 1 : i32
      %sub3A_519 = vector.broadcast %sub3A_518 : i32 to vector<16xi32>
      %sub3A_520 = arith.subi %masked_cumsum3A_517, %sub3A_519 : vector<16xi32>
      %select_n3A_521 = arith.select %eq3A_513, %sub3A_520, %select_n3A_500 : vector<16xi1>, vector<16xi32>
      %reduce_sum3A_522 = arith.constant true
      %reduce_sum3A_523 = vector.broadcast %reduce_sum3A_522 : i1 to vector<16xi1>
      %reduce_sum3A_524 = tpu.scan <sum>, %convert_element_type3A_514 masked %reduce_sum3A_523 : vector<16xi32>, vector<16xi1> -> vector<16xi32>
      %reduce_sum3A_525 = vector.extract %reduce_sum3A_524[15] : i32 from vector<16xi32>
      %eq3A_526 = arith.constant 13 : i32
      %eq3A_527 = vector.broadcast %eq3A_526 : i32 to vector<16xi32>
      %eq3A_528 = arith.cmpi eq, %iota3A, %eq3A_527 : vector<16xi32>
      %add3A_529 = vector.broadcast %reduce_sum3A_525 : i32 to vector<16xi32>
      %add3A_530 = arith.addi %select_n3A_510, %add3A_529 : vector<16xi32>
      %select_n3A_531 = arith.select %eq3A_528, %add3A_530, %select_n3A_510 : vector<16xi1>, vector<16xi32>
      %eq3A_532 = arith.constant 14 : i32
      %eq3A_533 = vector.broadcast %eq3A_532 : i32 to vector<16xi32>
      %eq3A_534 = arith.cmpi eq, %get3A_229, %eq3A_533 : vector<16xi32>
      %convert_element_type3A_535 = arith.extui %eq3A_534 : vector<16xi1> to vector<16xi32>
      %broadcast_in_dim3A_536 = arith.constant true
      %broadcast_in_dim3A_537 = vector.broadcast %broadcast_in_dim3A_536 : i1 to vector<16xi1>
      %masked_cumsum3A_538 = tpu.scan <sum>, %convert_element_type3A_535 masked %broadcast_in_dim3A_537 : vector<16xi32>, vector<16xi1> -> vector<16xi32>
      %sub3A_539 = arith.constant 1 : i32
      %sub3A_540 = vector.broadcast %sub3A_539 : i32 to vector<16xi32>
      %sub3A_541 = arith.subi %masked_cumsum3A_538, %sub3A_540 : vector<16xi32>
      %select_n3A_542 = arith.select %eq3A_534, %sub3A_541, %select_n3A_521 : vector<16xi1>, vector<16xi32>
      %reduce_sum3A_543 = arith.constant true
      %reduce_sum3A_544 = vector.broadcast %reduce_sum3A_543 : i1 to vector<16xi1>
      %reduce_sum3A_545 = tpu.scan <sum>, %convert_element_type3A_535 masked %reduce_sum3A_544 : vector<16xi32>, vector<16xi1> -> vector<16xi32>
      %reduce_sum3A_546 = vector.extract %reduce_sum3A_545[15] : i32 from vector<16xi32>
      %eq3A_547 = arith.constant 14 : i32
      %eq3A_548 = vector.broadcast %eq3A_547 : i32 to vector<16xi32>
      %eq3A_549 = arith.cmpi eq, %iota3A, %eq3A_548 : vector<16xi32>
      %add3A_550 = vector.broadcast %reduce_sum3A_546 : i32 to vector<16xi32>
      %add3A_551 = arith.addi %select_n3A_531, %add3A_550 : vector<16xi32>
      %select_n3A_552 = arith.select %eq3A_549, %add3A_551, %select_n3A_531 : vector<16xi1>, vector<16xi32>
      %eq3A_553 = arith.constant 15 : i32
      %eq3A_554 = vector.broadcast %eq3A_553 : i32 to vector<16xi32>
      %eq3A_555 = arith.cmpi eq, %get3A_229, %eq3A_554 : vector<16xi32>
      %convert_element_type3A_556 = arith.extui %eq3A_555 : vector<16xi1> to vector<16xi32>
      %broadcast_in_dim3A_557 = arith.constant true
      %broadcast_in_dim3A_558 = vector.broadcast %broadcast_in_dim3A_557 : i1 to vector<16xi1>
      %masked_cumsum3A_559 = tpu.scan <sum>, %convert_element_type3A_556 masked %broadcast_in_dim3A_558 : vector<16xi32>, vector<16xi1> -> vector<16xi32>
      %sub3A_560 = arith.constant 1 : i32
      %sub3A_561 = vector.broadcast %sub3A_560 : i32 to vector<16xi32>
      %sub3A_562 = arith.subi %masked_cumsum3A_559, %sub3A_561 : vector<16xi32>
      %select_n3A_563 = arith.select %eq3A_555, %sub3A_562, %select_n3A_542 : vector<16xi1>, vector<16xi32>
      %reduce_sum3A_564 = arith.constant true
      %reduce_sum3A_565 = vector.broadcast %reduce_sum3A_564 : i1 to vector<16xi1>
      %reduce_sum3A_566 = tpu.scan <sum>, %convert_element_type3A_556 masked %reduce_sum3A_565 : vector<16xi32>, vector<16xi1> -> vector<16xi32>
      %reduce_sum3A_567 = vector.extract %reduce_sum3A_566[15] : i32 from vector<16xi32>
      %eq3A_568 = arith.constant 15 : i32
      %eq3A_569 = vector.broadcast %eq3A_568 : i32 to vector<16xi32>
      %eq3A_570 = arith.cmpi eq, %iota3A, %eq3A_569 : vector<16xi32>
      %add3A_571 = vector.broadcast %reduce_sum3A_567 : i32 to vector<16xi32>
      %add3A_572 = arith.addi %select_n3A_552, %add3A_571 : vector<16xi32>
      %select_n3A_573 = arith.select %eq3A_570, %add3A_572, %select_n3A_552 : vector<16xi1>, vector<16xi32>
      %add3A_574 = arith.addi %gather3A_238, %select_n3A_563 : vector<16xi32>
      %mul3A_575 = arith.constant 16 : i32
      %mul3A_576 = arith.muli %scan3A_225, %mul3A_575 : i32
      %swap3A_577 = arith.index_cast %mul3A_576 : i32 to index
      %swap3A_578 = tpu.vector_load %arg11[%swap3A_577] {strides = array<i32>} : memref<256xi32, #tpu.memory_space<vmem>>, vector<16xi32>,
      tpu.vector_store %arg11[%swap3A_577], %add3A_574 {strides = array<i32>} : memref<256xi32, #tpu.memory_space<vmem>>, vector<16xi32>,
      scf.yield %select_n3A_573 : vector<16xi32>
    }
    %scan3A_47 = arith.constant 16 : i32
    %mul3A_48 = arith.constant 256 : i32
    %mul3A_49 = arith.muli %add3A, %mul3A_48 : i32
    "tpu.region"() ({
      %run_scoped3A = tpu.sem_alloc : memref<!tpu.dma_semaphore, #tpu.memory_space<semaphore_mem>>
      %dma_start3A_225 = tpu.memref_slice %arg5[%mul3A_49] : memref<8192xi32, #tpu.memory_space<hbm>> -> memref<256xi32, #tpu.memory_space<hbm>>
      %dma_start3A_226 = tpu.memref_slice %arg5[%mul3A_49] : memref<8192xi32, #tpu.memory_space<hbm>> -> memref<256xi32, #tpu.memory_space<hbm>>
      tpu.enqueue_dma source(%arg11 : memref<256xi32, #tpu.memory_space<vmem>>) target(%dma_start3A_226 : memref<256xi32, #tpu.memory_space<hbm>>) target_semaphore(%run_scoped3A : memref<!tpu.dma_semaphore, #tpu.memory_space<semaphore_mem>>)
      %dma_wait3A_227 = tpu.memref_slice %arg5[%mul3A_49] : memref<8192xi32, #tpu.memory_space<hbm>> -> memref<256xi32, #tpu.memory_space<hbm>>
      %dma_wait3A_228 = tpu.memref_slice %arg5[%mul3A_49] : memref<8192xi32, #tpu.memory_space<hbm>> -> memref<256xi32, #tpu.memory_space<hbm>>
      tpu.wait_dma2 semaphore(%run_scoped3A : memref<!tpu.dma_semaphore, #tpu.memory_space<semaphore_mem>>) src(%arg11 : memref<256xi32, #tpu.memory_space<vmem>>) dst(%dma_wait3A_228 : memref<256xi32, #tpu.memory_space<hbm>>)
      tpu.yield
    }) : () -> ()
    %mul3A_50 = arith.constant 128 : i32
    %mul3A_51 = arith.muli %add3A, %mul3A_50 : i32
    %add3A_52 = arith.constant 0 : i32
    %add3A_53 = arith.addi %mul3A_51, %add3A_52 : i32
    "tpu.region"() ({
      %run_scoped3A = tpu.sem_alloc : memref<!tpu.dma_semaphore, #tpu.memory_space<semaphore_mem>>
      %dma_start3A_225 = arith.constant 0 : i32
      %dma_start3A_226 = tpu.memref_slice %arg3[%add3A_53, %dma_start3A_225] : memref<4096x1024xf32, #tpu.memory_space<hbm>> -> memref<64x1024xf32, #tpu.memory_space<hbm>>
      %dma_start3A_227 = arith.constant 0 : i32
      %dma_start3A_228 = tpu.memref_slice %arg3[%add3A_53, %dma_start3A_227] : memref<4096x1024xf32, #tpu.memory_space<hbm>> -> memref<64x1024xf32, #tpu.memory_space<hbm>>
      tpu.enqueue_dma source(%dma_start3A_228 : memref<64x1024xf32, #tpu.memory_space<hbm>>) target(%arg13 : memref<64x1024xf32, #tpu.memory_space<vmem>>) target_semaphore(%run_scoped3A : memref<!tpu.dma_semaphore, #tpu.memory_space<semaphore_mem>>)
      %dma_wait3A_229 = arith.constant 0 : i32
      %dma_wait3A_230 = tpu.memref_slice %arg3[%add3A_53, %dma_wait3A_229] : memref<4096x1024xf32, #tpu.memory_space<hbm>> -> memref<64x1024xf32, #tpu.memory_space<hbm>>
      %dma_wait3A_231 = arith.constant 0 : i32
      %dma_wait3A_232 = tpu.memref_slice %arg3[%add3A_53, %dma_wait3A_231] : memref<4096x1024xf32, #tpu.memory_space<hbm>> -> memref<64x1024xf32, #tpu.memory_space<hbm>>
      tpu.wait_dma2 semaphore(%run_scoped3A : memref<!tpu.dma_semaphore, #tpu.memory_space<semaphore_mem>>) src(%dma_wait3A_232 : memref<64x1024xf32, #tpu.memory_space<hbm>>) dst(%arg13 : memref<64x1024xf32, #tpu.memory_space<vmem>>)
      tpu.yield
    }) : () -> ()
    %broadcast_in_dim3A_54 = arith.constant 0 : i32
    %broadcast_in_dim3A_55 = vector.broadcast %broadcast_in_dim3A_54 : i32 to vector<16xi32>
    %add3A_56 = arith.constant 0 : i32
    %add3A_57 = vector.broadcast %add3A_56 : i32 to vector<16xi32>
    %add3A_58 = arith.addi %add3A_57, %iota3A : vector<16xi32>
    %mul3A_59 = arith.constant 2 : i32
    %mul3A_60 = vector.broadcast %mul3A_59 : i32 to vector<16xi32>
    %mul3A_61 = arith.muli %mul3A_60, %add3A_58 : vector<16xi32>
    %add3A_62 = arith.addi %broadcast_in_dim3A_55, %mul3A_61 : vector<16xi32>
    %gather3A = tpu.vector_load_idx %arg11[%add3A_62] : memref<256xi32, #tpu.memory_space<vmem>>[vector<16xi32>], vector<16xi32>,
    %swap3A = arith.constant 0 : index
    %swap3A_63 = tpu.vector_load %arg14[%swap3A] {strides = array<i32>} : memref<64xi32, #tpu.memory_space<vmem>>, vector<16xi32>,
    tpu.vector_store %arg14[%swap3A], %gather3A {strides = array<i32>} : memref<64xi32, #tpu.memory_space<vmem>>, vector<16xi32>,
    %add3A_64 = arith.constant 1 : i32
    %add3A_65 = vector.broadcast %add3A_64 : i32 to vector<16xi32>
    %add3A_66 = arith.addi %add3A_62, %add3A_65 : vector<16xi32>
    %gather3A_67 = tpu.vector_load_idx %arg11[%add3A_66] : memref<256xi32, #tpu.memory_space<vmem>>[vector<16xi32>], vector<16xi32>,
    %swap3A_68 = arith.constant 0 : index
    %swap3A_69 = tpu.vector_load %arg15[%swap3A_68] {strides = array<i32>} : memref<64xi32, #tpu.memory_space<vmem>>, vector<16xi32>,
    tpu.vector_store %arg15[%swap3A_68], %gather3A_67 {strides = array<i32>} : memref<64xi32, #tpu.memory_space<vmem>>, vector<16xi32>,
    %broadcast_in_dim3A_70 = arith.constant 0 : i32
    %broadcast_in_dim3A_71 = vector.broadcast %broadcast_in_dim3A_70 : i32 to vector<16xi32>
    %add3A_72 = arith.constant 16 : i32
    %add3A_73 = vector.broadcast %add3A_72 : i32 to vector<16xi32>
    %add3A_74 = arith.addi %add3A_73, %iota3A : vector<16xi32>
    %mul3A_75 = arith.constant 2 : i32
    %mul3A_76 = vector.broadcast %mul3A_75 : i32 to vector<16xi32>
    %mul3A_77 = arith.muli %mul3A_76, %add3A_74 : vector<16xi32>
    %add3A_78 = arith.addi %broadcast_in_dim3A_71, %mul3A_77 : vector<16xi32>
    %gather3A_79 = tpu.vector_load_idx %arg11[%add3A_78] : memref<256xi32, #tpu.memory_space<vmem>>[vector<16xi32>], vector<16xi32>,
    %swap3A_80 = arith.constant 16 : index
    %swap3A_81 = tpu.vector_load %arg14[%swap3A_80] {strides = array<i32>} : memref<64xi32, #tpu.memory_space<vmem>>, vector<16xi32>,
    tpu.vector_store %arg14[%swap3A_80], %gather3A_79 {strides = array<i32>} : memref<64xi32, #tpu.memory_space<vmem>>, vector<16xi32>,
    %add3A_82 = arith.constant 1 : i32
    %add3A_83 = vector.broadcast %add3A_82 : i32 to vector<16xi32>
    %add3A_84 = arith.addi %add3A_78, %add3A_83 : vector<16xi32>
    %gather3A_85 = tpu.vector_load_idx %arg11[%add3A_84] : memref<256xi32, #tpu.memory_space<vmem>>[vector<16xi32>], vector<16xi32>,
    %swap3A_86 = arith.constant 16 : index
    %swap3A_87 = tpu.vector_load %arg15[%swap3A_86] {strides = array<i32>} : memref<64xi32, #tpu.memory_space<vmem>>, vector<16xi32>,
    tpu.vector_store %arg15[%swap3A_86], %gather3A_85 {strides = array<i32>} : memref<64xi32, #tpu.memory_space<vmem>>, vector<16xi32>,
    %broadcast_in_dim3A_88 = arith.constant 0 : i32
    %broadcast_in_dim3A_89 = vector.broadcast %broadcast_in_dim3A_88 : i32 to vector<16xi32>
    %add3A_90 = arith.constant 32 : i32
    %add3A_91 = vector.broadcast %add3A_90 : i32 to vector<16xi32>
    %add3A_92 = arith.addi %add3A_91, %iota3A : vector<16xi32>
    %mul3A_93 = arith.constant 2 : i32
    %mul3A_94 = vector.broadcast %mul3A_93 : i32 to vector<16xi32>
    %mul3A_95 = arith.muli %mul3A_94, %add3A_92 : vector<16xi32>
    %add3A_96 = arith.addi %broadcast_in_dim3A_89, %mul3A_95 : vector<16xi32>
    %gather3A_97 = tpu.vector_load_idx %arg11[%add3A_96] : memref<256xi32, #tpu.memory_space<vmem>>[vector<16xi32>], vector<16xi32>,
    %swap3A_98 = arith.constant 32 : index
    %swap3A_99 = tpu.vector_load %arg14[%swap3A_98] {strides = array<i32>} : memref<64xi32, #tpu.memory_space<vmem>>, vector<16xi32>,
    tpu.vector_store %arg14[%swap3A_98], %gather3A_97 {strides = array<i32>} : memref<64xi32, #tpu.memory_space<vmem>>, vector<16xi32>,
    %add3A_100 = arith.constant 1 : i32
    %add3A_101 = vector.broadcast %add3A_100 : i32 to vector<16xi32>
    %add3A_102 = arith.addi %add3A_96, %add3A_101 : vector<16xi32>
    %gather3A_103 = tpu.vector_load_idx %arg11[%add3A_102] : memref<256xi32, #tpu.memory_space<vmem>>[vector<16xi32>], vector<16xi32>,
    %swap3A_104 = arith.constant 32 : index
    %swap3A_105 = tpu.vector_load %arg15[%swap3A_104] {strides = array<i32>} : memref<64xi32, #tpu.memory_space<vmem>>, vector<16xi32>,
    tpu.vector_store %arg15[%swap3A_104], %gather3A_103 {strides = array<i32>} : memref<64xi32, #tpu.memory_space<vmem>>, vector<16xi32>,
    %broadcast_in_dim3A_106 = arith.constant 0 : i32
    %broadcast_in_dim3A_107 = vector.broadcast %broadcast_in_dim3A_106 : i32 to vector<16xi32>
    %add3A_108 = arith.constant 48 : i32
    %add3A_109 = vector.broadcast %add3A_108 : i32 to vector<16xi32>
    %add3A_110 = arith.addi %add3A_109, %iota3A : vector<16xi32>
    %mul3A_111 = arith.constant 2 : i32
    %mul3A_112 = vector.broadcast %mul3A_111 : i32 to vector<16xi32>
    %mul3A_113 = arith.muli %mul3A_112, %add3A_110 : vector<16xi32>
    %add3A_114 = arith.addi %broadcast_in_dim3A_107, %mul3A_113 : vector<16xi32>
    %gather3A_115 = tpu.vector_load_idx %arg11[%add3A_114] : memref<256xi32, #tpu.memory_space<vmem>>[vector<16xi32>], vector<16xi32>,
    %swap3A_116 = arith.constant 48 : index
    %swap3A_117 = tpu.vector_load %arg14[%swap3A_116] {strides = array<i32>} : memref<64xi32, #tpu.memory_space<vmem>>, vector<16xi32>,
    tpu.vector_store %arg14[%swap3A_116], %gather3A_115 {strides = array<i32>} : memref<64xi32, #tpu.memory_space<vmem>>, vector<16xi32>,
    %add3A_118 = arith.constant 1 : i32
    %add3A_119 = vector.broadcast %add3A_118 : i32 to vector<16xi32>
    %add3A_120 = arith.addi %add3A_114, %add3A_119 : vector<16xi32>
    %gather3A_121 = tpu.vector_load_idx %arg11[%add3A_120] : memref<256xi32, #tpu.memory_space<vmem>>[vector<16xi32>], vector<16xi32>,
    %swap3A_122 = arith.constant 48 : index
    %swap3A_123 = tpu.vector_load %arg15[%swap3A_122] {strides = array<i32>} : memref<64xi32, #tpu.memory_space<vmem>>, vector<16xi32>,
    tpu.vector_store %arg15[%swap3A_122], %gather3A_121 {strides = array<i32>} : memref<64xi32, #tpu.memory_space<vmem>>, vector<16xi32>,
    %dma_start3A = arith.constant 0 : i32
    %dma_start3A_124 = arith.constant 0 : i32
    %dma_start3A_125 = tpu.memref_slice %arg6[%dma_start3A, %dma_start3A_124] : memref<16384x1024xf32, #tpu.memory_space<hbm>> -> memref<16384x1024xf32, #tpu.memory_space<hbm>>
    tpu.enqueue_indirect_dma source(%arg13 : memref<64x1024xf32, #tpu.memory_space<vmem>>) target(%dma_start3A_125 : memref<16384x1024xf32, #tpu.memory_space<hbm>>) offsets(%arg14 : memref<64xi32, #tpu.memory_space<vmem>>) semaphore(%arg19 : memref<!tpu.dma_semaphore, #tpu.memory_space<semaphore_mem>>)
    %dma_start3A_126 = arith.constant 0 : i32
    %dma_start3A_127 = arith.constant 0 : i32
    %dma_start3A_128 = tpu.memref_slice %arg6[%dma_start3A_126, %dma_start3A_127] : memref<16384x1024xf32, #tpu.memory_space<hbm>> -> memref<16384x1024xf32, #tpu.memory_space<hbm>>
    tpu.enqueue_indirect_dma source(%arg13 : memref<64x1024xf32, #tpu.memory_space<vmem>>) target(%dma_start3A_128 : memref<16384x1024xf32, #tpu.memory_space<hbm>>) offsets(%arg15 : memref<64xi32, #tpu.memory_space<vmem>>) semaphore(%arg20 : memref<!tpu.dma_semaphore, #tpu.memory_space<semaphore_mem>>)
    %dma_wait3A = arith.constant 0 : i32
    %dma_wait3A_129 = arith.constant 0 : i32
    %dma_wait3A_130 = tpu.memref_slice %arg6[%dma_wait3A, %dma_wait3A_129] : memref<16384x1024xf32, #tpu.memory_space<hbm>> -> memref<16384x1024xf32, #tpu.memory_space<hbm>>
    tpu.wait_indirect_dma semaphore(%arg19 : memref<!tpu.dma_semaphore, #tpu.memory_space<semaphore_mem>>) src(%arg13 : memref<64x1024xf32, #tpu.memory_space<vmem>>) dst(%dma_wait3A_130 : memref<16384x1024xf32, #tpu.memory_space<hbm>>)
    %dma_wait3A_131 = arith.constant 0 : i32
    %dma_wait3A_132 = arith.constant 0 : i32
    %dma_wait3A_133 = tpu.memref_slice %arg6[%dma_wait3A_131, %dma_wait3A_132] : memref<16384x1024xf32, #tpu.memory_space<hbm>> -> memref<16384x1024xf32, #tpu.memory_space<hbm>>
    tpu.wait_indirect_dma semaphore(%arg20 : memref<!tpu.dma_semaphore, #tpu.memory_space<semaphore_mem>>) src(%arg13 : memref<64x1024xf32, #tpu.memory_space<vmem>>) dst(%dma_wait3A_133 : memref<16384x1024xf32, #tpu.memory_space<hbm>>)
    %add3A_134 = arith.constant 64 : i32
    %add3A_135 = arith.addi %mul3A_51, %add3A_134 : i32
    "tpu.region"() ({
      %run_scoped3A = tpu.sem_alloc : memref<!tpu.dma_semaphore, #tpu.memory_space<semaphore_mem>>
      %dma_start3A_225 = arith.constant 0 : i32
      %dma_start3A_226 = tpu.memref_slice %arg3[%add3A_135, %dma_start3A_225] : memref<4096x1024xf32, #tpu.memory_space<hbm>> -> memref<64x1024xf32, #tpu.memory_space<hbm>>
      %dma_start3A_227 = arith.constant 0 : i32
      %dma_start3A_228 = tpu.memref_slice %arg3[%add3A_135, %dma_start3A_227] : memref<4096x1024xf32, #tpu.memory_space<hbm>> -> memref<64x1024xf32, #tpu.memory_space<hbm>>
      tpu.enqueue_dma source(%dma_start3A_228 : memref<64x1024xf32, #tpu.memory_space<hbm>>) target(%arg13 : memref<64x1024xf32, #tpu.memory_space<vmem>>) target_semaphore(%run_scoped3A : memref<!tpu.dma_semaphore, #tpu.memory_space<semaphore_mem>>)
      %dma_wait3A_229 = arith.constant 0 : i32
      %dma_wait3A_230 = tpu.memref_slice %arg3[%add3A_135, %dma_wait3A_229] : memref<4096x1024xf32, #tpu.memory_space<hbm>> -> memref<64x1024xf32, #tpu.memory_space<hbm>>
      %dma_wait3A_231 = arith.constant 0 : i32
      %dma_wait3A_232 = tpu.memref_slice %arg3[%add3A_135, %dma_wait3A_231] : memref<4096x1024xf32, #tpu.memory_space<hbm>> -> memref<64x1024xf32, #tpu.memory_space<hbm>>
      tpu.wait_dma2 semaphore(%run_scoped3A : memref<!tpu.dma_semaphore, #tpu.memory_space<semaphore_mem>>) src(%dma_wait3A_232 : memref<64x1024xf32, #tpu.memory_space<hbm>>) dst(%arg13 : memref<64x1024xf32, #tpu.memory_space<vmem>>)
      tpu.yield
    }) : () -> ()
    %broadcast_in_dim3A_136 = arith.constant 128 : i32
    %broadcast_in_dim3A_137 = vector.broadcast %broadcast_in_dim3A_136 : i32 to vector<16xi32>
    %add3A_138 = arith.constant 0 : i32
    %add3A_139 = vector.broadcast %add3A_138 : i32 to vector<16xi32>
    %add3A_140 = arith.addi %add3A_139, %iota3A : vector<16xi32>
    %mul3A_141 = arith.constant 2 : i32
    %mul3A_142 = vector.broadcast %mul3A_141 : i32 to vector<16xi32>
    %mul3A_143 = arith.muli %mul3A_142, %add3A_140 : vector<16xi32>
    %add3A_144 = arith.addi %broadcast_in_dim3A_137, %mul3A_143 : vector<16xi32>
    %gather3A_145 = tpu.vector_load_idx %arg11[%add3A_144] : memref<256xi32, #tpu.memory_space<vmem>>[vector<16xi32>], vector<16xi32>,
    %swap3A_146 = arith.constant 0 : index
    %swap3A_147 = tpu.vector_load %arg14[%swap3A_146] {strides = array<i32>} : memref<64xi32, #tpu.memory_space<vmem>>, vector<16xi32>,
    tpu.vector_store %arg14[%swap3A_146], %gather3A_145 {strides = array<i32>} : memref<64xi32, #tpu.memory_space<vmem>>, vector<16xi32>,
    %add3A_148 = arith.constant 1 : i32
    %add3A_149 = vector.broadcast %add3A_148 : i32 to vector<16xi32>
    %add3A_150 = arith.addi %add3A_144, %add3A_149 : vector<16xi32>
    %gather3A_151 = tpu.vector_load_idx %arg11[%add3A_150] : memref<256xi32, #tpu.memory_space<vmem>>[vector<16xi32>], vector<16xi32>,
    %swap3A_152 = arith.constant 0 : index
    %swap3A_153 = tpu.vector_load %arg15[%swap3A_152] {strides = array<i32>} : memref<64xi32, #tpu.memory_space<vmem>>, vector<16xi32>,
    tpu.vector_store %arg15[%swap3A_152], %gather3A_151 {strides = array<i32>} : memref<64xi32, #tpu.memory_space<vmem>>, vector<16xi32>,
    %broadcast_in_dim3A_154 = arith.constant 128 : i32
    %broadcast_in_dim3A_155 = vector.broadcast %broadcast_in_dim3A_154 : i32 to vector<16xi32>
    %add3A_156 = arith.constant 16 : i32
    %add3A_157 = vector.broadcast %add3A_156 : i32 to vector<16xi32>
    %add3A_158 = arith.addi %add3A_157, %iota3A : vector<16xi32>
    %mul3A_159 = arith.constant 2 : i32
    %mul3A_160 = vector.broadcast %mul3A_159 : i32 to vector<16xi32>
    %mul3A_161 = arith.muli %mul3A_160, %add3A_158 : vector<16xi32>
    %add3A_162 = arith.addi %broadcast_in_dim3A_155, %mul3A_161 : vector<16xi32>
    %gather3A_163 = tpu.vector_load_idx %arg11[%add3A_162] : memref<256xi32, #tpu.memory_space<vmem>>[vector<16xi32>], vector<16xi32>,
    %swap3A_164 = arith.constant 16 : index
    %swap3A_165 = tpu.vector_load %arg14[%swap3A_164] {strides = array<i32>} : memref<64xi32, #tpu.memory_space<vmem>>, vector<16xi32>,
    tpu.vector_store %arg14[%swap3A_164], %gather3A_163 {strides = array<i32>} : memref<64xi32, #tpu.memory_space<vmem>>, vector<16xi32>,
    %add3A_166 = arith.constant 1 : i32
    %add3A_167 = vector.broadcast %add3A_166 : i32 to vector<16xi32>
    %add3A_168 = arith.addi %add3A_162, %add3A_167 : vector<16xi32>
    %gather3A_169 = tpu.vector_load_idx %arg11[%add3A_168] : memref<256xi32, #tpu.memory_space<vmem>>[vector<16xi32>], vector<16xi32>,
    %swap3A_170 = arith.constant 16 : index
    %swap3A_171 = tpu.vector_load %arg15[%swap3A_170] {strides = array<i32>} : memref<64xi32, #tpu.memory_space<vmem>>, vector<16xi32>,
    tpu.vector_store %arg15[%swap3A_170], %gather3A_169 {strides = array<i32>} : memref<64xi32, #tpu.memory_space<vmem>>, vector<16xi32>,
    %broadcast_in_dim3A_172 = arith.constant 128 : i32
    %broadcast_in_dim3A_173 = vector.broadcast %broadcast_in_dim3A_172 : i32 to vector<16xi32>
    %add3A_174 = arith.constant 32 : i32
    %add3A_175 = vector.broadcast %add3A_174 : i32 to vector<16xi32>
    %add3A_176 = arith.addi %add3A_175, %iota3A : vector<16xi32>
    %mul3A_177 = arith.constant 2 : i32
    %mul3A_178 = vector.broadcast %mul3A_177 : i32 to vector<16xi32>
    %mul3A_179 = arith.muli %mul3A_178, %add3A_176 : vector<16xi32>
    %add3A_180 = arith.addi %broadcast_in_dim3A_173, %mul3A_179 : vector<16xi32>
    %gather3A_181 = tpu.vector_load_idx %arg11[%add3A_180] : memref<256xi32, #tpu.memory_space<vmem>>[vector<16xi32>], vector<16xi32>,
    %swap3A_182 = arith.constant 32 : index
    %swap3A_183 = tpu.vector_load %arg14[%swap3A_182] {strides = array<i32>} : memref<64xi32, #tpu.memory_space<vmem>>, vector<16xi32>,
    tpu.vector_store %arg14[%swap3A_182], %gather3A_181 {strides = array<i32>} : memref<64xi32, #tpu.memory_space<vmem>>, vector<16xi32>,
    %add3A_184 = arith.constant 1 : i32
    %add3A_185 = vector.broadcast %add3A_184 : i32 to vector<16xi32>
    %add3A_186 = arith.addi %add3A_180, %add3A_185 : vector<16xi32>
    %gather3A_187 = tpu.vector_load_idx %arg11[%add3A_186] : memref<256xi32, #tpu.memory_space<vmem>>[vector<16xi32>], vector<16xi32>,
    %swap3A_188 = arith.constant 32 : index
    %swap3A_189 = tpu.vector_load %arg15[%swap3A_188] {strides = array<i32>} : memref<64xi32, #tpu.memory_space<vmem>>, vector<16xi32>,
    tpu.vector_store %arg15[%swap3A_188], %gather3A_187 {strides = array<i32>} : memref<64xi32, #tpu.memory_space<vmem>>, vector<16xi32>,
    %broadcast_in_dim3A_190 = arith.constant 128 : i32
    %broadcast_in_dim3A_191 = vector.broadcast %broadcast_in_dim3A_190 : i32 to vector<16xi32>
    %add3A_192 = arith.constant 48 : i32
    %add3A_193 = vector.broadcast %add3A_192 : i32 to vector<16xi32>
    %add3A_194 = arith.addi %add3A_193, %iota3A : vector<16xi32>
    %mul3A_195 = arith.constant 2 : i32
    %mul3A_196 = vector.broadcast %mul3A_195 : i32 to vector<16xi32>
    %mul3A_197 = arith.muli %mul3A_196, %add3A_194 : vector<16xi32>
    %add3A_198 = arith.addi %broadcast_in_dim3A_191, %mul3A_197 : vector<16xi32>
    %gather3A_199 = tpu.vector_load_idx %arg11[%add3A_198] : memref<256xi32, #tpu.memory_space<vmem>>[vector<16xi32>], vector<16xi32>,
    %swap3A_200 = arith.constant 48 : index
    %swap3A_201 = tpu.vector_load %arg14[%swap3A_200] {strides = array<i32>} : memref<64xi32, #tpu.memory_space<vmem>>, vector<16xi32>,
    tpu.vector_store %arg14[%swap3A_200], %gather3A_199 {strides = array<i32>} : memref<64xi32, #tpu.memory_space<vmem>>, vector<16xi32>,
    %add3A_202 = arith.constant 1 : i32
    %add3A_203 = vector.broadcast %add3A_202 : i32 to vector<16xi32>
    %add3A_204 = arith.addi %add3A_198, %add3A_203 : vector<16xi32>
    %gather3A_205 = tpu.vector_load_idx %arg11[%add3A_204] : memref<256xi32, #tpu.memory_space<vmem>>[vector<16xi32>], vector<16xi32>,
    %swap3A_206 = arith.constant 48 : index
    %swap3A_207 = tpu.vector_load %arg15[%swap3A_206] {strides = array<i32>} : memref<64xi32, #tpu.memory_space<vmem>>, vector<16xi32>,
    tpu.vector_store %arg15[%swap3A_206], %gather3A_205 {strides = array<i32>} : memref<64xi32, #tpu.memory_space<vmem>>, vector<16xi32>,
    %dma_start3A_208 = arith.constant 0 : i32
    %dma_start3A_209 = arith.constant 0 : i32
    %dma_start3A_210 = tpu.memref_slice %arg6[%dma_start3A_208, %dma_start3A_209] : memref<16384x1024xf32, #tpu.memory_space<hbm>> -> memref<16384x1024xf32, #tpu.memory_space<hbm>>
    tpu.enqueue_indirect_dma source(%arg13 : memref<64x1024xf32, #tpu.memory_space<vmem>>) target(%dma_start3A_210 : memref<16384x1024xf32, #tpu.memory_space<hbm>>) offsets(%arg14 : memref<64xi32, #tpu.memory_space<vmem>>) semaphore(%arg19 : memref<!tpu.dma_semaphore, #tpu.memory_space<semaphore_mem>>)
    %dma_start3A_211 = arith.constant 0 : i32
    %dma_start3A_212 = arith.constant 0 : i32
    %dma_start3A_213 = tpu.memref_slice %arg6[%dma_start3A_211, %dma_start3A_212] : memref<16384x1024xf32, #tpu.memory_space<hbm>> -> memref<16384x1024xf32, #tpu.memory_space<hbm>>
    tpu.enqueue_indirect_dma source(%arg13 : memref<64x1024xf32, #tpu.memory_space<vmem>>) target(%dma_start3A_213 : memref<16384x1024xf32, #tpu.memory_space<hbm>>) offsets(%arg15 : memref<64xi32, #tpu.memory_space<vmem>>) semaphore(%arg20 : memref<!tpu.dma_semaphore, #tpu.memory_space<semaphore_mem>>)
    %dma_wait3A_214 = arith.constant 0 : i32
    %dma_wait3A_215 = arith.constant 0 : i32
    %dma_wait3A_216 = tpu.memref_slice %arg6[%dma_wait3A_214, %dma_wait3A_215] : memref<16384x1024xf32, #tpu.memory_space<hbm>> -> memref<16384x1024xf32, #tpu.memory_space<hbm>>
    tpu.wait_indirect_dma semaphore(%arg19 : memref<!tpu.dma_semaphore, #tpu.memory_space<semaphore_mem>>) src(%arg13 : memref<64x1024xf32, #tpu.memory_space<vmem>>) dst(%dma_wait3A_216 : memref<16384x1024xf32, #tpu.memory_space<hbm>>)
    %dma_wait3A_217 = arith.constant 0 : i32
    %dma_wait3A_218 = arith.constant 0 : i32
    %dma_wait3A_219 = tpu.memref_slice %arg6[%dma_wait3A_217, %dma_wait3A_218] : memref<16384x1024xf32, #tpu.memory_space<hbm>> -> memref<16384x1024xf32, #tpu.memory_space<hbm>>
    tpu.wait_indirect_dma semaphore(%arg20 : memref<!tpu.dma_semaphore, #tpu.memory_space<semaphore_mem>>) src(%arg13 : memref<64x1024xf32, #tpu.memory_space<vmem>>) dst(%dma_wait3A_219 : memref<16384x1024xf32, #tpu.memory_space<hbm>>)
    %eq3A = arith.constant 0 : i32
    %eq3A_220 = arith.cmpi eq, %arg0, %eq3A : i32
    %eq3A_221 = arith.constant 0 : i32
    %eq3A_222 = arith.cmpi eq, %arg1, %eq3A_221 : i32
    %and3A_223 = arith.andi %eq3A_220, %eq3A_222 : i1
    %convert_element_type3A = arith.extui %and3A_223 : i1 to i32
    %cond3A = arith.constant 0 : i32
    %cond3A_224 = arith.cmpi ne, %convert_element_type3A, %cond3A : i32
    scf.if %cond3A_224 {
      %reduce_sum3A = arith.constant true
      %reduce_sum3A_225 = vector.broadcast %reduce_sum3A : i1 to vector<16xi1>
      %reduce_sum3A_226 = tpu.scan <sum>, %select_n3A masked %reduce_sum3A_225 : vector<16xi32>, vector<16xi1> -> vector<16xi32>
      %reduce_sum3A_227 = vector.extract %reduce_sum3A_226[15] : i32 from vector<16xi32>
      %add3A_228 = arith.constant 0 : i32
      %add3A_229 = vector.broadcast %add3A_228 : i32 to vector<16xi32>
      %add3A_230 = arith.addi %iota3A, %add3A_229 : vector<16xi32>
      %eq3A_231 = arith.constant 0 : i32
      %eq3A_232 = vector.broadcast %eq3A_231 : i32 to vector<16xi32>
      %eq3A_233 = arith.cmpi eq, %iota3A, %eq3A_232 : vector<16xi32>
      %select_n3A_234 = arith.select %eq3A_233, %masked_cumsum3A, %broadcast_in_dim3A_1 : vector<16xi1>, vector<16xi32>
      %reduce_sum3A_235 = arith.constant true
      %reduce_sum3A_236 = vector.broadcast %reduce_sum3A_235 : i1 to vector<16xi1>
      %reduce_sum3A_237 = tpu.scan <sum>, %select_n3A_234 masked %reduce_sum3A_236 : vector<16xi32>, vector<16xi1> -> vector<16xi32>
      %reduce_sum3A_238 = vector.extract %reduce_sum3A_237[15] : i32 from vector<16xi32>
      %broadcast_in_dim3A_239 = vector.broadcast %reduce_sum3A_238 : i32 to vector<16xi32>
      %ge3A = arith.cmpi sge, %add3A_230, %broadcast_in_dim3A_239 : vector<16xi32>
      %convert_element_type3A_240 = arith.extui %ge3A : vector<16xi1> to vector<16xi32>
      %add3A_241 = arith.addi %broadcast_in_dim3A_1, %convert_element_type3A_240 : vector<16xi32>
      %eq3A_242 = arith.constant 1 : i32
      %eq3A_243 = vector.broadcast %eq3A_242 : i32 to vector<16xi32>
      %eq3A_244 = arith.cmpi eq, %iota3A, %eq3A_243 : vector<16xi32>
      %select_n3A_245 = arith.select %eq3A_244, %masked_cumsum3A, %broadcast_in_dim3A_1 : vector<16xi1>, vector<16xi32>
      %reduce_sum3A_246 = arith.constant true
      %reduce_sum3A_247 = vector.broadcast %reduce_sum3A_246 : i1 to vector<16xi1>
      %reduce_sum3A_248 = tpu.scan <sum>, %select_n3A_245 masked %reduce_sum3A_247 : vector<16xi32>, vector<16xi1> -> vector<16xi32>
      %reduce_sum3A_249 = vector.extract %reduce_sum3A_248[15] : i32 from vector<16xi32>
      %broadcast_in_dim3A_250 = vector.broadcast %reduce_sum3A_249 : i32 to vector<16xi32>
      %ge3A_251 = arith.cmpi sge, %add3A_230, %broadcast_in_dim3A_250 : vector<16xi32>
      %convert_element_type3A_252 = arith.extui %ge3A_251 : vector<16xi1> to vector<16xi32>
      %add3A_253 = arith.addi %add3A_241, %convert_element_type3A_252 : vector<16xi32>
      %eq3A_254 = arith.constant 2 : i32
      %eq3A_255 = vector.broadcast %eq3A_254 : i32 to vector<16xi32>
      %eq3A_256 = arith.cmpi eq, %iota3A, %eq3A_255 : vector<16xi32>
      %select_n3A_257 = arith.select %eq3A_256, %masked_cumsum3A, %broadcast_in_dim3A_1 : vector<16xi1>, vector<16xi32>
      %reduce_sum3A_258 = arith.constant true
      %reduce_sum3A_259 = vector.broadcast %reduce_sum3A_258 : i1 to vector<16xi1>
      %reduce_sum3A_260 = tpu.scan <sum>, %select_n3A_257 masked %reduce_sum3A_259 : vector<16xi32>, vector<16xi1> -> vector<16xi32>
      %reduce_sum3A_261 = vector.extract %reduce_sum3A_260[15] : i32 from vector<16xi32>
      %broadcast_in_dim3A_262 = vector.broadcast %reduce_sum3A_261 : i32 to vector<16xi32>
      %ge3A_263 = arith.cmpi sge, %add3A_230, %broadcast_in_dim3A_262 : vector<16xi32>
      %convert_element_type3A_264 = arith.extui %ge3A_263 : vector<16xi1> to vector<16xi32>
      %add3A_265 = arith.addi %add3A_253, %convert_element_type3A_264 : vector<16xi32>
      %eq3A_266 = arith.constant 3 : i32
      %eq3A_267 = vector.broadcast %eq3A_266 : i32 to vector<16xi32>
      %eq3A_268 = arith.cmpi eq, %iota3A, %eq3A_267 : vector<16xi32>
      %select_n3A_269 = arith.select %eq3A_268, %masked_cumsum3A, %broadcast_in_dim3A_1 : vector<16xi1>, vector<16xi32>
      %reduce_sum3A_270 = arith.constant true
      %reduce_sum3A_271 = vector.broadcast %reduce_sum3A_270 : i1 to vector<16xi1>
      %reduce_sum3A_272 = tpu.scan <sum>, %select_n3A_269 masked %reduce_sum3A_271 : vector<16xi32>, vector<16xi1> -> vector<16xi32>
      %reduce_sum3A_273 = vector.extract %reduce_sum3A_272[15] : i32 from vector<16xi32>
      %broadcast_in_dim3A_274 = vector.broadcast %reduce_sum3A_273 : i32 to vector<16xi32>
      %ge3A_275 = arith.cmpi sge, %add3A_230, %broadcast_in_dim3A_274 : vector<16xi32>
      %convert_element_type3A_276 = arith.extui %ge3A_275 : vector<16xi1> to vector<16xi32>
      %add3A_277 = arith.addi %add3A_265, %convert_element_type3A_276 : vector<16xi32>
      %eq3A_278 = arith.constant 4 : i32
      %eq3A_279 = vector.broadcast %eq3A_278 : i32 to vector<16xi32>
      %eq3A_280 = arith.cmpi eq, %iota3A, %eq3A_279 : vector<16xi32>
      %select_n3A_281 = arith.select %eq3A_280, %masked_cumsum3A, %broadcast_in_dim3A_1 : vector<16xi1>, vector<16xi32>
      %reduce_sum3A_282 = arith.constant true
      %reduce_sum3A_283 = vector.broadcast %reduce_sum3A_282 : i1 to vector<16xi1>
      %reduce_sum3A_284 = tpu.scan <sum>, %select_n3A_281 masked %reduce_sum3A_283 : vector<16xi32>, vector<16xi1> -> vector<16xi32>
      %reduce_sum3A_285 = vector.extract %reduce_sum3A_284[15] : i32 from vector<16xi32>
      %broadcast_in_dim3A_286 = vector.broadcast %reduce_sum3A_285 : i32 to vector<16xi32>
      %ge3A_287 = arith.cmpi sge, %add3A_230, %broadcast_in_dim3A_286 : vector<16xi32>
      %convert_element_type3A_288 = arith.extui %ge3A_287 : vector<16xi1> to vector<16xi32>
      %add3A_289 = arith.addi %add3A_277, %convert_element_type3A_288 : vector<16xi32>
      %eq3A_290 = arith.constant 5 : i32
      %eq3A_291 = vector.broadcast %eq3A_290 : i32 to vector<16xi32>
      %eq3A_292 = arith.cmpi eq, %iota3A, %eq3A_291 : vector<16xi32>
      %select_n3A_293 = arith.select %eq3A_292, %masked_cumsum3A, %broadcast_in_dim3A_1 : vector<16xi1>, vector<16xi32>
      %reduce_sum3A_294 = arith.constant true
      %reduce_sum3A_295 = vector.broadcast %reduce_sum3A_294 : i1 to vector<16xi1>
      %reduce_sum3A_296 = tpu.scan <sum>, %select_n3A_293 masked %reduce_sum3A_295 : vector<16xi32>, vector<16xi1> -> vector<16xi32>
      %reduce_sum3A_297 = vector.extract %reduce_sum3A_296[15] : i32 from vector<16xi32>
      %broadcast_in_dim3A_298 = vector.broadcast %reduce_sum3A_297 : i32 to vector<16xi32>
      %ge3A_299 = arith.cmpi sge, %add3A_230, %broadcast_in_dim3A_298 : vector<16xi32>
      %convert_element_type3A_300 = arith.extui %ge3A_299 : vector<16xi1> to vector<16xi32>
      %add3A_301 = arith.addi %add3A_289, %convert_element_type3A_300 : vector<16xi32>
      %eq3A_302 = arith.constant 6 : i32
      %eq3A_303 = vector.broadcast %eq3A_302 : i32 to vector<16xi32>
      %eq3A_304 = arith.cmpi eq, %iota3A, %eq3A_303 : vector<16xi32>
      %select_n3A_305 = arith.select %eq3A_304, %masked_cumsum3A, %broadcast_in_dim3A_1 : vector<16xi1>, vector<16xi32>
      %reduce_sum3A_306 = arith.constant true
      %reduce_sum3A_307 = vector.broadcast %reduce_sum3A_306 : i1 to vector<16xi1>
      %reduce_sum3A_308 = tpu.scan <sum>, %select_n3A_305 masked %reduce_sum3A_307 : vector<16xi32>, vector<16xi1> -> vector<16xi32>
      %reduce_sum3A_309 = vector.extract %reduce_sum3A_308[15] : i32 from vector<16xi32>
      %broadcast_in_dim3A_310 = vector.broadcast %reduce_sum3A_309 : i32 to vector<16xi32>
      %ge3A_311 = arith.cmpi sge, %add3A_230, %broadcast_in_dim3A_310 : vector<16xi32>
      %convert_element_type3A_312 = arith.extui %ge3A_311 : vector<16xi1> to vector<16xi32>
      %add3A_313 = arith.addi %add3A_301, %convert_element_type3A_312 : vector<16xi32>
      %eq3A_314 = arith.constant 7 : i32
      %eq3A_315 = vector.broadcast %eq3A_314 : i32 to vector<16xi32>
      %eq3A_316 = arith.cmpi eq, %iota3A, %eq3A_315 : vector<16xi32>
      %select_n3A_317 = arith.select %eq3A_316, %masked_cumsum3A, %broadcast_in_dim3A_1 : vector<16xi1>, vector<16xi32>
      %reduce_sum3A_318 = arith.constant true
      %reduce_sum3A_319 = vector.broadcast %reduce_sum3A_318 : i1 to vector<16xi1>
      %reduce_sum3A_320 = tpu.scan <sum>, %select_n3A_317 masked %reduce_sum3A_319 : vector<16xi32>, vector<16xi1> -> vector<16xi32>
      %reduce_sum3A_321 = vector.extract %reduce_sum3A_320[15] : i32 from vector<16xi32>
      %broadcast_in_dim3A_322 = vector.broadcast %reduce_sum3A_321 : i32 to vector<16xi32>
      %ge3A_323 = arith.cmpi sge, %add3A_230, %broadcast_in_dim3A_322 : vector<16xi32>
      %convert_element_type3A_324 = arith.extui %ge3A_323 : vector<16xi1> to vector<16xi32>
      %add3A_325 = arith.addi %add3A_313, %convert_element_type3A_324 : vector<16xi32>
      %eq3A_326 = arith.constant 8 : i32
      %eq3A_327 = vector.broadcast %eq3A_326 : i32 to vector<16xi32>
      %eq3A_328 = arith.cmpi eq, %iota3A, %eq3A_327 : vector<16xi32>
      %select_n3A_329 = arith.select %eq3A_328, %masked_cumsum3A, %broadcast_in_dim3A_1 : vector<16xi1>, vector<16xi32>
      %reduce_sum3A_330 = arith.constant true
      %reduce_sum3A_331 = vector.broadcast %reduce_sum3A_330 : i1 to vector<16xi1>
      %reduce_sum3A_332 = tpu.scan <sum>, %select_n3A_329 masked %reduce_sum3A_331 : vector<16xi32>, vector<16xi1> -> vector<16xi32>
      %reduce_sum3A_333 = vector.extract %reduce_sum3A_332[15] : i32 from vector<16xi32>
      %broadcast_in_dim3A_334 = vector.broadcast %reduce_sum3A_333 : i32 to vector<16xi32>
      %ge3A_335 = arith.cmpi sge, %add3A_230, %broadcast_in_dim3A_334 : vector<16xi32>
      %convert_element_type3A_336 = arith.extui %ge3A_335 : vector<16xi1> to vector<16xi32>
      %add3A_337 = arith.addi %add3A_325, %convert_element_type3A_336 : vector<16xi32>
      %eq3A_338 = arith.constant 9 : i32
      %eq3A_339 = vector.broadcast %eq3A_338 : i32 to vector<16xi32>
      %eq3A_340 = arith.cmpi eq, %iota3A, %eq3A_339 : vector<16xi32>
      %select_n3A_341 = arith.select %eq3A_340, %masked_cumsum3A, %broadcast_in_dim3A_1 : vector<16xi1>, vector<16xi32>
      %reduce_sum3A_342 = arith.constant true
      %reduce_sum3A_343 = vector.broadcast %reduce_sum3A_342 : i1 to vector<16xi1>
      %reduce_sum3A_344 = tpu.scan <sum>, %select_n3A_341 masked %reduce_sum3A_343 : vector<16xi32>, vector<16xi1> -> vector<16xi32>
      %reduce_sum3A_345 = vector.extract %reduce_sum3A_344[15] : i32 from vector<16xi32>
      %broadcast_in_dim3A_346 = vector.broadcast %reduce_sum3A_345 : i32 to vector<16xi32>
      %ge3A_347 = arith.cmpi sge, %add3A_230, %broadcast_in_dim3A_346 : vector<16xi32>
      %convert_element_type3A_348 = arith.extui %ge3A_347 : vector<16xi1> to vector<16xi32>
      %add3A_349 = arith.addi %add3A_337, %convert_element_type3A_348 : vector<16xi32>
      %eq3A_350 = arith.constant 10 : i32
      %eq3A_351 = vector.broadcast %eq3A_350 : i32 to vector<16xi32>
      %eq3A_352 = arith.cmpi eq, %iota3A, %eq3A_351 : vector<16xi32>
      %select_n3A_353 = arith.select %eq3A_352, %masked_cumsum3A, %broadcast_in_dim3A_1 : vector<16xi1>, vector<16xi32>
      %reduce_sum3A_354 = arith.constant true
      %reduce_sum3A_355 = vector.broadcast %reduce_sum3A_354 : i1 to vector<16xi1>
      %reduce_sum3A_356 = tpu.scan <sum>, %select_n3A_353 masked %reduce_sum3A_355 : vector<16xi32>, vector<16xi1> -> vector<16xi32>
      %reduce_sum3A_357 = vector.extract %reduce_sum3A_356[15] : i32 from vector<16xi32>
      %broadcast_in_dim3A_358 = vector.broadcast %reduce_sum3A_357 : i32 to vector<16xi32>
      %ge3A_359 = arith.cmpi sge, %add3A_230, %broadcast_in_dim3A_358 : vector<16xi32>
      %convert_element_type3A_360 = arith.extui %ge3A_359 : vector<16xi1> to vector<16xi32>
      %add3A_361 = arith.addi %add3A_349, %convert_element_type3A_360 : vector<16xi32>
      %eq3A_362 = arith.constant 11 : i32
      %eq3A_363 = vector.broadcast %eq3A_362 : i32 to vector<16xi32>
      %eq3A_364 = arith.cmpi eq, %iota3A, %eq3A_363 : vector<16xi32>
      %select_n3A_365 = arith.select %eq3A_364, %masked_cumsum3A, %broadcast_in_dim3A_1 : vector<16xi1>, vector<16xi32>
      %reduce_sum3A_366 = arith.constant true
      %reduce_sum3A_367 = vector.broadcast %reduce_sum3A_366 : i1 to vector<16xi1>
      %reduce_sum3A_368 = tpu.scan <sum>, %select_n3A_365 masked %reduce_sum3A_367 : vector<16xi32>, vector<16xi1> -> vector<16xi32>
      %reduce_sum3A_369 = vector.extract %reduce_sum3A_368[15] : i32 from vector<16xi32>
      %broadcast_in_dim3A_370 = vector.broadcast %reduce_sum3A_369 : i32 to vector<16xi32>
      %ge3A_371 = arith.cmpi sge, %add3A_230, %broadcast_in_dim3A_370 : vector<16xi32>
      %convert_element_type3A_372 = arith.extui %ge3A_371 : vector<16xi1> to vector<16xi32>
      %add3A_373 = arith.addi %add3A_361, %convert_element_type3A_372 : vector<16xi32>
      %eq3A_374 = arith.constant 12 : i32
      %eq3A_375 = vector.broadcast %eq3A_374 : i32 to vector<16xi32>
      %eq3A_376 = arith.cmpi eq, %iota3A, %eq3A_375 : vector<16xi32>
      %select_n3A_377 = arith.select %eq3A_376, %masked_cumsum3A, %broadcast_in_dim3A_1 : vector<16xi1>, vector<16xi32>
      %reduce_sum3A_378 = arith.constant true
      %reduce_sum3A_379 = vector.broadcast %reduce_sum3A_378 : i1 to vector<16xi1>
      %reduce_sum3A_380 = tpu.scan <sum>, %select_n3A_377 masked %reduce_sum3A_379 : vector<16xi32>, vector<16xi1> -> vector<16xi32>
      %reduce_sum3A_381 = vector.extract %reduce_sum3A_380[15] : i32 from vector<16xi32>
      %broadcast_in_dim3A_382 = vector.broadcast %reduce_sum3A_381 : i32 to vector<16xi32>
      %ge3A_383 = arith.cmpi sge, %add3A_230, %broadcast_in_dim3A_382 : vector<16xi32>
      %convert_element_type3A_384 = arith.extui %ge3A_383 : vector<16xi1> to vector<16xi32>
      %add3A_385 = arith.addi %add3A_373, %convert_element_type3A_384 : vector<16xi32>
      %eq3A_386 = arith.constant 13 : i32
      %eq3A_387 = vector.broadcast %eq3A_386 : i32 to vector<16xi32>
      %eq3A_388 = arith.cmpi eq, %iota3A, %eq3A_387 : vector<16xi32>
      %select_n3A_389 = arith.select %eq3A_388, %masked_cumsum3A, %broadcast_in_dim3A_1 : vector<16xi1>, vector<16xi32>
      %reduce_sum3A_390 = arith.constant true
      %reduce_sum3A_391 = vector.broadcast %reduce_sum3A_390 : i1 to vector<16xi1>
      %reduce_sum3A_392 = tpu.scan <sum>, %select_n3A_389 masked %reduce_sum3A_391 : vector<16xi32>, vector<16xi1> -> vector<16xi32>
      %reduce_sum3A_393 = vector.extract %reduce_sum3A_392[15] : i32 from vector<16xi32>
      %broadcast_in_dim3A_394 = vector.broadcast %reduce_sum3A_393 : i32 to vector<16xi32>
      %ge3A_395 = arith.cmpi sge, %add3A_230, %broadcast_in_dim3A_394 : vector<16xi32>
      %convert_element_type3A_396 = arith.extui %ge3A_395 : vector<16xi1> to vector<16xi32>
      %add3A_397 = arith.addi %add3A_385, %convert_element_type3A_396 : vector<16xi32>
      %eq3A_398 = arith.constant 14 : i32
      %eq3A_399 = vector.broadcast %eq3A_398 : i32 to vector<16xi32>
      %eq3A_400 = arith.cmpi eq, %iota3A, %eq3A_399 : vector<16xi32>
      %select_n3A_401 = arith.select %eq3A_400, %masked_cumsum3A, %broadcast_in_dim3A_1 : vector<16xi1>, vector<16xi32>
      %reduce_sum3A_402 = arith.constant true
      %reduce_sum3A_403 = vector.broadcast %reduce_sum3A_402 : i1 to vector<16xi1>
      %reduce_sum3A_404 = tpu.scan <sum>, %select_n3A_401 masked %reduce_sum3A_403 : vector<16xi32>, vector<16xi1> -> vector<16xi32>
      %reduce_sum3A_405 = vector.extract %reduce_sum3A_404[15] : i32 from vector<16xi32>
      %broadcast_in_dim3A_406 = vector.broadcast %reduce_sum3A_405 : i32 to vector<16xi32>
      %ge3A_407 = arith.cmpi sge, %add3A_230, %broadcast_in_dim3A_406 : vector<16xi32>
      %convert_element_type3A_408 = arith.extui %ge3A_407 : vector<16xi1> to vector<16xi32>
      %add3A_409 = arith.addi %add3A_397, %convert_element_type3A_408 : vector<16xi32>
      %eq3A_410 = arith.constant 15 : i32
      %eq3A_411 = vector.broadcast %eq3A_410 : i32 to vector<16xi32>
      %eq3A_412 = arith.cmpi eq, %iota3A, %eq3A_411 : vector<16xi32>
      %select_n3A_413 = arith.select %eq3A_412, %masked_cumsum3A, %broadcast_in_dim3A_1 : vector<16xi1>, vector<16xi32>
      %reduce_sum3A_414 = arith.constant true
      %reduce_sum3A_415 = vector.broadcast %reduce_sum3A_414 : i1 to vector<16xi1>
      %reduce_sum3A_416 = tpu.scan <sum>, %select_n3A_413 masked %reduce_sum3A_415 : vector<16xi32>, vector<16xi1> -> vector<16xi32>
      %reduce_sum3A_417 = vector.extract %reduce_sum3A_416[15] : i32 from vector<16xi32>
      %broadcast_in_dim3A_418 = vector.broadcast %reduce_sum3A_417 : i32 to vector<16xi32>
      %ge3A_419 = arith.cmpi sge, %add3A_230, %broadcast_in_dim3A_418 : vector<16xi32>
      %convert_element_type3A_420 = arith.extui %ge3A_419 : vector<16xi1> to vector<16xi32>
      %add3A_421 = arith.addi %add3A_409, %convert_element_type3A_420 : vector<16xi32>
      %min3A = arith.constant 15 : i32
      %min3A_422 = vector.broadcast %min3A : i32 to vector<16xi32>
      %min3A_423 = arith.minsi %add3A_421, %min3A_422 : vector<16xi32>
      %swap3A_424 = arith.constant 0 : index
      %swap3A_425 = tpu.vector_load %arg16[%swap3A_424] {strides = array<i32>} : memref<32xi32, #tpu.memory_space<vmem>>, vector<16xi32>,
      tpu.vector_store %arg16[%swap3A_424], %min3A_423 {strides = array<i32>} : memref<32xi32, #tpu.memory_space<vmem>>, vector<16xi32>,
      %sub3A_426 = arith.constant 1 : i32
      %sub3A_427 = arith.subi %reduce_sum3A_227, %sub3A_426 : i32
      %broadcast_in_dim3A_428 = vector.broadcast %sub3A_427 : i32 to vector<16xi32>
      %min3A_429 = arith.minsi %add3A_230, %broadcast_in_dim3A_428 : vector<16xi32>
      %swap3A_430 = arith.constant 0 : index
      %swap3A_431 = tpu.vector_load %arg17[%swap3A_430] {strides = array<i32>} : memref<32xi32, #tpu.memory_space<vmem>>, vector<16xi32>,
      tpu.vector_store %arg17[%swap3A_430], %min3A_429 {strides = array<i32>} : memref<32xi32, #tpu.memory_space<vmem>>, vector<16xi32>,
      %broadcast_in_dim3A_432 = vector.broadcast %reduce_sum3A_227 : i32 to vector<16xi32>
      %lt3A = arith.cmpi slt, %add3A_230, %broadcast_in_dim3A_432 : vector<16xi32>
      %convert_element_type3A_433 = arith.extui %lt3A : vector<16xi1> to vector<16xi32>
      %swap3A_434 = arith.constant 0 : index
      %swap3A_435 = tpu.vector_load %arg18[%swap3A_434] {strides = array<i32>} : memref<32xi32, #tpu.memory_space<vmem>>, vector<16xi32>,
      tpu.vector_store %arg18[%swap3A_434], %convert_element_type3A_433 {strides = array<i32>} : memref<32xi32, #tpu.memory_space<vmem>>, vector<16xi32>,
      %add3A_436 = arith.constant 16 : i32
      %add3A_437 = vector.broadcast %add3A_436 : i32 to vector<16xi32>
      %add3A_438 = arith.addi %iota3A, %add3A_437 : vector<16xi32>
      %eq3A_439 = arith.constant 0 : i32
      %eq3A_440 = vector.broadcast %eq3A_439 : i32 to vector<16xi32>
      %eq3A_441 = arith.cmpi eq, %iota3A, %eq3A_440 : vector<16xi32>
      %select_n3A_442 = arith.select %eq3A_441, %masked_cumsum3A, %broadcast_in_dim3A_1 : vector<16xi1>, vector<16xi32>
      %reduce_sum3A_443 = arith.constant true
      %reduce_sum3A_444 = vector.broadcast %reduce_sum3A_443 : i1 to vector<16xi1>
      %reduce_sum3A_445 = tpu.scan <sum>, %select_n3A_442 masked %reduce_sum3A_444 : vector<16xi32>, vector<16xi1> -> vector<16xi32>
      %reduce_sum3A_446 = vector.extract %reduce_sum3A_445[15] : i32 from vector<16xi32>
      %broadcast_in_dim3A_447 = vector.broadcast %reduce_sum3A_446 : i32 to vector<16xi32>
      %ge3A_448 = arith.cmpi sge, %add3A_438, %broadcast_in_dim3A_447 : vector<16xi32>
      %convert_element_type3A_449 = arith.extui %ge3A_448 : vector<16xi1> to vector<16xi32>
      %add3A_450 = arith.addi %broadcast_in_dim3A_1, %convert_element_type3A_449 : vector<16xi32>
      %eq3A_451 = arith.constant 1 : i32
      %eq3A_452 = vector.broadcast %eq3A_451 : i32 to vector<16xi32>
      %eq3A_453 = arith.cmpi eq, %iota3A, %eq3A_452 : vector<16xi32>
      %select_n3A_454 = arith.select %eq3A_453, %masked_cumsum3A, %broadcast_in_dim3A_1 : vector<16xi1>, vector<16xi32>
      %reduce_sum3A_455 = arith.constant true
      %reduce_sum3A_456 = vector.broadcast %reduce_sum3A_455 : i1 to vector<16xi1>
      %reduce_sum3A_457 = tpu.scan <sum>, %select_n3A_454 masked %reduce_sum3A_456 : vector<16xi32>, vector<16xi1> -> vector<16xi32>
      %reduce_sum3A_458 = vector.extract %reduce_sum3A_457[15] : i32 from vector<16xi32>
      %broadcast_in_dim3A_459 = vector.broadcast %reduce_sum3A_458 : i32 to vector<16xi32>
      %ge3A_460 = arith.cmpi sge, %add3A_438, %broadcast_in_dim3A_459 : vector<16xi32>
      %convert_element_type3A_461 = arith.extui %ge3A_460 : vector<16xi1> to vector<16xi32>
      %add3A_462 = arith.addi %add3A_450, %convert_element_type3A_461 : vector<16xi32>
      %eq3A_463 = arith.constant 2 : i32
      %eq3A_464 = vector.broadcast %eq3A_463 : i32 to vector<16xi32>
      %eq3A_465 = arith.cmpi eq, %iota3A, %eq3A_464 : vector<16xi32>
      %select_n3A_466 = arith.select %eq3A_465, %masked_cumsum3A, %broadcast_in_dim3A_1 : vector<16xi1>, vector<16xi32>
      %reduce_sum3A_467 = arith.constant true
      %reduce_sum3A_468 = vector.broadcast %reduce_sum3A_467 : i1 to vector<16xi1>
      %reduce_sum3A_469 = tpu.scan <sum>, %select_n3A_466 masked %reduce_sum3A_468 : vector<16xi32>, vector<16xi1> -> vector<16xi32>
      %reduce_sum3A_470 = vector.extract %reduce_sum3A_469[15] : i32 from vector<16xi32>
      %broadcast_in_dim3A_471 = vector.broadcast %reduce_sum3A_470 : i32 to vector<16xi32>
      %ge3A_472 = arith.cmpi sge, %add3A_438, %broadcast_in_dim3A_471 : vector<16xi32>
      %convert_element_type3A_473 = arith.extui %ge3A_472 : vector<16xi1> to vector<16xi32>
      %add3A_474 = arith.addi %add3A_462, %convert_element_type3A_473 : vector<16xi32>
      %eq3A_475 = arith.constant 3 : i32
      %eq3A_476 = vector.broadcast %eq3A_475 : i32 to vector<16xi32>
      %eq3A_477 = arith.cmpi eq, %iota3A, %eq3A_476 : vector<16xi32>
      %select_n3A_478 = arith.select %eq3A_477, %masked_cumsum3A, %broadcast_in_dim3A_1 : vector<16xi1>, vector<16xi32>
      %reduce_sum3A_479 = arith.constant true
      %reduce_sum3A_480 = vector.broadcast %reduce_sum3A_479 : i1 to vector<16xi1>
      %reduce_sum3A_481 = tpu.scan <sum>, %select_n3A_478 masked %reduce_sum3A_480 : vector<16xi32>, vector<16xi1> -> vector<16xi32>
      %reduce_sum3A_482 = vector.extract %reduce_sum3A_481[15] : i32 from vector<16xi32>
      %broadcast_in_dim3A_483 = vector.broadcast %reduce_sum3A_482 : i32 to vector<16xi32>
      %ge3A_484 = arith.cmpi sge, %add3A_438, %broadcast_in_dim3A_483 : vector<16xi32>
      %convert_element_type3A_485 = arith.extui %ge3A_484 : vector<16xi1> to vector<16xi32>
      %add3A_486 = arith.addi %add3A_474, %convert_element_type3A_485 : vector<16xi32>
      %eq3A_487 = arith.constant 4 : i32
      %eq3A_488 = vector.broadcast %eq3A_487 : i32 to vector<16xi32>
      %eq3A_489 = arith.cmpi eq, %iota3A, %eq3A_488 : vector<16xi32>
      %select_n3A_490 = arith.select %eq3A_489, %masked_cumsum3A, %broadcast_in_dim3A_1 : vector<16xi1>, vector<16xi32>
      %reduce_sum3A_491 = arith.constant true
      %reduce_sum3A_492 = vector.broadcast %reduce_sum3A_491 : i1 to vector<16xi1>
      %reduce_sum3A_493 = tpu.scan <sum>, %select_n3A_490 masked %reduce_sum3A_492 : vector<16xi32>, vector<16xi1> -> vector<16xi32>
      %reduce_sum3A_494 = vector.extract %reduce_sum3A_493[15] : i32 from vector<16xi32>
      %broadcast_in_dim3A_495 = vector.broadcast %reduce_sum3A_494 : i32 to vector<16xi32>
      %ge3A_496 = arith.cmpi sge, %add3A_438, %broadcast_in_dim3A_495 : vector<16xi32>
      %convert_element_type3A_497 = arith.extui %ge3A_496 : vector<16xi1> to vector<16xi32>
      %add3A_498 = arith.addi %add3A_486, %convert_element_type3A_497 : vector<16xi32>
      %eq3A_499 = arith.constant 5 : i32
      %eq3A_500 = vector.broadcast %eq3A_499 : i32 to vector<16xi32>
      %eq3A_501 = arith.cmpi eq, %iota3A, %eq3A_500 : vector<16xi32>
      %select_n3A_502 = arith.select %eq3A_501, %masked_cumsum3A, %broadcast_in_dim3A_1 : vector<16xi1>, vector<16xi32>
      %reduce_sum3A_503 = arith.constant true
      %reduce_sum3A_504 = vector.broadcast %reduce_sum3A_503 : i1 to vector<16xi1>
      %reduce_sum3A_505 = tpu.scan <sum>, %select_n3A_502 masked %reduce_sum3A_504 : vector<16xi32>, vector<16xi1> -> vector<16xi32>
      %reduce_sum3A_506 = vector.extract %reduce_sum3A_505[15] : i32 from vector<16xi32>
      %broadcast_in_dim3A_507 = vector.broadcast %reduce_sum3A_506 : i32 to vector<16xi32>
      %ge3A_508 = arith.cmpi sge, %add3A_438, %broadcast_in_dim3A_507 : vector<16xi32>
      %convert_element_type3A_509 = arith.extui %ge3A_508 : vector<16xi1> to vector<16xi32>
      %add3A_510 = arith.addi %add3A_498, %convert_element_type3A_509 : vector<16xi32>
      %eq3A_511 = arith.constant 6 : i32
      %eq3A_512 = vector.broadcast %eq3A_511 : i32 to vector<16xi32>
      %eq3A_513 = arith.cmpi eq, %iota3A, %eq3A_512 : vector<16xi32>
      %select_n3A_514 = arith.select %eq3A_513, %masked_cumsum3A, %broadcast_in_dim3A_1 : vector<16xi1>, vector<16xi32>
      %reduce_sum3A_515 = arith.constant true
      %reduce_sum3A_516 = vector.broadcast %reduce_sum3A_515 : i1 to vector<16xi1>
      %reduce_sum3A_517 = tpu.scan <sum>, %select_n3A_514 masked %reduce_sum3A_516 : vector<16xi32>, vector<16xi1> -> vector<16xi32>
      %reduce_sum3A_518 = vector.extract %reduce_sum3A_517[15] : i32 from vector<16xi32>
      %broadcast_in_dim3A_519 = vector.broadcast %reduce_sum3A_518 : i32 to vector<16xi32>
      %ge3A_520 = arith.cmpi sge, %add3A_438, %broadcast_in_dim3A_519 : vector<16xi32>
      %convert_element_type3A_521 = arith.extui %ge3A_520 : vector<16xi1> to vector<16xi32>
      %add3A_522 = arith.addi %add3A_510, %convert_element_type3A_521 : vector<16xi32>
      %eq3A_523 = arith.constant 7 : i32
      %eq3A_524 = vector.broadcast %eq3A_523 : i32 to vector<16xi32>
      %eq3A_525 = arith.cmpi eq, %iota3A, %eq3A_524 : vector<16xi32>
      %select_n3A_526 = arith.select %eq3A_525, %masked_cumsum3A, %broadcast_in_dim3A_1 : vector<16xi1>, vector<16xi32>
      %reduce_sum3A_527 = arith.constant true
      %reduce_sum3A_528 = vector.broadcast %reduce_sum3A_527 : i1 to vector<16xi1>
      %reduce_sum3A_529 = tpu.scan <sum>, %select_n3A_526 masked %reduce_sum3A_528 : vector<16xi32>, vector<16xi1> -> vector<16xi32>
      %reduce_sum3A_530 = vector.extract %reduce_sum3A_529[15] : i32 from vector<16xi32>
      %broadcast_in_dim3A_531 = vector.broadcast %reduce_sum3A_530 : i32 to vector<16xi32>
      %ge3A_532 = arith.cmpi sge, %add3A_438, %broadcast_in_dim3A_531 : vector<16xi32>
      %convert_element_type3A_533 = arith.extui %ge3A_532 : vector<16xi1> to vector<16xi32>
      %add3A_534 = arith.addi %add3A_522, %convert_element_type3A_533 : vector<16xi32>
      %eq3A_535 = arith.constant 8 : i32
      %eq3A_536 = vector.broadcast %eq3A_535 : i32 to vector<16xi32>
      %eq3A_537 = arith.cmpi eq, %iota3A, %eq3A_536 : vector<16xi32>
      %select_n3A_538 = arith.select %eq3A_537, %masked_cumsum3A, %broadcast_in_dim3A_1 : vector<16xi1>, vector<16xi32>
      %reduce_sum3A_539 = arith.constant true
      %reduce_sum3A_540 = vector.broadcast %reduce_sum3A_539 : i1 to vector<16xi1>
      %reduce_sum3A_541 = tpu.scan <sum>, %select_n3A_538 masked %reduce_sum3A_540 : vector<16xi32>, vector<16xi1> -> vector<16xi32>
      %reduce_sum3A_542 = vector.extract %reduce_sum3A_541[15] : i32 from vector<16xi32>
      %broadcast_in_dim3A_543 = vector.broadcast %reduce_sum3A_542 : i32 to vector<16xi32>
      %ge3A_544 = arith.cmpi sge, %add3A_438, %broadcast_in_dim3A_543 : vector<16xi32>
      %convert_element_type3A_545 = arith.extui %ge3A_544 : vector<16xi1> to vector<16xi32>
      %add3A_546 = arith.addi %add3A_534, %convert_element_type3A_545 : vector<16xi32>
      %eq3A_547 = arith.constant 9 : i32
      %eq3A_548 = vector.broadcast %eq3A_547 : i32 to vector<16xi32>
      %eq3A_549 = arith.cmpi eq, %iota3A, %eq3A_548 : vector<16xi32>
      %select_n3A_550 = arith.select %eq3A_549, %masked_cumsum3A, %broadcast_in_dim3A_1 : vector<16xi1>, vector<16xi32>
      %reduce_sum3A_551 = arith.constant true
      %reduce_sum3A_552 = vector.broadcast %reduce_sum3A_551 : i1 to vector<16xi1>
      %reduce_sum3A_553 = tpu.scan <sum>, %select_n3A_550 masked %reduce_sum3A_552 : vector<16xi32>, vector<16xi1> -> vector<16xi32>
      %reduce_sum3A_554 = vector.extract %reduce_sum3A_553[15] : i32 from vector<16xi32>
      %broadcast_in_dim3A_555 = vector.broadcast %reduce_sum3A_554 : i32 to vector<16xi32>
      %ge3A_556 = arith.cmpi sge, %add3A_438, %broadcast_in_dim3A_555 : vector<16xi32>
      %convert_element_type3A_557 = arith.extui %ge3A_556 : vector<16xi1> to vector<16xi32>
      %add3A_558 = arith.addi %add3A_546, %convert_element_type3A_557 : vector<16xi32>
      %eq3A_559 = arith.constant 10 : i32
      %eq3A_560 = vector.broadcast %eq3A_559 : i32 to vector<16xi32>
      %eq3A_561 = arith.cmpi eq, %iota3A, %eq3A_560 : vector<16xi32>
      %select_n3A_562 = arith.select %eq3A_561, %masked_cumsum3A, %broadcast_in_dim3A_1 : vector<16xi1>, vector<16xi32>
      %reduce_sum3A_563 = arith.constant true
      %reduce_sum3A_564 = vector.broadcast %reduce_sum3A_563 : i1 to vector<16xi1>
      %reduce_sum3A_565 = tpu.scan <sum>, %select_n3A_562 masked %reduce_sum3A_564 : vector<16xi32>, vector<16xi1> -> vector<16xi32>
      %reduce_sum3A_566 = vector.extract %reduce_sum3A_565[15] : i32 from vector<16xi32>
      %broadcast_in_dim3A_567 = vector.broadcast %reduce_sum3A_566 : i32 to vector<16xi32>
      %ge3A_568 = arith.cmpi sge, %add3A_438, %broadcast_in_dim3A_567 : vector<16xi32>
      %convert_element_type3A_569 = arith.extui %ge3A_568 : vector<16xi1> to vector<16xi32>
      %add3A_570 = arith.addi %add3A_558, %convert_element_type3A_569 : vector<16xi32>
      %eq3A_571 = arith.constant 11 : i32
      %eq3A_572 = vector.broadcast %eq3A_571 : i32 to vector<16xi32>
      %eq3A_573 = arith.cmpi eq, %iota3A, %eq3A_572 : vector<16xi32>
      %select_n3A_574 = arith.select %eq3A_573, %masked_cumsum3A, %broadcast_in_dim3A_1 : vector<16xi1>, vector<16xi32>
      %reduce_sum3A_575 = arith.constant true
      %reduce_sum3A_576 = vector.broadcast %reduce_sum3A_575 : i1 to vector<16xi1>
      %reduce_sum3A_577 = tpu.scan <sum>, %select_n3A_574 masked %reduce_sum3A_576 : vector<16xi32>, vector<16xi1> -> vector<16xi32>
      %reduce_sum3A_578 = vector.extract %reduce_sum3A_577[15] : i32 from vector<16xi32>
      %broadcast_in_dim3A_579 = vector.broadcast %reduce_sum3A_578 : i32 to vector<16xi32>
      %ge3A_580 = arith.cmpi sge, %add3A_438, %broadcast_in_dim3A_579 : vector<16xi32>
      %convert_element_type3A_581 = arith.extui %ge3A_580 : vector<16xi1> to vector<16xi32>
      %add3A_582 = arith.addi %add3A_570, %convert_element_type3A_581 : vector<16xi32>
      %eq3A_583 = arith.constant 12 : i32
      %eq3A_584 = vector.broadcast %eq3A_583 : i32 to vector<16xi32>
      %eq3A_585 = arith.cmpi eq, %iota3A, %eq3A_584 : vector<16xi32>
      %select_n3A_586 = arith.select %eq3A_585, %masked_cumsum3A, %broadcast_in_dim3A_1 : vector<16xi1>, vector<16xi32>
      %reduce_sum3A_587 = arith.constant true
      %reduce_sum3A_588 = vector.broadcast %reduce_sum3A_587 : i1 to vector<16xi1>
      %reduce_sum3A_589 = tpu.scan <sum>, %select_n3A_586 masked %reduce_sum3A_588 : vector<16xi32>, vector<16xi1> -> vector<16xi32>
      %reduce_sum3A_590 = vector.extract %reduce_sum3A_589[15] : i32 from vector<16xi32>
      %broadcast_in_dim3A_591 = vector.broadcast %reduce_sum3A_590 : i32 to vector<16xi32>
      %ge3A_592 = arith.cmpi sge, %add3A_438, %broadcast_in_dim3A_591 : vector<16xi32>
      %convert_element_type3A_593 = arith.extui %ge3A_592 : vector<16xi1> to vector<16xi32>
      %add3A_594 = arith.addi %add3A_582, %convert_element_type3A_593 : vector<16xi32>
      %eq3A_595 = arith.constant 13 : i32
      %eq3A_596 = vector.broadcast %eq3A_595 : i32 to vector<16xi32>
      %eq3A_597 = arith.cmpi eq, %iota3A, %eq3A_596 : vector<16xi32>
      %select_n3A_598 = arith.select %eq3A_597, %masked_cumsum3A, %broadcast_in_dim3A_1 : vector<16xi1>, vector<16xi32>
      %reduce_sum3A_599 = arith.constant true
      %reduce_sum3A_600 = vector.broadcast %reduce_sum3A_599 : i1 to vector<16xi1>
      %reduce_sum3A_601 = tpu.scan <sum>, %select_n3A_598 masked %reduce_sum3A_600 : vector<16xi32>, vector<16xi1> -> vector<16xi32>
      %reduce_sum3A_602 = vector.extract %reduce_sum3A_601[15] : i32 from vector<16xi32>
      %broadcast_in_dim3A_603 = vector.broadcast %reduce_sum3A_602 : i32 to vector<16xi32>
      %ge3A_604 = arith.cmpi sge, %add3A_438, %broadcast_in_dim3A_603 : vector<16xi32>
      %convert_element_type3A_605 = arith.extui %ge3A_604 : vector<16xi1> to vector<16xi32>
      %add3A_606 = arith.addi %add3A_594, %convert_element_type3A_605 : vector<16xi32>
      %eq3A_607 = arith.constant 14 : i32
      %eq3A_608 = vector.broadcast %eq3A_607 : i32 to vector<16xi32>
      %eq3A_609 = arith.cmpi eq, %iota3A, %eq3A_608 : vector<16xi32>
      %select_n3A_610 = arith.select %eq3A_609, %masked_cumsum3A, %broadcast_in_dim3A_1 : vector<16xi1>, vector<16xi32>
      %reduce_sum3A_611 = arith.constant true
      %reduce_sum3A_612 = vector.broadcast %reduce_sum3A_611 : i1 to vector<16xi1>
      %reduce_sum3A_613 = tpu.scan <sum>, %select_n3A_610 masked %reduce_sum3A_612 : vector<16xi32>, vector<16xi1> -> vector<16xi32>
      %reduce_sum3A_614 = vector.extract %reduce_sum3A_613[15] : i32 from vector<16xi32>
      %broadcast_in_dim3A_615 = vector.broadcast %reduce_sum3A_614 : i32 to vector<16xi32>
      %ge3A_616 = arith.cmpi sge, %add3A_438, %broadcast_in_dim3A_615 : vector<16xi32>
      %convert_element_type3A_617 = arith.extui %ge3A_616 : vector<16xi1> to vector<16xi32>
      %add3A_618 = arith.addi %add3A_606, %convert_element_type3A_617 : vector<16xi32>
      %eq3A_619 = arith.constant 15 : i32
      %eq3A_620 = vector.broadcast %eq3A_619 : i32 to vector<16xi32>
      %eq3A_621 = arith.cmpi eq, %iota3A, %eq3A_620 : vector<16xi32>
      %select_n3A_622 = arith.select %eq3A_621, %masked_cumsum3A, %broadcast_in_dim3A_1 : vector<16xi1>, vector<16xi32>
      %reduce_sum3A_623 = arith.constant true
      %reduce_sum3A_624 = vector.broadcast %reduce_sum3A_623 : i1 to vector<16xi1>
      %reduce_sum3A_625 = tpu.scan <sum>, %select_n3A_622 masked %reduce_sum3A_624 : vector<16xi32>, vector<16xi1> -> vector<16xi32>
      %reduce_sum3A_626 = vector.extract %reduce_sum3A_625[15] : i32 from vector<16xi32>
      %broadcast_in_dim3A_627 = vector.broadcast %reduce_sum3A_626 : i32 to vector<16xi32>
      %ge3A_628 = arith.cmpi sge, %add3A_438, %broadcast_in_dim3A_627 : vector<16xi32>
      %convert_element_type3A_629 = arith.extui %ge3A_628 : vector<16xi1> to vector<16xi32>
      %add3A_630 = arith.addi %add3A_618, %convert_element_type3A_629 : vector<16xi32>
      %min3A_631 = arith.constant 15 : i32
      %min3A_632 = vector.broadcast %min3A_631 : i32 to vector<16xi32>
      %min3A_633 = arith.minsi %add3A_630, %min3A_632 : vector<16xi32>
      %swap3A_634 = arith.constant 16 : index
      %swap3A_635 = tpu.vector_load %arg16[%swap3A_634] {strides = array<i32>} : memref<32xi32, #tpu.memory_space<vmem>>, vector<16xi32>,
      tpu.vector_store %arg16[%swap3A_634], %min3A_633 {strides = array<i32>} : memref<32xi32, #tpu.memory_space<vmem>>, vector<16xi32>,
      %sub3A_636 = arith.constant 1 : i32
      %sub3A_637 = arith.subi %reduce_sum3A_227, %sub3A_636 : i32
      %broadcast_in_dim3A_638 = vector.broadcast %sub3A_637 : i32 to vector<16xi32>
      %min3A_639 = arith.minsi %add3A_438, %broadcast_in_dim3A_638 : vector<16xi32>
      %swap3A_640 = arith.constant 16 : index
      %swap3A_641 = tpu.vector_load %arg17[%swap3A_640] {strides = array<i32>} : memref<32xi32, #tpu.memory_space<vmem>>, vector<16xi32>,
      tpu.vector_store %arg17[%swap3A_640], %min3A_639 {strides = array<i32>} : memref<32xi32, #tpu.memory_space<vmem>>, vector<16xi32>,
      %broadcast_in_dim3A_642 = vector.broadcast %reduce_sum3A_227 : i32 to vector<16xi32>
      %lt3A_643 = arith.cmpi slt, %add3A_438, %broadcast_in_dim3A_642 : vector<16xi32>
      %convert_element_type3A_644 = arith.extui %lt3A_643 : vector<16xi1> to vector<16xi32>
      %swap3A_645 = arith.constant 16 : index
      %swap3A_646 = tpu.vector_load %arg18[%swap3A_645] {strides = array<i32>} : memref<32xi32, #tpu.memory_space<vmem>>, vector<16xi32>,
      tpu.vector_store %arg18[%swap3A_645], %convert_element_type3A_644 {strides = array<i32>} : memref<32xi32, #tpu.memory_space<vmem>>, vector<16xi32>,
      "tpu.region"() ({
        %run_scoped3A = tpu.sem_alloc : memref<!tpu.dma_semaphore, #tpu.memory_space<semaphore_mem>>
        tpu.enqueue_dma source(%arg16 : memref<32xi32, #tpu.memory_space<vmem>>) target(%arg7 : memref<32xi32, #tpu.memory_space<hbm>>) target_semaphore(%run_scoped3A : memref<!tpu.dma_semaphore, #tpu.memory_space<semaphore_mem>>)
        tpu.wait_dma2 semaphore(%run_scoped3A : memref<!tpu.dma_semaphore, #tpu.memory_space<semaphore_mem>>) src(%arg16 : memref<32xi32, #tpu.memory_space<vmem>>) dst(%arg7 : memref<32xi32, #tpu.memory_space<hbm>>)
        tpu.yield
      }) : () -> ()
      "tpu.region"() ({
        %run_scoped3A = tpu.sem_alloc : memref<!tpu.dma_semaphore, #tpu.memory_space<semaphore_mem>>
        tpu.enqueue_dma source(%arg17 : memref<32xi32, #tpu.memory_space<vmem>>) target(%arg8 : memref<32xi32, #tpu.memory_space<hbm>>) target_semaphore(%run_scoped3A : memref<!tpu.dma_semaphore, #tpu.memory_space<semaphore_mem>>)
        tpu.wait_dma2 semaphore(%run_scoped3A : memref<!tpu.dma_semaphore, #tpu.memory_space<semaphore_mem>>) src(%arg17 : memref<32xi32, #tpu.memory_space<vmem>>) dst(%arg8 : memref<32xi32, #tpu.memory_space<hbm>>)
        tpu.yield
      }) : () -> ()
      "tpu.region"() ({
        %run_scoped3A = tpu.sem_alloc : memref<!tpu.dma_semaphore, #tpu.memory_space<semaphore_mem>>
        tpu.enqueue_dma source(%arg18 : memref<32xi32, #tpu.memory_space<vmem>>) target(%arg9 : memref<32xi32, #tpu.memory_space<hbm>>) target_semaphore(%run_scoped3A : memref<!tpu.dma_semaphore, #tpu.memory_space<semaphore_mem>>)
        tpu.wait_dma2 semaphore(%run_scoped3A : memref<!tpu.dma_semaphore, #tpu.memory_space<semaphore_mem>>) src(%arg18 : memref<32xi32, #tpu.memory_space<vmem>>) dst(%arg9 : memref<32xi32, #tpu.memory_space<hbm>>)
        tpu.yield
      }) : () -> ()
    } else {
    }
    return
  }
}

module attributes {stable_mosaic.version = 14 : i64} {
  func.func @_k0_body(%arg0: i32, %arg1: memref<512x1024xf32, #tpu.memory_space<vmem>>, %arg2: memref<16x1024xf32, #tpu.memory_space<vmem>>, %arg3: memref<512x2xi32, #tpu.memory_space<vmem>>, %arg4: memref<512x2xf32, #tpu.memory_space<vmem>>, %arg5: memref<1x4x16xi32, #tpu.memory_space<vmem>>) attributes {dimension_semantics = [#tpu.dimension_semantics<arbitrary>], iteration_bounds = array<i64: 8>, scalar_prefetch = 0 : i64, scratch_operands = 0 : i64, tpu.core_type = #tpu.core_type<tc>, window_params = [{transform_indices = @transform_0, window_bounds = array<i64: 512, 1024>}, {pipeline_mode = #tpu.pipeline_mode<synchronous>, transform_indices = @transform_1, window_bounds = array<i64: 16, 1024>}, {transform_indices = @transform_2, window_bounds = array<i64: 512, 2>}, {transform_indices = @transform_3, window_bounds = array<i64: 512, 2>}, {transform_indices = @transform_4, window_bounds = array<i64: 1, 4, 16>}]} {
    %get3A = arith.constant 0 : index
    %get3A_0 = arith.constant 0 : index
    %get3A_1 = vector.load %arg1[%get3A, %get3A_0] : memref<512x1024xf32, #tpu.memory_space<vmem>>, vector<512x1024xf32>
    %get3A_2 = arith.constant 0 : index
    %get3A_3 = arith.constant 0 : index
    %get3A_4 = vector.load %arg2[%get3A_2, %get3A_3] : memref<16x1024xf32, #tpu.memory_space<vmem>>, vector<16x1024xf32>
    %dot_general3A = arith.constant dense<0.000000e+00> : vector<512x16xf32>
    %dot_general3A_5 = tpu.matmul %get3A_1, %get3A_4, %dot_general3A {dimension_numbers = #tpu.dot_dimension_numbers<[1], [1], [0], [0], [0, 0, 1, 0], [], []>, transpose_lhs_hint = false} : vector<512x1024xf32>, vector<16x1024xf32>, vector<512x16xf32> -> vector<512x16xf32>
    %reduce_max3A = arith.constant dense<0xFF800000> : vector<512xf32>
    %reduce_max3A_6 = vector.multi_reduction <maximumf>, %dot_general3A_5, %reduce_max3A [1] : vector<512x16xf32> to vector<512xf32>
    %broadcast_in_dim3A = vector.shape_cast %reduce_max3A_6 : vector<512xf32> to vector<512x1xf32>
    %sub3A = vector.broadcast %broadcast_in_dim3A : vector<512x1xf32> to vector<512x16xf32>
    %sub3A_7 = arith.subf %dot_general3A_5, %sub3A : vector<512x16xf32>
    %exp3A = math.exp %sub3A_7 : vector<512x16xf32>
    %reduce_sum3A = arith.constant dense<0.000000e+00> : vector<512xf32>
    %reduce_sum3A_8 = vector.multi_reduction <add>, %exp3A, %reduce_sum3A [1] : vector<512x16xf32> to vector<512xf32>
    %broadcast_in_dim3A_9 = vector.shape_cast %reduce_sum3A_8 : vector<512xf32> to vector<512x1xf32>
    %div3A = vector.broadcast %broadcast_in_dim3A_9 : vector<512x1xf32> to vector<512x16xf32>
    %div3A_10 = arith.divf %exp3A, %div3A : vector<512x16xf32>
    %iota3A = tpu.iota {dimensions = array<i32: 1>} : vector<512x16xi32>
    %reduce_max3A_11 = arith.constant dense<0xFF800000> : vector<512xf32>
    %reduce_max3A_12 = vector.multi_reduction <maximumf>, %div3A_10, %reduce_max3A_11 [1] : vector<512x16xf32> to vector<512xf32>
    %broadcast_in_dim3A_13 = vector.shape_cast %reduce_max3A_12 : vector<512xf32> to vector<512x1xf32>
    %eq3A = vector.broadcast %broadcast_in_dim3A_13 : vector<512x1xf32> to vector<512x16xf32>
    %eq3A_14 = arith.cmpf oeq, %div3A_10, %eq3A : vector<512x16xf32>
    %jit3A = arith.constant 16 : i32
    %broadcast_in_dim3A_15 = vector.broadcast %jit3A : i32 to vector<512x16xi32>
    %select_n3A = arith.select %eq3A_14, %iota3A, %broadcast_in_dim3A_15 : vector<512x16xi1>, vector<512x16xi32>
    %reduce_min3A = arith.constant dense<2147483647> : vector<512xi32>
    %reduce_min3A_16 = vector.multi_reduction <minsi>, %select_n3A, %reduce_min3A [1] : vector<512x16xi32> to vector<512xi32>
    %broadcast_in_dim3A_17 = vector.shape_cast %reduce_min3A_16 : vector<512xi32> to vector<512x1xi32>
    %eq3A_18 = vector.broadcast %broadcast_in_dim3A_17 : vector<512x1xi32> to vector<512x16xi32>
    %eq3A_19 = arith.cmpi eq, %iota3A, %eq3A_18 : vector<512x16xi32>
    %jit3A_20 = arith.constant 0xFF800000 : f32
    %broadcast_in_dim3A_21 = vector.broadcast %jit3A_20 : f32 to vector<512x16xf32>
    %select_n3A_22 = arith.select %eq3A_19, %broadcast_in_dim3A_21, %div3A_10 : vector<512x16xi1>, vector<512x16xf32>
    %reduce_max3A_23 = arith.constant dense<0xFF800000> : vector<512xf32>
    %reduce_max3A_24 = vector.multi_reduction <maximumf>, %select_n3A_22, %reduce_max3A_23 [1] : vector<512x16xf32> to vector<512xf32>
    %broadcast_in_dim3A_25 = vector.shape_cast %reduce_max3A_24 : vector<512xf32> to vector<512x1xf32>
    %eq3A_26 = vector.broadcast %broadcast_in_dim3A_25 : vector<512x1xf32> to vector<512x16xf32>
    %eq3A_27 = arith.cmpf oeq, %select_n3A_22, %eq3A_26 : vector<512x16xf32>
    %jit3A_28 = arith.constant 16 : i32
    %broadcast_in_dim3A_29 = vector.broadcast %jit3A_28 : i32 to vector<512x16xi32>
    %select_n3A_30 = arith.select %eq3A_27, %iota3A, %broadcast_in_dim3A_29 : vector<512x16xi1>, vector<512x16xi32>
    %reduce_min3A_31 = arith.constant dense<2147483647> : vector<512xi32>
    %reduce_min3A_32 = vector.multi_reduction <minsi>, %select_n3A_30, %reduce_min3A_31 [1] : vector<512x16xi32> to vector<512xi32>
    %broadcast_in_dim3A_33 = vector.shape_cast %reduce_min3A_32 : vector<512xi32> to vector<512x1xi32>
    %concatenate3A = tpu.concatenate %broadcast_in_dim3A_17, %broadcast_in_dim3A_33 in 1 : vector<512x1xi32>, vector<512x1xi32> -> vector<512x2xi32>
    %swap3A = arith.constant 0 : index
    %swap3A_34 = arith.constant 0 : index
    %swap3A_35 = vector.load %arg3[%swap3A, %swap3A_34] : memref<512x2xi32, #tpu.memory_space<vmem>>, vector<512x2xi32>
    tpu.vector_store %arg3[%swap3A, %swap3A_34], %concatenate3A {strides = array<i32>} : memref<512x2xi32, #tpu.memory_space<vmem>>, vector<512x2xi32>,
    %concatenate3A_36 = tpu.concatenate %broadcast_in_dim3A_13, %broadcast_in_dim3A_25 in 1 : vector<512x1xf32>, vector<512x1xf32> -> vector<512x2xf32>
    %swap3A_37 = arith.constant 0 : index
    %swap3A_38 = arith.constant 0 : index
    %swap3A_39 = vector.load %arg4[%swap3A_37, %swap3A_38] : memref<512x2xf32, #tpu.memory_space<vmem>>, vector<512x2xf32>
    tpu.vector_store %arg4[%swap3A_37, %swap3A_38], %concatenate3A_36 {strides = array<i32>} : memref<512x2xf32, #tpu.memory_space<vmem>>, vector<512x2xf32>,
    %eq3A_40 = vector.broadcast %broadcast_in_dim3A_17 : vector<512x1xi32> to vector<512x16xi32>
    %eq3A_41 = arith.cmpi eq, %iota3A, %eq3A_40 : vector<512x16xi32>
    %eq3A_42 = vector.broadcast %broadcast_in_dim3A_33 : vector<512x1xi32> to vector<512x16xi32>
    %eq3A_43 = arith.cmpi eq, %iota3A, %eq3A_42 : vector<512x16xi32>
    %or3A = arith.ori %eq3A_41, %eq3A_43 : vector<512x16xi1>
    %convert_element_type3A = arith.extui %or3A : vector<512x16xi1> to vector<512x16xi32>
    %iota3A_44 = tpu.iota {dimensions = array<i32: 0>} : vector<512x16xi32>
    %ge3A = arith.constant 0 : i32
    %ge3A_45 = vector.broadcast %ge3A : i32 to vector<512x16xi32>
    %ge3A_46 = arith.cmpi sge, %iota3A_44, %ge3A_45 : vector<512x16xi32>
    %lt3A = arith.constant 128 : i32
    %lt3A_47 = vector.broadcast %lt3A : i32 to vector<512x16xi32>
    %lt3A_48 = arith.cmpi slt, %iota3A_44, %lt3A_47 : vector<512x16xi32>
    %and3A = arith.andi %ge3A_46, %lt3A_48 : vector<512x16xi1>
    %jit3A_49 = arith.constant 0 : i32
    %broadcast_in_dim3A_50 = vector.broadcast %jit3A_49 : i32 to vector<512x16xi32>
    %select_n3A_51 = arith.select %and3A, %convert_element_type3A, %broadcast_in_dim3A_50 : vector<512x16xi1>, vector<512x16xi32>
    %reduce_sum3A_52 = arith.constant dense<0> : vector<16xi32>
    %reduce_sum3A_53 = vector.multi_reduction <add>, %select_n3A_51, %reduce_sum3A_52 [0] : vector<512x16xi32> to vector<16xi32>
    %broadcast_in_dim3A_54 = vector.shape_cast %reduce_sum3A_53 : vector<16xi32> to vector<1x16xi32>
    %swap3A_55 = arith.constant 0 : index
    %swap3A_56 = arith.constant 0 : index
    %swap3A_57 = arith.constant 0 : index
    %swap3A_58 = vector.load %arg5[%swap3A_55, %swap3A_56, %swap3A_57] : memref<1x4x16xi32, #tpu.memory_space<vmem>>, vector<1x1x16xi32>
    %swap3A_59 = vector.shape_cast %swap3A_58 : vector<1x1x16xi32> to vector<1x16xi32>
    %swap3A_60 = vector.shape_cast %broadcast_in_dim3A_54 : vector<1x16xi32> to vector<1x1x16xi32>
    tpu.vector_store %arg5[%swap3A_55, %swap3A_56, %swap3A_57], %swap3A_60 {strides = array<i32>} : memref<1x4x16xi32, #tpu.memory_space<vmem>>, vector<1x1x16xi32>,
    %ge3A_61 = arith.constant 128 : i32
    %ge3A_62 = vector.broadcast %ge3A_61 : i32 to vector<512x16xi32>
    %ge3A_63 = arith.cmpi sge, %iota3A_44, %ge3A_62 : vector<512x16xi32>
    %lt3A_64 = arith.constant 256 : i32
    %lt3A_65 = vector.broadcast %lt3A_64 : i32 to vector<512x16xi32>
    %lt3A_66 = arith.cmpi slt, %iota3A_44, %lt3A_65 : vector<512x16xi32>
    %and3A_67 = arith.andi %ge3A_63, %lt3A_66 : vector<512x16xi1>
    %jit3A_68 = arith.constant 0 : i32
    %broadcast_in_dim3A_69 = vector.broadcast %jit3A_68 : i32 to vector<512x16xi32>
    %select_n3A_70 = arith.select %and3A_67, %convert_element_type3A, %broadcast_in_dim3A_69 : vector<512x16xi1>, vector<512x16xi32>
    %reduce_sum3A_71 = arith.constant dense<0> : vector<16xi32>
    %reduce_sum3A_72 = vector.multi_reduction <add>, %select_n3A_70, %reduce_sum3A_71 [0] : vector<512x16xi32> to vector<16xi32>
    %broadcast_in_dim3A_73 = vector.shape_cast %reduce_sum3A_72 : vector<16xi32> to vector<1x16xi32>
    %swap3A_74 = arith.constant 0 : index
    %swap3A_75 = arith.constant 1 : index
    %swap3A_76 = arith.constant 0 : index
    %swap3A_77 = vector.load %arg5[%swap3A_74, %swap3A_75, %swap3A_76] : memref<1x4x16xi32, #tpu.memory_space<vmem>>, vector<1x1x16xi32>
    %swap3A_78 = vector.shape_cast %swap3A_77 : vector<1x1x16xi32> to vector<1x16xi32>
    %swap3A_79 = vector.shape_cast %broadcast_in_dim3A_73 : vector<1x16xi32> to vector<1x1x16xi32>
    tpu.vector_store %arg5[%swap3A_74, %swap3A_75, %swap3A_76], %swap3A_79 {strides = array<i32>} : memref<1x4x16xi32, #tpu.memory_space<vmem>>, vector<1x1x16xi32>,
    %ge3A_80 = arith.constant 256 : i32
    %ge3A_81 = vector.broadcast %ge3A_80 : i32 to vector<512x16xi32>
    %ge3A_82 = arith.cmpi sge, %iota3A_44, %ge3A_81 : vector<512x16xi32>
    %lt3A_83 = arith.constant 384 : i32
    %lt3A_84 = vector.broadcast %lt3A_83 : i32 to vector<512x16xi32>
    %lt3A_85 = arith.cmpi slt, %iota3A_44, %lt3A_84 : vector<512x16xi32>
    %and3A_86 = arith.andi %ge3A_82, %lt3A_85 : vector<512x16xi1>
    %jit3A_87 = arith.constant 0 : i32
    %broadcast_in_dim3A_88 = vector.broadcast %jit3A_87 : i32 to vector<512x16xi32>
    %select_n3A_89 = arith.select %and3A_86, %convert_element_type3A, %broadcast_in_dim3A_88 : vector<512x16xi1>, vector<512x16xi32>
    %reduce_sum3A_90 = arith.constant dense<0> : vector<16xi32>
    %reduce_sum3A_91 = vector.multi_reduction <add>, %select_n3A_89, %reduce_sum3A_90 [0] : vector<512x16xi32> to vector<16xi32>
    %broadcast_in_dim3A_92 = vector.shape_cast %reduce_sum3A_91 : vector<16xi32> to vector<1x16xi32>
    %swap3A_93 = arith.constant 0 : index
    %swap3A_94 = arith.constant 2 : index
    %swap3A_95 = arith.constant 0 : index
    %swap3A_96 = vector.load %arg5[%swap3A_93, %swap3A_94, %swap3A_95] : memref<1x4x16xi32, #tpu.memory_space<vmem>>, vector<1x1x16xi32>
    %swap3A_97 = vector.shape_cast %swap3A_96 : vector<1x1x16xi32> to vector<1x16xi32>
    %swap3A_98 = vector.shape_cast %broadcast_in_dim3A_92 : vector<1x16xi32> to vector<1x1x16xi32>
    tpu.vector_store %arg5[%swap3A_93, %swap3A_94, %swap3A_95], %swap3A_98 {strides = array<i32>} : memref<1x4x16xi32, #tpu.memory_space<vmem>>, vector<1x1x16xi32>,
    %ge3A_99 = arith.constant 384 : i32
    %ge3A_100 = vector.broadcast %ge3A_99 : i32 to vector<512x16xi32>
    %ge3A_101 = arith.cmpi sge, %iota3A_44, %ge3A_100 : vector<512x16xi32>
    %lt3A_102 = arith.constant 512 : i32
    %lt3A_103 = vector.broadcast %lt3A_102 : i32 to vector<512x16xi32>
    %lt3A_104 = arith.cmpi slt, %iota3A_44, %lt3A_103 : vector<512x16xi32>
    %and3A_105 = arith.andi %ge3A_101, %lt3A_104 : vector<512x16xi1>
    %jit3A_106 = arith.constant 0 : i32
    %broadcast_in_dim3A_107 = vector.broadcast %jit3A_106 : i32 to vector<512x16xi32>
    %select_n3A_108 = arith.select %and3A_105, %convert_element_type3A, %broadcast_in_dim3A_107 : vector<512x16xi1>, vector<512x16xi32>
    %reduce_sum3A_109 = arith.constant dense<0> : vector<16xi32>
    %reduce_sum3A_110 = vector.multi_reduction <add>, %select_n3A_108, %reduce_sum3A_109 [0] : vector<512x16xi32> to vector<16xi32>
    %broadcast_in_dim3A_111 = vector.shape_cast %reduce_sum3A_110 : vector<16xi32> to vector<1x16xi32>
    %swap3A_112 = arith.constant 0 : index
    %swap3A_113 = arith.constant 3 : index
    %swap3A_114 = arith.constant 0 : index
    %swap3A_115 = vector.load %arg5[%swap3A_112, %swap3A_113, %swap3A_114] : memref<1x4x16xi32, #tpu.memory_space<vmem>>, vector<1x1x16xi32>
    %swap3A_116 = vector.shape_cast %swap3A_115 : vector<1x1x16xi32> to vector<1x16xi32>
    %swap3A_117 = vector.shape_cast %broadcast_in_dim3A_111 : vector<1x16xi32> to vector<1x1x16xi32>
    tpu.vector_store %arg5[%swap3A_112, %swap3A_113, %swap3A_114], %swap3A_117 {strides = array<i32>} : memref<1x4x16xi32, #tpu.memory_space<vmem>>, vector<1x1x16xi32>,
    return
  }
  func.func @transform_0(%arg0: i32) -> (i32, i32) {
    %c0_i32 = arith.constant 0 : i32
    %c0_i32_0 = arith.constant 0 : i32
    return %arg0, %c0_i32 : i32, i32
  }
  func.func @transform_1(%arg0: i32) -> (i32, i32) {
    %c0_i32 = arith.constant 0 : i32
    %c0_i32_0 = arith.constant 0 : i32
    %c0_i32_1 = arith.constant 0 : i32
    return %c0_i32, %c0_i32_0 : i32, i32
  }
  func.func @transform_2(%arg0: i32) -> (i32, i32) {
    %c0_i32 = arith.constant 0 : i32
    %c0_i32_0 = arith.constant 0 : i32
    return %arg0, %c0_i32 : i32, i32
  }
  func.func @transform_3(%arg0: i32) -> (i32, i32) {
    %c0_i32 = arith.constant 0 : i32
    %c0_i32_0 = arith.constant 0 : i32
    return %arg0, %c0_i32 : i32, i32
  }
  func.func @transform_4(%arg0: i32) -> (i32, i32, i32) {
    %c0_i32 = arith.constant 0 : i32
    %c0_i32_0 = arith.constant 0 : i32
    %c0_i32_1 = arith.constant 0 : i32
    return %arg0, %c0_i32, %c0_i32_0 : i32, i32, i32
  }
}

module attributes {stable_mosaic.version = 14 : i64} {
  func.func @_k3_body(%arg0: i32, %arg1: memref<32xi32, #tpu.memory_space<smem>>, %arg2: memref<32xi32, #tpu.memory_space<smem>>, %arg3: memref<32xi32, #tpu.memory_space<smem>>, %arg4: memref<512x1024xf32, #tpu.memory_space<vmem>>, %arg5: memref<1x512x1024xf32, #tpu.memory_space<vmem>>, %arg6: memref<1x512x1024xf32, #tpu.memory_space<vmem>>, %arg7: memref<1x1024x512xf32, #tpu.memory_space<vmem>>, %arg8: memref<512x1024xf32, #tpu.memory_space<vmem>>) attributes {dimension_semantics = [#tpu.dimension_semantics<arbitrary>], iteration_bounds = array<i64: 32>, scalar_prefetch = 3 : i64, scratch_operands = 0 : i64, tpu.core_type = #tpu.core_type<tc>, window_params = [{transform_indices = @transform_0, window_bounds = array<i64: 512, 1024>}, {transform_indices = @transform_1, window_bounds = array<i64: 1, 512, 1024>}, {transform_indices = @transform_2, window_bounds = array<i64: 1, 512, 1024>}, {transform_indices = @transform_3, window_bounds = array<i64: 1, 1024, 512>}, {transform_indices = @transform_4, window_bounds = array<i64: 512, 1024>}]} {
    %get3A = arith.index_cast %arg0 : i32 to index
    %get3A_0 = memref.load %arg3[%get3A] : memref<32xi32, #tpu.memory_space<smem>>
    %eq3A = arith.constant 1 : i32
    %eq3A_1 = arith.cmpi eq, %get3A_0, %eq3A : i32
    %convert_element_type3A = arith.extui %eq3A_1 : i1 to i32
    %cond3A = arith.constant 0 : i32
    %cond3A_2 = arith.cmpi ne, %convert_element_type3A, %cond3A : i32
    scf.if %cond3A_2 {
      %get3A_3 = arith.constant 0 : index
      %get3A_4 = arith.constant 0 : index
      %get3A_5 = vector.load %arg4[%get3A_3, %get3A_4] : memref<512x1024xf32, #tpu.memory_space<vmem>>, vector<512x1024xf32>
      %get3A_6 = arith.constant 0 : index
      %get3A_7 = arith.constant 0 : index
      %get3A_8 = arith.constant 0 : index
      %get3A_9 = vector.load %arg5[%get3A_6, %get3A_7, %get3A_8] : memref<1x512x1024xf32, #tpu.memory_space<vmem>>, vector<1x512x1024xf32>
      %get3A_10 = vector.shape_cast %get3A_9 : vector<1x512x1024xf32> to vector<512x1024xf32>
      %dot_general3A = arith.constant dense<0.000000e+00> : vector<512x512xf32>
      %dot_general3A_11 = tpu.matmul %get3A_5, %get3A_10, %dot_general3A {dimension_numbers = #tpu.dot_dimension_numbers<[1], [1], [0], [0], [0, 0, 1, 0], [], []>, transpose_lhs_hint = false} : vector<512x1024xf32>, vector<512x1024xf32>, vector<512x512xf32> -> vector<512x512xf32>
      %get3A_12 = arith.constant 0 : index
      %get3A_13 = arith.constant 0 : index
      %get3A_14 = arith.constant 0 : index
      %get3A_15 = vector.load %arg6[%get3A_12, %get3A_13, %get3A_14] : memref<1x512x1024xf32, #tpu.memory_space<vmem>>, vector<1x512x1024xf32>
      %get3A_16 = vector.shape_cast %get3A_15 : vector<1x512x1024xf32> to vector<512x1024xf32>
      %dot_general3A_17 = arith.constant dense<0.000000e+00> : vector<512x512xf32>
      %dot_general3A_18 = tpu.matmul %get3A_5, %get3A_16, %dot_general3A_17 {dimension_numbers = #tpu.dot_dimension_numbers<[1], [1], [0], [0], [0, 0, 1, 0], [], []>, transpose_lhs_hint = false} : vector<512x1024xf32>, vector<512x1024xf32>, vector<512x512xf32> -> vector<512x512xf32>
      %logistic3A = arith.negf %dot_general3A_11 : vector<512x512xf32>
      %logistic3A_19 = math.exp %logistic3A : vector<512x512xf32>
      %logistic3A_20 = arith.constant 1.000000e+00 : f32
      %logistic3A_21 = vector.broadcast %logistic3A_20 : f32 to vector<512x512xf32>
      %logistic3A_22 = arith.addf %logistic3A_21, %logistic3A_19 : vector<512x512xf32>
      %logistic3A_23 = arith.divf %logistic3A_21, %logistic3A_22 : vector<512x512xf32>
      %mul3A = arith.mulf %dot_general3A_11, %logistic3A_23 : vector<512x512xf32>
      %mul3A_24 = arith.mulf %mul3A, %dot_general3A_18 : vector<512x512xf32>
      %get3A_25 = arith.constant 0 : index
      %get3A_26 = arith.constant 0 : index
      %get3A_27 = arith.constant 0 : index
      %get3A_28 = vector.load %arg7[%get3A_25, %get3A_26, %get3A_27] : memref<1x1024x512xf32, #tpu.memory_space<vmem>>, vector<1x1024x512xf32>
      %get3A_29 = vector.shape_cast %get3A_28 : vector<1x1024x512xf32> to vector<1024x512xf32>
      %dot_general3A_30 = arith.constant dense<0.000000e+00> : vector<512x1024xf32>
      %dot_general3A_31 = tpu.matmul %mul3A_24, %get3A_29, %dot_general3A_30 {dimension_numbers = #tpu.dot_dimension_numbers<[1], [1], [0], [0], [0, 0, 1, 0], [], []>, transpose_lhs_hint = false} : vector<512x512xf32>, vector<1024x512xf32>, vector<512x1024xf32> -> vector<512x1024xf32>
      %swap3A = arith.constant 0 : index
      %swap3A_32 = arith.constant 0 : index
      %swap3A_33 = vector.load %arg8[%swap3A, %swap3A_32] : memref<512x1024xf32, #tpu.memory_space<vmem>>, vector<512x1024xf32>
      tpu.vector_store %arg8[%swap3A, %swap3A_32], %dot_general3A_31 {strides = array<i32>} : memref<512x1024xf32, #tpu.memory_space<vmem>>, vector<512x1024xf32>,
    } else {
    }
    return
  }
  func.func @transform_0(%arg0: i32, %arg1: memref<32xi32, #tpu.memory_space<smem>>, %arg2: memref<32xi32, #tpu.memory_space<smem>>, %arg3: memref<32xi32, #tpu.memory_space<smem>>) -> (i32, i32) {
    %get3A = arith.index_cast %arg0 : i32 to index
    %get3A_0 = memref.load %arg1[%get3A] : memref<32xi32, #tpu.memory_space<smem>>
    %c0_i32 = arith.constant 0 : i32
    %c0_i32_1 = arith.constant 0 : i32
    return %get3A_0, %c0_i32 : i32, i32
  }
  func.func @transform_1(%arg0: i32, %arg1: memref<32xi32, #tpu.memory_space<smem>>, %arg2: memref<32xi32, #tpu.memory_space<smem>>, %arg3: memref<32xi32, #tpu.memory_space<smem>>) -> (i32, i32, i32) {
    %get3A = arith.index_cast %arg0 : i32 to index
    %get3A_0 = memref.load %arg2[%get3A] : memref<32xi32, #tpu.memory_space<smem>>
    %c0_i32 = arith.constant 0 : i32
    %c0_i32_1 = arith.constant 0 : i32
    %c0_i32_2 = arith.constant 0 : i32
    return %get3A_0, %c0_i32, %c0_i32_1 : i32, i32, i32
  }
  func.func @transform_2(%arg0: i32, %arg1: memref<32xi32, #tpu.memory_space<smem>>, %arg2: memref<32xi32, #tpu.memory_space<smem>>, %arg3: memref<32xi32, #tpu.memory_space<smem>>) -> (i32, i32, i32) {
    %get3A = arith.index_cast %arg0 : i32 to index
    %get3A_0 = memref.load %arg2[%get3A] : memref<32xi32, #tpu.memory_space<smem>>
    %c0_i32 = arith.constant 0 : i32
    %c0_i32_1 = arith.constant 0 : i32
    %c0_i32_2 = arith.constant 0 : i32
    return %get3A_0, %c0_i32, %c0_i32_1 : i32, i32, i32
  }
  func.func @transform_3(%arg0: i32, %arg1: memref<32xi32, #tpu.memory_space<smem>>, %arg2: memref<32xi32, #tpu.memory_space<smem>>, %arg3: memref<32xi32, #tpu.memory_space<smem>>) -> (i32, i32, i32) {
    %get3A = arith.index_cast %arg0 : i32 to index
    %get3A_0 = memref.load %arg2[%get3A] : memref<32xi32, #tpu.memory_space<smem>>
    %c0_i32 = arith.constant 0 : i32
    %c0_i32_1 = arith.constant 0 : i32
    %c0_i32_2 = arith.constant 0 : i32
    return %get3A_0, %c0_i32, %c0_i32_1 : i32, i32, i32
  }
  func.func @transform_4(%arg0: i32, %arg1: memref<32xi32, #tpu.memory_space<smem>>, %arg2: memref<32xi32, #tpu.memory_space<smem>>, %arg3: memref<32xi32, #tpu.memory_space<smem>>) -> (i32, i32) {
    %get3A = arith.index_cast %arg0 : i32 to index
    %get3A_0 = memref.load %arg1[%get3A] : memref<32xi32, #tpu.memory_space<smem>>
    %c0_i32 = arith.constant 0 : i32
    %c0_i32_1 = arith.constant 0 : i32
    return %get3A_0, %c0_i32 : i32, i32
  }
}

module attributes {stable_mosaic.version = 14 : i64} {
  func.func @_k5_body(%arg0: i32, %arg1: memref<512x1024xf32, #tpu.memory_space<vmem>>, %arg2: memref<512x2048xf32, #tpu.memory_space<vmem>>, %arg3: memref<512x2xf32, #tpu.memory_space<vmem>>, %arg4: memref<512x1024xf32, #tpu.memory_space<vmem>>) attributes {dimension_semantics = [#tpu.dimension_semantics<arbitrary>], iteration_bounds = array<i64: 8>, scalar_prefetch = 0 : i64, scratch_operands = 0 : i64, tpu.core_type = #tpu.core_type<tc>, window_params = [{transform_indices = @transform_0, window_bounds = array<i64: 512, 1024>}, {transform_indices = @transform_1, window_bounds = array<i64: 512, 2048>}, {transform_indices = @transform_2, window_bounds = array<i64: 512, 2>}, {transform_indices = @transform_3, window_bounds = array<i64: 512, 1024>}]} {
    %get3A = arith.constant 0 : index
    %get3A_0 = arith.constant 0 : index
    %get3A_1 = vector.load %arg3[%get3A, %get3A_0] : memref<512x2xf32, #tpu.memory_space<vmem>>, vector<512x2xf32>
    %slice3A = vector.extract_strided_slice %get3A_1 {offsets = [0, 0], sizes = [512, 1], strides = [1, 1]} : vector<512x2xf32> to vector<512x1xf32>
    %get3A_2 = arith.constant 0 : index
    %get3A_3 = arith.constant 0 : index
    %get3A_4 = vector.load %arg3[%get3A_2, %get3A_3] : memref<512x2xf32, #tpu.memory_space<vmem>>, vector<512x2xf32>
    %slice3A_5 = vector.extract_strided_slice %get3A_4 {offsets = [0, 1], sizes = [512, 1], strides = [1, 1]} : vector<512x2xf32> to vector<512x1xf32>
    %get3A_6 = arith.constant 0 : index
    %get3A_7 = arith.constant 0 : index
    %get3A_8 = vector.load %arg2[%get3A_6, %get3A_7] : memref<512x2048xf32, #tpu.memory_space<vmem>>, vector<512x2048xf32>
    %get3A_9 = arith.constant 0 : index
    %get3A_10 = arith.constant 0 : index
    %get3A_11 = vector.load %arg1[%get3A_9, %get3A_10] : memref<512x1024xf32, #tpu.memory_space<vmem>>, vector<512x1024xf32>
    %slice3A_12 = vector.extract_strided_slice %get3A_8 {offsets = [0, 0], sizes = [512, 1024], strides = [1, 1]} : vector<512x2048xf32> to vector<512x1024xf32>
    %mul3A = vector.broadcast %slice3A : vector<512x1xf32> to vector<512x1024xf32>
    %mul3A_13 = arith.mulf %mul3A, %slice3A_12 : vector<512x1024xf32>
    %add3A = arith.addf %get3A_11, %mul3A_13 : vector<512x1024xf32>
    %slice3A_14 = vector.extract_strided_slice %get3A_8 {offsets = [0, 1024], sizes = [512, 1024], strides = [1, 1]} : vector<512x2048xf32> to vector<512x1024xf32>
    %mul3A_15 = vector.broadcast %slice3A_5 : vector<512x1xf32> to vector<512x1024xf32>
    %mul3A_16 = arith.mulf %mul3A_15, %slice3A_14 : vector<512x1024xf32>
    %add3A_17 = arith.addf %add3A, %mul3A_16 : vector<512x1024xf32>
    %swap3A = arith.constant 0 : index
    %swap3A_18 = arith.constant 0 : index
    %swap3A_19 = vector.load %arg4[%swap3A, %swap3A_18] : memref<512x1024xf32, #tpu.memory_space<vmem>>, vector<512x1024xf32>
    tpu.vector_store %arg4[%swap3A, %swap3A_18], %add3A_17 {strides = array<i32>} : memref<512x1024xf32, #tpu.memory_space<vmem>>, vector<512x1024xf32>,
    return
  }
  func.func @transform_0(%arg0: i32) -> (i32, i32) {
    %c0_i32 = arith.constant 0 : i32
    %c0_i32_0 = arith.constant 0 : i32
    return %arg0, %c0_i32 : i32, i32
  }
  func.func @transform_1(%arg0: i32) -> (i32, i32) {
    %c0_i32 = arith.constant 0 : i32
    %c0_i32_0 = arith.constant 0 : i32
    return %arg0, %c0_i32 : i32, i32
  }
  func.func @transform_2(%arg0: i32) -> (i32, i32) {
    %c0_i32 = arith.constant 0 : i32
    %c0_i32_0 = arith.constant 0 : i32
    return %arg0, %c0_i32 : i32, i32
  }
  func.func @transform_3(%arg0: i32) -> (i32, i32) {
    %c0_i32 = arith.constant 0 : i32
    %c0_i32_0 = arith.constant 0 : i32
    return %arg0, %c0_i32 : i32, i32
  }
}

</mosaic_0001>

<sc_bundles>
// kernel: kernel.10.cloned.1.call-start
scs
__scs_entry_jumppad:
0x0: {  	(pc) =	sbr.rel $0x88, $3  }
0x1: {  	(tag) =	ssettag $0x0;
	lr =	simm.s32 $0x1  }
0x2: {  	[smem:$0x3F9C] =	sst lr;
	_ =	strace $0xD0000000  }
0x3: {  	_ = 	snop  }
0x4: {  	_ = 	snop  }
0x5: {  	_ = 	snop  }
0x6: {  	_ = 	snop  }
0x7: {  	_ = 	snop  }
__scs_overlays_trampoline_lowered:
0x8: {  	[smem:$0x3FAB] =	sst s0  }
0x9: {  	[smem:$0x3FAC] =	sst s1  }
0xa: {  	[smem:$0x3FAD] =	sst s2  }
0xb: {  	[smem:$0x3FAE] =	sst s3  }
0xc: {  	[smem:$0x3FAF] =	sst s4  }
0xd: {  	[smem:$0x3FB0] =	sst s5  }
0xe: {  	[smem:$0x3FB1] =	sst s6  }
0xf: {  	[smem:$0x3FB2] =	sst s7  }
0x10: {  	[smem:$0x3FB3] =	sst s8  }
0x11: {  	[smem:$0x3FB4] =	sst s9;
	s0 =	simm.s32 @!p0 $0x0  }
0x12: {  	s1 =	sld [smem:$0x3F9A];
	s0 =	simm.s32 @p0 $0x1  }
0x13: {  	[smem:$0x3FB5] =	sst s0;
	s0 =	simm.s32 @!p1 $0x0  }
0x14: {  	s2 =	sld [smem:$0x3F99];
	s0 =	simm.s32 @p1 $0x1  }
0x15: {  	[smem:$0x3FB6] =	sst s0;
	s0 =	simm.s32 @!p2 $0x0  }
0x16: {  	s3 =	sld [smem:$0x3FDB];
	s0 =	simm.s32 @p2 $0x1  }
0x17: {  	s4 =	simm.s32 $0x1BF5;
	[smem:$0x3FB8] =	sst s0  }
0x18: {  	s0 =	sld [smem:$0x3F9B];
	_ =	swait.ge [sflag:s4], $0x0  }
0x19: {  	s7 =	sld [smem:$0x3F9C]  }
0x1a: {  	s8 =	sadd.s32 $0xFFFFE003, lr  }
0x1b: {  	s9 =	sadd.s32 $0xFFFFFEF7, lr;
	s5 =	simm.s32 $0xFFFFFFFF;
	p2 =	slt.u32 s8, $0xFFFFF086  }
0x1c: {  	p1 =	slt.u32 s9, $0xF7A;
	s5 =	simm.s32 @!p2 $0x0  }
0x1d: {  	s5 =	simm.s32 @p1 $0x1;
	p0 =	seq.s32 s7, s2  }
0x1e: {  	s7 =	smul.u32 @!p0 $0xF7A, s2;
	p2 =	seq.s32 @!p0 s5, $0x0  }
0x1f: {  	s9 =	smul.u32 $0xF7A, s1;
	s8 =	simm.s32 @!p0 $0x1BF5;
	p2 =	por !p2, p0  }
0x20: {  	[sflag:s8] =	ssyncset.s32 @!p0 $0xFFFFF086;
	s6 =	sadd.s32 @!p0 s3, s7;
	s7 =	simm.s32 @!p0 $0x108  }
0x21: {  	s3 =	sadd.s32 s3, s9;
	s6 =	sadd.s32 @!p0 $0x88, s6;
	s7 =	simm.s32 @p2 $0x1082  }
0x22: {  	[simem:s7], [sflag:s8] =	dma.local @!p0 [hbm:s6], $0xF7A  }
0x23: {  	s9 =	sor.u32 $0xD0000000, s2;
	s6 =	simm.s32 $0x108;
	_ =	swait.ge @!p0 [sflag:s8], $0x0  }
0x24: {  	s3 =	sadd.s32 $0x88, s3;
	s6 =	simm.s32 @!p1 $0x1082;
	[sflag:s4] =	ssyncset.s32 $0xFFFFF086  }
0x25: {  	[simem:s6], [sflag:s4] =	dma.local [hbm:s3], $0xF7A  }
0x26: {  	[smem:$0x3F9C] =	sst s1;
	(tag) =	ssettag s2;
	_ =	strace s9  }
0x27: {  	s1 =	sld [smem:$0x3FAC]  }
0x28: {  	s2 =	sld [smem:$0x3FAD]  }
0x29: {  	s4 =	sld [smem:$0x3FAF]  }
0x2a: {  	p0 =	seq.s32 s5, $0x0;
	s5 =	sld [smem:$0x3FB0]  }
0x2b: {  	s6 =	sld [smem:$0x3FB1]  }
0x2c: {  	s7 =	sld [smem:$0x3FB2]  }
0x2d: {  	s3 =	simm.s32 $0x108;
	s8 =	sld [smem:$0x3FB3]  }
0x2e: {  	s3 =	simm.s32 @!p0 $0x1082;
	s9 =	sld [smem:$0x3FB4]  }
0x2f: {  	lr =	sadd.s32 s0, s3;
	s0 =	sld [smem:$0x3FAB]  }
0x30: {  	s3 =	sld [smem:$0x3FAE]  }
0x31: {  	[smem:$0x3FB7] =	sst s10  }
0x32: {  	s10 =	sld [smem:$0x3FB5];
	_ =	sdelay $0x3  }
0x33: {  	p0 =	seq.s32 s10, $0x1;
	s10 =	sld [smem:$0x3FB7];
	_ =	sdelay $0x3  }
0x34: {  	[smem:$0x3FB7] =	sst s10  }
0x35: {  	s10 =	sld [smem:$0x3FB6];
	_ =	sdelay $0x3  }
0x36: {  	p1 =	seq.s32 s10, $0x1;
	s10 =	sld [smem:$0x3FB7];
	_ =	sdelay $0x3  }
0x37: {  	[smem:$0x3FB7] =	sst s10  }
0x38: {  	s10 =	sld [smem:$0x3FB8]  }
0x39: {  	_ = 	snop;
	(pc) =	sbr.ind lr, $3  }
0x3a: {  	_ = 	snop  }
0x3b: {  	_ = 	snop  }
0x3c: {  	p2 =	seq.s32 s10, $0x1;
	s10 =	sld [smem:$0x3FB7]  }
0x3d: {  	_ =	shalt  }
0x3e: {  	_ =	shalt  }
0x3f: {  	_ =	shalt  }
0x40: {  	_ =	shalt  }
0x41: {  	_ =	shalt  }
0x42: {  	_ =	shalt  }
0x43: {  	_ =	shalt  }
0x44: {  	_ =	shalt  }
0x45: {  	_ =	shalt  }
0x46: {  	_ =	shalt  }
0x47: {  	_ =	shalt  }
0x48: {  	_ =	shalt  }
0x49: {  	_ =	shalt  }
0x4a: {  	_ =	shalt  }
0x4b: {  	_ =	shalt  }
0x4c: {  	_ =	shalt  }
0x4d: {  	_ =	shalt  }
0x4e: {  	_ =	shalt  }
0x4f: {  	_ =	shalt  }
0x50: {  	_ =	shalt  }
0x51: {  	_ =	shalt  }
0x52: {  	_ =	shalt  }
0x53: {  	_ =	shalt  }
0x54: {  	_ =	shalt  }
0x55: {  	_ =	shalt  }
0x56: {  	_ =	shalt  }
0x57: {  	_ =	shalt  }
0x58: {  	_ =	shalt  }
0x59: {  	_ =	shalt  }
0x5a: {  	_ =	shalt  }
0x5b: {  	_ =	shalt  }
0x5c: {  	_ =	shalt  }
0x5d: {  	_ =	shalt  }
0x5e: {  	_ =	shalt  }
0x5f: {  	_ =	shalt  }
0x60: {  	_ =	shalt  }
0x61: {  	_ =	shalt  }
0x62: {  	_ =	shalt  }
0x63: {  	_ =	shalt  }
0x64: {  	_ =	shalt  }
0x65: {  	_ =	shalt  }
0x66: {  	_ =	shalt  }
0x67: {  	_ =	shalt  }
0x68: {  	_ =	shalt  }
0x69: {  	_ =	shalt  }
0x6a: {  	_ =	shalt  }
0x6b: {  	_ =	shalt  }
0x6c: {  	_ =	shalt  }
0x6d: {  	_ =	shalt  }
0x6e: {  	_ =	shalt  }
0x6f: {  	_ =	shalt  }
0x70: {  	_ =	shalt  }
0x71: {  	_ =	shalt  }
0x72: {  	_ =	shalt  }
0x73: {  	_ =	shalt  }
0x74: {  	_ =	shalt  }
0x75: {  	_ =	shalt  }
0x76: {  	_ =	shalt  }
0x77: {  	_ =	shalt  }
0x78: {  	_ =	shalt  }
0x79: {  	_ =	shalt  }
0x7a: {  	_ =	shalt  }
0x7b: {  	_ =	shalt  }
0x7c: {  	_ =	shalt  }
0x7d: {  	_ =	shalt  }
0x7e: {  	_ =	shalt  }
0x7f: {  	_ =	shalt  }
0x80: {  	_ =	shalt  }
0x81: {  	_ =	shalt  }
0x82: {  	_ =	shalt  }
0x83: {  	_ =	shalt  }
0x84: {  	_ =	shalt  }
0x85: {  	_ =	shalt  }
0x86: {  	_ =	shalt  }
0x87: {  	_ =	shalt  }
.Lfunc_end0:
.L_simem_size_0:
called_computation.1_lowered:
.L_overlay_start_0:
0x88: {  	s2 =	sld [smem:$0x3FD9]  }
0x89: {  	s3 =	sld [smem:$0x3FFE];
	_ =	sdelay $0x1  }
0x8a: {  	s1 =	srdreg.scid  }
0x8b: {  	s0 =	sand.u32 $0x1, s1  }
0x8c: {  	s16 =	sshll.u32 s0, $0xA;
	s2 =	sadd.s32 s3, s2  }
0x8d: {  	s2 =	sadd.s32 s2, s16  }
0x8e: {  	[smem:$0x3FC3] =	sst s2  }
0x8f: {  	_ = 	snop  }
0x90: {  	(tm) =	ssettm $0x1  }
0x91: {  	s17 =	sld [smem:$0x3FFB];
	_ =	sdelay $0x3  }
0x92: {  	_ =	strace s17  }
0x93: {  	s2 =	sld [smem:$0x3FFC];
	_ =	sdelay $0x3  }
0x94: {  	_ =	strace s2  }
0x95: {  	s2 =	sld [smem:$0x3FFD];
	_ =	sdelay $0x3  }
0x96: {  	_ =	strace s2  }
0x97: {  	_ =	strace $0x8FFFFFFF  }
0x98: {  	s18 =	sld [smem:$0x3FDB];
	_ =	sdelay $0x1  }
0x99: {  	s19 =	simm.s32 $_scs_section_size  }
0x9a: {  	s4 =	simm.s32 $_size__tile_overlayer_lowered;
	s5 =	simm.s32 $_tile_overlayer_lowered  }
0x9b: {  	s22 =	simm.s32 $0x1BFF;
	s21 =	sshll.u32 s5, $0x1;
	s2 =	sadd.s32 s19, s18  }
0x9c: {  	s6 =	simm.s32 $0x0;
	s20 =	sshll.u32 s4, $0x1;
	s4 =	sadd.s32 s21, s2  }
0x9d: {  	[timem:s6], [sflag:s22] =	dma.local [hbm:s4], s20  }
0x9e: {  	_ =	swait.ge [sflag:s22], s20  }
0x9f: {  	s3 =	ssub.s32 $0x0, s20;
	[sflag:s22] =	ssyncset.done $0x0  }
0xa0: {  	[sflag:s22] =	ssyncadd.s32 s3;
	_ =	sdelay $0x1  }
0xa1: {  	s23 =	simm.s32 $0x1B8B  }
0xa2: {  	_ =	swait.ge [sflag:s23], $0x1  }
0xa3: {  	[sflag:s23] =	ssyncset.done $0x0  }
0xa4: {  	s25 =	simm.s32 $0x1B8E;
	s24 =	sld [smem:$0x3FFE];
	[sflag:s23] =	ssyncadd.s32 $0xFFFFFFFF  }
0xa5: {  	s26 =	simm.s32 $execute0_lowered;
	[smem:$0x3FD2] =	sst s25  }
0xa6: {  	s4 =	sshll.u32 s26, $0x1;
	_ =	strace $0x80000049;
	[dreg:$0x1] =	wrdreg $0xFFFFFFFF  }
0xa7: {  	s28 =	simm.s32 $_size_execute0_lowered;
	s2 =	sadd.s32 s2, s4;
	[dreg:$0x0] =	wrdreg $0x0  }
0xa8: {  	s4 =	sshll.u32 s28, $0x1;
	[dreg:$0x2] =	wrdreg s2  }
0xa9: {  	[dreg:$0x3] =	wrdreg s4  }
0xaa: {  	[dreg:$0x4] =	wrdreg $0xC0  }
0xab: {  	_ =	task [dreg:s6], $0x5FFFF  }
0xac: {  	[dreg:$0x1] =	wrdreg $0xFFFFFFFF  }
0xad: {  	[dreg:$0x0] =	wrdreg $0x60  }
0xae: {  	[dreg:$0x2] =	wrdreg s24  }
0xaf: {  	[dreg:$0x3] =	wrdreg $0x9  }
0xb0: {  	_ =	task.clear_ibuf [dreg:s6], $0x4FFFF;
	_ =	strace $0x90000049  }
0xb1: {  	s29 =	simm.s32 $0x9;
	_ =	strace $0x8000004B  }
0xb2: {  	_ =	swait.ge [sflag:s29], $0x1  }
0xb3: {  	[sflag:s29] =	ssyncadd.s32 $0xFFFFFFFF  }
0xb4: {  	_ =	strace $0x9000004B  }
0xb5: {  	_ =	sfence  }
0xb6: {  	s30 =	sld [smem:$0x0];
	_ =	sdelay $0x2  }
0xb7: {  	s31 =	sshll.u32 s1, $0xD;
	s1 =	sshrl.u32 s1, $0x2  }
0xb8: {  	s3 =	sand.u32 $0x4000, s31;
	s1 =	sadd.s32 s1, s30  }
0xb9: {  	s0 =	sor.u32 s3, s0;
	s1 =	sshll.u32 s1, $0x11  }
0xba: {  	s0 =	sor.u32 s1, s0  }
0xbb: {  	s0 =	sadd.s32 $0x8F2B, s0  }
0xbc: {  	[sflag:s0] =	ssyncadd.remote.s32 $0x1  }
0xbd: {  	_ =	sfence.sel $0xFFFF  }
0xbe: {  	[dreg:$0x0] =	wrdreg $0xFFFFFFFF;
	(pc) =	sbr.abs _section_cstart, $3  }
0xbf: {  	[dreg:$0x1] =	wrdreg $0xFFFFFFFF  }
0xc0: {  	_ =	task.clear_ibuf [dreg:s6], $0x2FFFF;
	_ =	strace $0x9FFFFFFF  }
0xc1: {  	(tm) =	ssettm $0x7FFFFFFF  }
tec
execute0_lowered:
.L_overlay_start_1:
0x0: {  	(tag) =	ssettag $0x1  }
0x1: {  	s0 =	srdreg.scid  }
0x2: {  	s2 =	stileid.u32;
	s0 =	sand.u32 $0x1, s0  }
0x3: {  	s2 =	sshll.u32 s2, $0x8;
	s1 =	sshll.u32 s0, $0xC  }
0x4: {  	s6 =	rddreg [dreg:$0x0];
	s1 =	sor.u32 s2, s1  }
0x5: {  	s29 =	simm.s32 $0x100;
	s18 =	simm.s32 $0x2;
	s3 =	sshrl.u32 s1, $0x3  }
0x6: {  	s2 =	simm.s32 $0x0;
	s1 =	sshll.u32 s1, $0x7;
	s3 =	sadd.s32 s3, s6  }
0x7: {  	[smem:$0x7FF] =	sst s2;
	s1 =	sadd.s32 s1, s6;
	s3 =	sadd.s32 $0x212A00, s3  }
0x8: {  	_ =	strace $0x8000004A;
	s4 =	sadd.s32 $0x12400, s1;
	[dreg:$0x2] =	wrdreg s3  }
0x9: {  	s19 =	simm.s32 $0x3;
	s25 =	sadd.s32 $0x13400, s1;
	[dreg:$0x3] =	wrdreg s4  }
0xa: {  	s20 =	simm.s32 $0x4;
	s26 =	sadd.s32 $0x14400, s1;
	[dreg:$0x4] =	wrdreg s25  }
0xb: {  	s0 =	ssub.s32 $0x2, s0;
	s28 =	sadd.s32 $0x15400, s1;
	[dreg:$0x5] =	wrdreg s26  }
0xc: {  	s5 =	sshrl.u32 s0, $0x1;
	s30 =	sadd.s32 $0x16400, s1;
	[dreg:$0x6] =	wrdreg s28  }
0xd: {  	s0 =	ssub.s32 s0, s5;
	s7 =	sadd.s32 $0x17400, s1;
	[dreg:$0x7] =	wrdreg s30  }
0xe: {  	s5 =	sadd.s32 $0x213000, s6;
	s31 =	sadd.s32 $0x18400, s1;
	[dreg:$0x8] =	wrdreg s7  }
0xf: {  	v2 =	vlaneseq.u32;
	s1 =	sadd.s32 $0x19400, s1;
	s3 =	sadd.s32 $0x212E00, s6;
	[dreg:$0x9] =	wrdreg s31  }
0x10: {  	vm0 =	vmmov $0xffff;
	v1 =	vshrl.u32 v2, $0x3;
	s4 =	sadd.s32 $0x212F00, s6;
	s6 =	sadd.s32 $0x213100, s6;
	[dreg:$0xa] =	wrdreg s1  }
0x11: {  	v0 =	vand.u32 $0x7, v2;
	v2 =	vor.u32 $0x8, v2;
	v1 =	vmul.u32 $0x8, v1;
	s7 =	smax.u32 s0, $0x1;
	s25 =	simm.s32 $0x1;
	s26 =	simm.s32 $0x8100  }
.LBB2_1:
0x12: {  	s21 =	rddreg [dreg:$0x2];
	s13 =	simm.s32 $0x5  }
0x13: {  	[tilespmem:s2], [sflag:$0x5] =	stream.linear.gather [hbm4b:s21+s2], $0x100, $0x38;
	[tilespmem:$0x10200] =	vst v63  }
0x14: {  	_ =	swait.ge [sflag:s13], $0x100  }
0x15: {  	[sflag:s13] =	ssyncset.done $0x0  }
0x16: {  	[sflag:s13] =	ssyncadd.s32 $0xFFFFFF00  }
0x17: {  	v3 =	vld [tilespmem:$0x0];
	_ =	sdelay $0x4  }
0x18: {  	v4 =	vshll.u32 v3, $0x3  }
0x19: {  	v5 =	vand.u32 $0x7, v3;
	v4 =	vand.u32 $0xFFFFFFC0, v4  }
0x1a: {  	v4 =	vor.u32 v5, v4  }
0x1b: {  	v5 =	vperm.xlane v4, v0  }
0x1c: {  	v6 =	vld [tilespmem:$0x10]  }
0x1d: {  	v5 =	vadd.s32 v1, v5;
	_ =	sdelay $0x2  }
0x1e: {  	[tilespmem:$0x10100] =	vst v3  }
0x1f: {  	[tilespmem:$0x10110] =	vst v6  }
0x20: {  	[tilespmem:s29], [sflag:$0x1] =	stream.indirect_vreg.gather [hbm4b:s3+s2], $0x80, v5, vm0, $0xb8;
	[tilespmem:$0x10200] =	vst v63  }
0x21: {  	s0 =	simm.s32 $0x900;
	v3 =	vperm.xlane v4, v2  }
0x22: {  	[tilespmem:s0], [sflag:$0x1] =	stream.indirect_vreg.gather [hbm4b:s4+s2], $0x80, v5, vm0, $0xb8;
	[tilespmem:$0x10200] =	vst v63  }
0x23: {  	s14 =	simm.s32 $0x1100;
	v3 =	vadd.s32 v1, v3  }
0x24: {  	[tilespmem:s14], [sflag:$0x1] =	stream.indirect_vreg.gather [hbm4b:s5+s2], $0x80, v5, vm0, $0xb8;
	[tilespmem:$0x10200] =	vst v63  }
0x25: {  	s15 =	simm.s32 $0x1900  }
0x26: {  	[tilespmem:s15], [sflag:$0x1] =	stream.indirect_vreg.gather [hbm4b:s6+s2], $0x80, v5, vm0, $0xb8;
	[tilespmem:$0x10200] =	vst v63  }
0x27: {  	s16 =	simm.s32 $0x2100  }
0x28: {  	[tilespmem:s16], [sflag:$0x1] =	stream.indirect_vreg.gather [hbm4b:s3+s2], $0x80, v3, vm0, $0xb8;
	[tilespmem:$0x10200] =	vst v63  }
0x29: {  	s17 =	simm.s32 $0x2900  }
0x2a: {  	[tilespmem:s17], [sflag:$0x1] =	stream.indirect_vreg.gather [hbm4b:s4+s2], $0x80, v3, vm0, $0xb8;
	[tilespmem:$0x10200] =	vst v63  }
0x2b: {  	s21 =	simm.s32 $0x3100  }
0x2c: {  	[tilespmem:s21], [sflag:$0x1] =	stream.indirect_vreg.gather [hbm4b:s5+s2], $0x80, v3, vm0, $0xb8;
	[tilespmem:$0x10200] =	vst v63  }
0x2d: {  	s22 =	simm.s32 $0x3900  }
0x2e: {  	[tilespmem:s22], [sflag:$0x1] =	stream.indirect_vreg.gather [hbm4b:s6+s2], $0x80, v3, vm0, $0xb8;
	[tilespmem:$0x10200] =	vst v63  }
0x2f: {  	v3 =	vld [tilespmem:$0x10110];
	_ =	sdelay $0x4  }
0x30: {  	v35 =	vshll.u32 v3, $0x3  }
0x31: {  	v3 =	vand.u32 $0x7, v3;
	v4 =	vand.u32 $0xFFFFFFC0, v35  }
0x32: {  	v3 =	vor.u32 v3, v4  }
0x33: {  	v4 =	vperm.xlane v3, v0;
	_ =	sdelay $0x1  }
0x34: {  	v4 =	vadd.s32 v1, v4;
	_ =	sdelay $0x3  }
0x35: {  	s23 =	simm.s32 $0x4100  }
0x36: {  	[tilespmem:s23], [sflag:$0x1] =	stream.indirect_vreg.gather [hbm4b:s3+s2], $0x80, v4, vm0, $0xb8;
	[tilespmem:$0x10200] =	vst v63  }
0x37: {  	s24 =	simm.s32 $0x4900;
	v3 =	vperm.xlane v3, v2  }
0x38: {  	[tilespmem:s24], [sflag:$0x1] =	stream.indirect_vreg.gather [hbm4b:s4+s2], $0x80, v4, vm0, $0xb8;
	[tilespmem:$0x10200] =	vst v63  }
0x39: {  	s28 =	simm.s32 $0x5100;
	v3 =	vadd.s32 v1, v3  }
0x3a: {  	[tilespmem:s28], [sflag:$0x1] =	stream.indirect_vreg.gather [hbm4b:s5+s2], $0x80, v4, vm0, $0xb8;
	[tilespmem:$0x10200] =	vst v63  }
0x3b: {  	s30 =	simm.s32 $0x5900  }
0x3c: {  	[tilespmem:s30], [sflag:$0x1] =	stream.indirect_vreg.gather [hbm4b:s6+s2], $0x80, v4, vm0, $0xb8;
	[tilespmem:$0x10200] =	vst v63  }
0x3d: {  	s31 =	simm.s32 $0x6100  }
0x3e: {  	[tilespmem:s31], [sflag:$0x1] =	stream.indirect_vreg.gather [hbm4b:s3+s2], $0x80, v3, vm0, $0xb8;
	[tilespmem:$0x10200] =	vst v63  }
0x3f: {  	s9 =	simm.s32 $0x6900  }
0x40: {  	[tilespmem:s9], [sflag:$0x1] =	stream.indirect_vreg.gather [hbm4b:s4+s2], $0x80, v3, vm0, $0xb8;
	[tilespmem:$0x10200] =	vst v63  }
0x41: {  	s15 =	simm.s32 $0x7100  }
0x42: {  	[tilespmem:s15], [sflag:$0x1] =	stream.indirect_vreg.gather [hbm4b:s5+s2], $0x80, v3, vm0, $0xb8;
	[tilespmem:$0x10200] =	vst v63  }
0x43: {  	s16 =	simm.s32 $0x7900  }
0x44: {  	[tilespmem:s16], [sflag:$0x1] =	stream.indirect_vreg.gather [hbm4b:s6+s2], $0x80, v3, vm0, $0xb8;
	[tilespmem:$0x10200] =	vst v63  }
0x45: {  	_ =	swait.ge [sflag:s25], $0x8000  }
0x46: {  	[sflag:s25] =	ssyncset.done $0x0  }
0x47: {  	s17 =	rddreg [dreg:$0x3];
	[sflag:s25] =	ssyncadd.s32 $0xFFFF8000  }
0x48: {  	[hbm4b:s17+s2] =	stream.linear.scatter [tilespmem:s29], [sflag:$0x3], $0x8000, $0x38;
	[tilespmem:$0x10200] =	vst v63  }
0x49: {  	v3 =	vld [tilespmem:$0x20];
	_ =	sdelay $0x4  }
0x4a: {  	v36 =	vshll.u32 v3, $0x3  }
0x4b: {  	v37 =	vand.u32 $0x7, v3;
	v4 =	vand.u32 $0xFFFFFFC0, v36  }
0x4c: {  	v4 =	vor.u32 v37, v4  }
0x4d: {  	v5 =	vperm.xlane v4, v0  }
0x4e: {  	v38 =	vld [tilespmem:$0x30]  }
0x4f: {  	v5 =	vadd.s32 v1, v5;
	_ =	sdelay $0x2  }
0x50: {  	[tilespmem:$0x10180] =	vst v3  }
0x51: {  	[tilespmem:$0x10190] =	vst v38  }
0x52: {  	[tilespmem:s26], [sflag:$0x2] =	stream.indirect_vreg.gather [hbm4b:s3+s2], $0x80, v5, vm0, $0xb8;
	[tilespmem:$0x10200] =	vst v63  }
0x53: {  	s21 =	simm.s32 $0x8900;
	v3 =	vperm.xlane v4, v2  }
0x54: {  	[tilespmem:s21], [sflag:$0x2] =	stream.indirect_vreg.gather [hbm4b:s4+s2], $0x80, v5, vm0, $0xb8;
	[tilespmem:$0x10200] =	vst v63  }
0x55: {  	s22 =	simm.s32 $0x9100;
	v3 =	vadd.s32 v1, v3  }
0x56: {  	[tilespmem:s22], [sflag:$0x2] =	stream.indirect_vreg.gather [hbm4b:s5+s2], $0x80, v5, vm0, $0xb8;
	[tilespmem:$0x10200] =	vst v63  }
0x57: {  	s23 =	simm.s32 $0x9900  }
0x58: {  	[tilespmem:s23], [sflag:$0x2] =	stream.indirect_vreg.gather [hbm4b:s6+s2], $0x80, v5, vm0, $0xb8;
	[tilespmem:$0x10200] =	vst v63  }
0x59: {  	s24 =	simm.s32 $0xA100  }
0x5a: {  	[tilespmem:s24], [sflag:$0x2] =	stream.indirect_vreg.gather [hbm4b:s3+s2], $0x80, v3, vm0, $0xb8;
	[tilespmem:$0x10200] =	vst v63  }
0x5b: {  	s28 =	simm.s32 $0xA900  }
0x5c: {  	[tilespmem:s28], [sflag:$0x2] =	stream.indirect_vreg.gather [hbm4b:s4+s2], $0x80, v3, vm0, $0xb8;
	[tilespmem:$0x10200] =	vst v63  }
0x5d: {  	s30 =	simm.s32 $0xB100  }
0x5e: {  	[tilespmem:s30], [sflag:$0x2] =	stream.indirect_vreg.gather [hbm4b:s5+s2], $0x80, v3, vm0, $0xb8;
	[tilespmem:$0x10200] =	vst v63  }
0x5f: {  	s31 =	simm.s32 $0xB900  }
0x60: {  	[tilespmem:s31], [sflag:$0x2] =	stream.indirect_vreg.gather [hbm4b:s6+s2], $0x80, v3, vm0, $0xb8;
	[tilespmem:$0x10200] =	vst v63  }
0x61: {  	v3 =	vld [tilespmem:$0x10190];
	_ =	sdelay $0x4  }
0x62: {  	v39 =	vshll.u32 v3, $0x3  }
0x63: {  	v3 =	vand.u32 $0x7, v3;
	v4 =	vand.u32 $0xFFFFFFC0, v39  }
0x64: {  	v3 =	vor.u32 v3, v4  }
0x65: {  	v4 =	vperm.xlane v3, v0;
	_ =	sdelay $0x1  }
0x66: {  	v4 =	vadd.s32 v1, v4;
	_ =	sdelay $0x3  }
0x67: {  	s0 =	simm.s32 $0xC100  }
0x68: {  	[tilespmem:s0], [sflag:$0x2] =	stream.indirect_vreg.gather [hbm4b:s3+s2], $0x80, v4, vm0, $0xb8;
	[tilespmem:$0x10200] =	vst v63  }
0x69: {  	s9 =	simm.s32 $0xC900;
	v3 =	vperm.xlane v3, v2  }
0x6a: {  	[tilespmem:s9], [sflag:$0x2] =	stream.indirect_vreg.gather [hbm4b:s4+s2], $0x80, v4, vm0, $0xb8;
	[tilespmem:$0x10200] =	vst v63  }
0x6b: {  	s15 =	simm.s32 $0xD100;
	v3 =	vadd.s32 v1, v3  }
0x6c: {  	[tilespmem:s15], [sflag:$0x2] =	stream.indirect_vreg.gather [hbm4b:s5+s2], $0x80, v4, vm0, $0xb8;
	[tilespmem:$0x10200] =	vst v63  }
0x6d: {  	s23 =	simm.s32 $0xD900  }
0x6e: {  	[tilespmem:s23], [sflag:$0x2] =	stream.indirect_vreg.gather [hbm4b:s6+s2], $0x80, v4, vm0, $0xb8;
	[tilespmem:$0x10200] =	vst v63  }
0x6f: {  	s0 =	simm.s32 $0xE100  }
0x70: {  	[tilespmem:s0], [sflag:$0x2] =	stream.indirect_vreg.gather [hbm4b:s3+s2], $0x80, v3, vm0, $0xb8;
	[tilespmem:$0x10200] =	vst v63  }
0x71: {  	s9 =	simm.s32 $0xE900  }
0x72: {  	[tilespmem:s9], [sflag:$0x2] =	stream.indirect_vreg.gather [hbm4b:s4+s2], $0x80, v3, vm0, $0xb8;
	[tilespmem:$0x10200] =	vst v63  }
0x73: {  	s15 =	simm.s32 $0xF100  }
0x74: {  	[tilespmem:s15], [sflag:$0x2] =	stream.indirect_vreg.gather [hbm4b:s5+s2], $0x80, v3, vm0, $0xb8;
	[tilespmem:$0x10200] =	vst v63  }
0x75: {  	s23 =	simm.s32 $0xF900  }
0x76: {  	[tilespmem:s23], [sflag:$0x2] =	stream.indirect_vreg.gather [hbm4b:s6+s2], $0x80, v3, vm0, $0xb8;
	[tilespmem:$0x10200] =	vst v63  }
0x77: {  	_ =	swait.ge [sflag:s18], $0x8000  }
0x78: {  	[sflag:s18] =	ssyncset.done $0x0  }
0x79: {  	s0 =	rddreg [dreg:$0x4];
	[sflag:s18] =	ssyncadd.s32 $0xFFFF8000  }
0x7a: {  	[hbm4b:s0+s2] =	stream.linear.scatter [tilespmem:s26], [sflag:$0x4], $0x8000, $0x38;
	[tilespmem:$0x10200] =	vst v63  }
0x7b: {  	_ =	swait.ge [sflag:s19], $0x8000  }
0x7c: {  	[sflag:s19] =	ssyncset.done $0x0  }
0x7d: {  	[sflag:s19] =	ssyncadd.s32 $0xFFFF8000  }
0x7e: {  	v3 =	vld [tilespmem:$0x40];
	_ =	sdelay $0x4  }
0x7f: {  	v40 =	vshll.u32 v3, $0x3  }
0x80: {  	v41 =	vand.u32 $0x7, v3;
	v4 =	vand.u32 $0xFFFFFFC0, v40  }
0x81: {  	v4 =	vor.u32 v41, v4  }
0x82: {  	v5 =	vperm.xlane v4, v0  }
0x83: {  	v42 =	vld [tilespmem:$0x50]  }
0x84: {  	v5 =	vadd.s32 v1, v5;
	_ =	sdelay $0x2  }
0x85: {  	[tilespmem:$0x10100] =	vst v3  }
0x86: {  	[tilespmem:$0x10110] =	vst v42  }
0x87: {  	[tilespmem:s29], [sflag:$0x1] =	stream.indirect_vreg.gather [hbm4b:s3+s2], $0x80, v5, vm0, $0xb8;
	[tilespmem:$0x10200] =	vst v63  }
0x88: {  	s8 =	simm.s32 $0x900;
	v3 =	vperm.xlane v4, v2  }
0x89: {  	[tilespmem:s8], [sflag:$0x1] =	stream.indirect_vreg.gather [hbm4b:s4+s2], $0x80, v5, vm0, $0xb8;
	[tilespmem:$0x10200] =	vst v63  }
0x8a: {  	s1 =	simm.s32 $0x1100;
	v3 =	vadd.s32 v1, v3  }
0x8b: {  	[tilespmem:s1], [sflag:$0x1] =	stream.indirect_vreg.gather [hbm4b:s5+s2], $0x80, v5, vm0, $0xb8;
	[tilespmem:$0x10200] =	vst v63  }
0x8c: {  	s9 =	simm.s32 $0x1900  }
0x8d: {  	[tilespmem:s9], [sflag:$0x1] =	stream.indirect_vreg.gather [hbm4b:s6+s2], $0x80, v5, vm0, $0xb8;
	[tilespmem:$0x10200] =	vst v63  }
0x8e: {  	s8 =	simm.s32 $0x2100  }
0x8f: {  	[tilespmem:s8], [sflag:$0x1] =	stream.indirect_vreg.gather [hbm4b:s3+s2], $0x80, v3, vm0, $0xb8;
	[tilespmem:$0x10200] =	vst v63  }
0x90: {  	s10 =	simm.s32 $0x2900  }
0x91: {  	[tilespmem:s10], [sflag:$0x1] =	stream.indirect_vreg.gather [hbm4b:s4+s2], $0x80, v3, vm0, $0xb8;
	[tilespmem:$0x10200] =	vst v63  }
0x92: {  	s11 =	simm.s32 $0x3100  }
0x93: {  	[tilespmem:s11], [sflag:$0x1] =	stream.indirect_vreg.gather [hbm4b:s5+s2], $0x80, v3, vm0, $0xb8;
	[tilespmem:$0x10200] =	vst v63  }
0x94: {  	s14 =	simm.s32 $0x3900  }
0x95: {  	[tilespmem:s14], [sflag:$0x1] =	stream.indirect_vreg.gather [hbm4b:s6+s2], $0x80, v3, vm0, $0xb8;
	[tilespmem:$0x10200] =	vst v63  }
0x96: {  	v3 =	vld [tilespmem:$0x10110];
	_ =	sdelay $0x4  }
0x97: {  	v43 =	vshll.u32 v3, $0x3  }
0x98: {  	v3 =	vand.u32 $0x7, v3;
	v4 =	vand.u32 $0xFFFFFFC0, v43  }
0x99: {  	v3 =	vor.u32 v3, v4  }
0x9a: {  	v4 =	vperm.xlane v3, v0;
	_ =	sdelay $0x1  }
0x9b: {  	v4 =	vadd.s32 v1, v4;
	_ =	sdelay $0x3  }
0x9c: {  	s12 =	simm.s32 $0x4100  }
0x9d: {  	[tilespmem:s12], [sflag:$0x1] =	stream.indirect_vreg.gather [hbm4b:s3+s2], $0x80, v4, vm0, $0xb8;
	[tilespmem:$0x10200] =	vst v63  }
0x9e: {  	s13 =	simm.s32 $0x4900;
	v3 =	vperm.xlane v3, v2  }
0x9f: {  	[tilespmem:s13], [sflag:$0x1] =	stream.indirect_vreg.gather [hbm4b:s4+s2], $0x80, v4, vm0, $0xb8;
	[tilespmem:$0x10200] =	vst v63  }
0xa0: {  	s10 =	simm.s32 $0x5100;
	v3 =	vadd.s32 v1, v3  }
0xa1: {  	[tilespmem:s10], [sflag:$0x1] =	stream.indirect_vreg.gather [hbm4b:s5+s2], $0x80, v4, vm0, $0xb8;
	[tilespmem:$0x10200] =	vst v63  }
0xa2: {  	s11 =	simm.s32 $0x5900  }
0xa3: {  	[tilespmem:s11], [sflag:$0x1] =	stream.indirect_vreg.gather [hbm4b:s6+s2], $0x80, v4, vm0, $0xb8;
	[tilespmem:$0x10200] =	vst v63  }
0xa4: {  	s12 =	simm.s32 $0x6100  }
0xa5: {  	[tilespmem:s12], [sflag:$0x1] =	stream.indirect_vreg.gather [hbm4b:s3+s2], $0x80, v3, vm0, $0xb8;
	[tilespmem:$0x10200] =	vst v63  }
0xa6: {  	s13 =	simm.s32 $0x6900  }
0xa7: {  	[tilespmem:s13], [sflag:$0x1] =	stream.indirect_vreg.gather [hbm4b:s4+s2], $0x80, v3, vm0, $0xb8;
	[tilespmem:$0x10200] =	vst v63  }
0xa8: {  	s14 =	simm.s32 $0x7100  }
0xa9: {  	[tilespmem:s14], [sflag:$0x1] =	stream.indirect_vreg.gather [hbm4b:s5+s2], $0x80, v3, vm0, $0xb8;
	[tilespmem:$0x10200] =	vst v63  }
0xaa: {  	s15 =	simm.s32 $0x7900  }
0xab: {  	[tilespmem:s15], [sflag:$0x1] =	stream.indirect_vreg.gather [hbm4b:s6+s2], $0x80, v3, vm0, $0xb8;
	[tilespmem:$0x10200] =	vst v63  }
0xac: {  	_ =	swait.ge [sflag:s25], $0x8000  }
0xad: {  	[sflag:s25] =	ssyncset.done $0x0  }
0xae: {  	s1 =	rddreg [dreg:$0x5];
	[sflag:s25] =	ssyncadd.s32 $0xFFFF8000  }
0xaf: {  	[hbm4b:s1+s2] =	stream.linear.scatter [tilespmem:s29], [sflag:$0x3], $0x8000, $0x38;
	[tilespmem:$0x10200] =	vst v63  }
0xb0: {  	_ =	swait.ge [sflag:s20], $0x8000  }
0xb1: {  	[sflag:s20] =	ssyncset.done $0x0  }
0xb2: {  	[sflag:s20] =	ssyncadd.s32 $0xFFFF8000  }
0xb3: {  	v3 =	vld [tilespmem:$0x60];
	_ =	sdelay $0x4  }
0xb4: {  	v44 =	vshll.u32 v3, $0x3  }
0xb5: {  	v45 =	vand.u32 $0x7, v3;
	v4 =	vand.u32 $0xFFFFFFC0, v44  }
0xb6: {  	v4 =	vor.u32 v45, v4  }
0xb7: {  	v5 =	vperm.xlane v4, v0  }
0xb8: {  	v46 =	vld [tilespmem:$0x70]  }
0xb9: {  	v5 =	vadd.s32 v1, v5;
	_ =	sdelay $0x2  }
0xba: {  	[tilespmem:$0x10180] =	vst v3  }
0xbb: {  	[tilespmem:$0x10190] =	vst v46  }
0xbc: {  	[tilespmem:s26], [sflag:$0x2] =	stream.indirect_vreg.gather [hbm4b:s3+s2], $0x80, v5, vm0, $0xb8;
	[tilespmem:$0x10200] =	vst v63  }
0xbd: {  	s1 =	simm.s32 $0x8900;
	v3 =	vperm.xlane v4, v2  }
0xbe: {  	[tilespmem:s1], [sflag:$0x2] =	stream.indirect_vreg.gather [hbm4b:s4+s2], $0x80, v5, vm0, $0xb8;
	[tilespmem:$0x10200] =	vst v63  }
0xbf: {  	s0 =	simm.s32 $0x9100;
	v3 =	vadd.s32 v1, v3  }
0xc0: {  	[tilespmem:s0], [sflag:$0x2] =	stream.indirect_vreg.gather [hbm4b:s5+s2], $0x80, v5, vm0, $0xb8;
	[tilespmem:$0x10200] =	vst v63  }
0xc1: {  	s21 =	simm.s32 $0x9900  }
0xc2: {  	[tilespmem:s21], [sflag:$0x2] =	stream.indirect_vreg.gather [hbm4b:s6+s2], $0x80, v5, vm0, $0xb8;
	[tilespmem:$0x10200] =	vst v63  }
0xc3: {  	s24 =	simm.s32 $0xA100  }
0xc4: {  	[tilespmem:s24], [sflag:$0x2] =	stream.indirect_vreg.gather [hbm4b:s3+s2], $0x80, v3, vm0, $0xb8;
	[tilespmem:$0x10200] =	vst v63  }
0xc5: {  	s28 =	simm.s32 $0xA900  }
0xc6: {  	[tilespmem:s28], [sflag:$0x2] =	stream.indirect_vreg.gather [hbm4b:s4+s2], $0x80, v3, vm0, $0xb8;
	[tilespmem:$0x10200] =	vst v63  }
0xc7: {  	s30 =	simm.s32 $0xB100  }
0xc8: {  	[tilespmem:s30], [sflag:$0x2] =	stream.indirect_vreg.gather [hbm4b:s5+s2], $0x80, v3, vm0, $0xb8;
	[tilespmem:$0x10200] =	vst v63  }
0xc9: {  	s16 =	simm.s32 $0xB900  }
0xca: {  	[tilespmem:s16], [sflag:$0x2] =	stream.indirect_vreg.gather [hbm4b:s6+s2], $0x80, v3, vm0, $0xb8;
	[tilespmem:$0x10200] =	vst v63  }
0xcb: {  	v3 =	vld [tilespmem:$0x10190];
	_ =	sdelay $0x4  }
0xcc: {  	v47 =	vshll.u32 v3, $0x3  }
0xcd: {  	v3 =	vand.u32 $0x7, v3;
	v4 =	vand.u32 $0xFFFFFFC0, v47  }
0xce: {  	v3 =	vor.u32 v3, v4  }
0xcf: {  	v4 =	vperm.xlane v3, v0;
	_ =	sdelay $0x1  }
0xd0: {  	v4 =	vadd.s32 v1, v4;
	_ =	sdelay $0x3  }
0xd1: {  	s17 =	simm.s32 $0xC100  }
0xd2: {  	[tilespmem:s17], [sflag:$0x2] =	stream.indirect_vreg.gather [hbm4b:s3+s2], $0x80, v4, vm0, $0xb8;
	[tilespmem:$0x10200] =	vst v63  }
0xd3: {  	s22 =	simm.s32 $0xC900;
	v3 =	vperm.xlane v3, v2  }
0xd4: {  	[tilespmem:s22], [sflag:$0x2] =	stream.indirect_vreg.gather [hbm4b:s4+s2], $0x80, v4, vm0, $0xb8;
	[tilespmem:$0x10200] =	vst v63  }
0xd5: {  	s31 =	simm.s32 $0xD100;
	v3 =	vadd.s32 v1, v3  }
0xd6: {  	[tilespmem:s31], [sflag:$0x2] =	stream.indirect_vreg.gather [hbm4b:s5+s2], $0x80, v4, vm0, $0xb8;
	[tilespmem:$0x10200] =	vst v63  }
0xd7: {  	s22 =	simm.s32 $0xD900  }
0xd8: {  	[tilespmem:s22], [sflag:$0x2] =	stream.indirect_vreg.gather [hbm4b:s6+s2], $0x80, v4, vm0, $0xb8;
	[tilespmem:$0x10200] =	vst v63  }
0xd9: {  	s31 =	simm.s32 $0xE100  }
0xda: {  	[tilespmem:s31], [sflag:$0x2] =	stream.indirect_vreg.gather [hbm4b:s3+s2], $0x80, v3, vm0, $0xb8;
	[tilespmem:$0x10200] =	vst v63  }
0xdb: {  	s22 =	simm.s32 $0xE900  }
0xdc: {  	[tilespmem:s22], [sflag:$0x2] =	stream.indirect_vreg.gather [hbm4b:s4+s2], $0x80, v3, vm0, $0xb8;
	[tilespmem:$0x10200] =	vst v63  }
0xdd: {  	s21 =	simm.s32 $0xF100  }
0xde: {  	[tilespmem:s21], [sflag:$0x2] =	stream.indirect_vreg.gather [hbm4b:s5+s2], $0x80, v3, vm0, $0xb8;
	[tilespmem:$0x10200] =	vst v63  }
0xdf: {  	s23 =	simm.s32 $0xF900  }
0xe0: {  	[tilespmem:s23], [sflag:$0x2] =	stream.indirect_vreg.gather [hbm4b:s6+s2], $0x80, v3, vm0, $0xb8;
	[tilespmem:$0x10200] =	vst v63  }
0xe1: {  	_ =	swait.ge [sflag:s18], $0x8000  }
0xe2: {  	[sflag:s18] =	ssyncset.done $0x0  }
0xe3: {  	s23 =	rddreg [dreg:$0x6];
	[sflag:s18] =	ssyncadd.s32 $0xFFFF8000  }
0xe4: {  	[hbm4b:s23+s2] =	stream.linear.scatter [tilespmem:s26], [sflag:$0x4], $0x8000, $0x38;
	[tilespmem:$0x10200] =	vst v63  }
0xe5: {  	_ =	swait.ge [sflag:s19], $0x8000  }
0xe6: {  	[sflag:s19] =	ssyncset.done $0x0  }
0xe7: {  	[sflag:s19] =	ssyncadd.s32 $0xFFFF8000  }
0xe8: {  	v3 =	vld [tilespmem:$0x80];
	_ =	sdelay $0x4  }
0xe9: {  	v48 =	vshll.u32 v3, $0x3  }
0xea: {  	v49 =	vand.u32 $0x7, v3;
	v4 =	vand.u32 $0xFFFFFFC0, v48  }
0xeb: {  	v4 =	vor.u32 v49, v4  }
0xec: {  	v5 =	vperm.xlane v4, v0  }
0xed: {  	v50 =	vld [tilespmem:$0x90]  }
0xee: {  	v5 =	vadd.s32 v1, v5;
	_ =	sdelay $0x2  }
0xef: {  	[tilespmem:$0x10100] =	vst v3  }
0xf0: {  	[tilespmem:$0x10110] =	vst v50  }
0xf1: {  	[tilespmem:s29], [sflag:$0x1] =	stream.indirect_vreg.gather [hbm4b:s3+s2], $0x80, v5, vm0, $0xb8;
	[tilespmem:$0x10200] =	vst v63  }
0xf2: {  	s23 =	simm.s32 $0x900;
	v3 =	vperm.xlane v4, v2  }
0xf3: {  	[tilespmem:s23], [sflag:$0x1] =	stream.indirect_vreg.gather [hbm4b:s4+s2], $0x80, v5, vm0, $0xb8;
	[tilespmem:$0x10200] =	vst v63  }
0xf4: {  	v3 =	vadd.s32 v1, v3;
	s23 =	simm.s32 $0x1100  }
0xf5: {  	[tilespmem:s23], [sflag:$0x1] =	stream.indirect_vreg.gather [hbm4b:s5+s2], $0x80, v5, vm0, $0xb8;
	[tilespmem:$0x10200] =	vst v63  }
0xf6: {  	_ = 	snop  }
0xf7: {  	[tilespmem:s9], [sflag:$0x1] =	stream.indirect_vreg.gather [hbm4b:s6+s2], $0x80, v5, vm0, $0xb8;
	[tilespmem:$0x10200] =	vst v63  }
0xf8: {  	_ = 	snop  }
0xf9: {  	[tilespmem:s8], [sflag:$0x1] =	stream.indirect_vreg.gather [hbm4b:s3+s2], $0x80, v3, vm0, $0xb8;
	[tilespmem:$0x10200] =	vst v63  }
0xfa: {  	s23 =	simm.s32 $0x2900  }
0xfb: {  	[tilespmem:s23], [sflag:$0x1] =	stream.indirect_vreg.gather [hbm4b:s4+s2], $0x80, v3, vm0, $0xb8;
	[tilespmem:$0x10200] =	vst v63  }
0xfc: {  	s23 =	simm.s32 $0x3100  }
0xfd: {  	[tilespmem:s23], [sflag:$0x1] =	stream.indirect_vreg.gather [hbm4b:s5+s2], $0x80, v3, vm0, $0xb8;
	[tilespmem:$0x10200] =	vst v63  }
0xfe: {  	s23 =	simm.s32 $0x3900  }
0xff: {  	[tilespmem:s23], [sflag:$0x1] =	stream.indirect_vreg.gather [hbm4b:s6+s2], $0x80, v3, vm0, $0xb8;
	[tilespmem:$0x10200] =	vst v63  }
0x100: {  	v3 =	vld [tilespmem:$0x10110];
	_ =	sdelay $0x4  }
0x101: {  	v51 =	vshll.u32 v3, $0x3  }
0x102: {  	v3 =	vand.u32 $0x7, v3;
	v4 =	vand.u32 $0xFFFFFFC0, v51  }
0x103: {  	v3 =	vor.u32 v3, v4  }
0x104: {  	v4 =	vperm.xlane v3, v0;
	_ =	sdelay $0x1  }
0x105: {  	v4 =	vadd.s32 v1, v4;
	_ =	sdelay $0x3  }
0x106: {  	s23 =	simm.s32 $0x4100  }
0x107: {  	[tilespmem:s23], [sflag:$0x1] =	stream.indirect_vreg.gather [hbm4b:s3+s2], $0x80, v4, vm0, $0xb8;
	[tilespmem:$0x10200] =	vst v63  }
0x108: {  	v3 =	vperm.xlane v3, v2;
	s23 =	simm.s32 $0x4900  }
0x109: {  	[tilespmem:s23], [sflag:$0x1] =	stream.indirect_vreg.gather [hbm4b:s4+s2], $0x80, v4, vm0, $0xb8;
	[tilespmem:$0x10200] =	vst v63  }
0x10a: {  	v3 =	vadd.s32 v1, v3  }
0x10b: {  	[tilespmem:s10], [sflag:$0x1] =	stream.indirect_vreg.gather [hbm4b:s5+s2], $0x80, v4, vm0, $0xb8;
	[tilespmem:$0x10200] =	vst v63  }
0x10c: {  	_ = 	snop  }
0x10d: {  	[tilespmem:s11], [sflag:$0x1] =	stream.indirect_vreg.gather [hbm4b:s6+s2], $0x80, v4, vm0, $0xb8;
	[tilespmem:$0x10200] =	vst v63  }
0x10e: {  	_ = 	snop  }
0x10f: {  	[tilespmem:s12], [sflag:$0x1] =	stream.indirect_vreg.gather [hbm4b:s3+s2], $0x80, v3, vm0, $0xb8;
	[tilespmem:$0x10200] =	vst v63  }
0x110: {  	_ = 	snop  }
0x111: {  	[tilespmem:s13], [sflag:$0x1] =	stream.indirect_vreg.gather [hbm4b:s4+s2], $0x80, v3, vm0, $0xb8;
	[tilespmem:$0x10200] =	vst v63  }
0x112: {  	_ = 	snop  }
0x113: {  	[tilespmem:s14], [sflag:$0x1] =	stream.indirect_vreg.gather [hbm4b:s5+s2], $0x80, v3, vm0, $0xb8;
	[tilespmem:$0x10200] =	vst v63  }
0x114: {  	_ = 	snop  }
0x115: {  	[tilespmem:s15], [sflag:$0x1] =	stream.indirect_vreg.gather [hbm4b:s6+s2], $0x80, v3, vm0, $0xb8;
	[tilespmem:$0x10200] =	vst v63  }
0x116: {  	_ =	swait.ge [sflag:s25], $0x8000  }
0x117: {  	[sflag:s25] =	ssyncset.done $0x0  }
0x118: {  	s23 =	rddreg [dreg:$0x7];
	[sflag:s25] =	ssyncadd.s32 $0xFFFF8000  }
0x119: {  	[hbm4b:s23+s2] =	stream.linear.scatter [tilespmem:s29], [sflag:$0x3], $0x8000, $0x38;
	[tilespmem:$0x10200] =	vst v63  }
0x11a: {  	_ =	swait.ge [sflag:s20], $0x8000  }
0x11b: {  	[sflag:s20] =	ssyncset.done $0x0  }
0x11c: {  	[sflag:s20] =	ssyncadd.s32 $0xFFFF8000  }
0x11d: {  	v3 =	vld [tilespmem:$0xA0];
	_ =	sdelay $0x4  }
0x11e: {  	v52 =	vshll.u32 v3, $0x3  }
0x11f: {  	v53 =	vand.u32 $0x7, v3;
	v4 =	vand.u32 $0xFFFFFFC0, v52  }
0x120: {  	v4 =	vor.u32 v53, v4  }
0x121: {  	v5 =	vperm.xlane v4, v0  }
0x122: {  	v54 =	vld [tilespmem:$0xB0]  }
0x123: {  	v5 =	vadd.s32 v1, v5;
	_ =	sdelay $0x2  }
0x124: {  	[tilespmem:$0x10180] =	vst v3  }
0x125: {  	[tilespmem:$0x10190] =	vst v54  }
0x126: {  	[tilespmem:s26], [sflag:$0x2] =	stream.indirect_vreg.gather [hbm4b:s3+s2], $0x80, v5, vm0, $0xb8;
	[tilespmem:$0x10200] =	vst v63  }
0x127: {  	v3 =	vperm.xlane v4, v2  }
0x128: {  	[tilespmem:s1], [sflag:$0x2] =	stream.indirect_vreg.gather [hbm4b:s4+s2], $0x80, v5, vm0, $0xb8;
	[tilespmem:$0x10200] =	vst v63  }
0x129: {  	v3 =	vadd.s32 v1, v3  }
0x12a: {  	[tilespmem:s0], [sflag:$0x2] =	stream.indirect_vreg.gather [hbm4b:s5+s2], $0x80, v5, vm0, $0xb8;
	[tilespmem:$0x10200] =	vst v63  }
0x12b: {  	s23 =	simm.s32 $0x9900  }
0x12c: {  	[tilespmem:s23], [sflag:$0x2] =	stream.indirect_vreg.gather [hbm4b:s6+s2], $0x80, v5, vm0, $0xb8;
	[tilespmem:$0x10200] =	vst v63  }
0x12d: {  	s24 =	simm.s32 $0xA100  }
0x12e: {  	[tilespmem:s24], [sflag:$0x2] =	stream.indirect_vreg.gather [hbm4b:s3+s2], $0x80, v3, vm0, $0xb8;
	[tilespmem:$0x10200] =	vst v63  }
0x12f: {  	s28 =	simm.s32 $0xA900  }
0x130: {  	[tilespmem:s28], [sflag:$0x2] =	stream.indirect_vreg.gather [hbm4b:s4+s2], $0x80, v3, vm0, $0xb8;
	[tilespmem:$0x10200] =	vst v63  }
0x131: {  	s30 =	simm.s32 $0xB100  }
0x132: {  	[tilespmem:s30], [sflag:$0x2] =	stream.indirect_vreg.gather [hbm4b:s5+s2], $0x80, v3, vm0, $0xb8;
	[tilespmem:$0x10200] =	vst v63  }
0x133: {  	s30 =	simm.s32 $0xB900  }
0x134: {  	[tilespmem:s30], [sflag:$0x2] =	stream.indirect_vreg.gather [hbm4b:s6+s2], $0x80, v3, vm0, $0xb8;
	[tilespmem:$0x10200] =	vst v63  }
0x135: {  	v3 =	vld [tilespmem:$0x10190];
	_ =	sdelay $0x4  }
0x136: {  	v55 =	vshll.u32 v3, $0x3  }
0x137: {  	v3 =	vand.u32 $0x7, v3;
	v4 =	vand.u32 $0xFFFFFFC0, v55  }
0x138: {  	v3 =	vor.u32 v3, v4  }
0x139: {  	v4 =	vperm.xlane v3, v0;
	_ =	sdelay $0x1  }
0x13a: {  	v4 =	vadd.s32 v1, v4;
	_ =	sdelay $0x3  }
0x13b: {  	s30 =	simm.s32 $0xC100  }
0x13c: {  	[tilespmem:s30], [sflag:$0x2] =	stream.indirect_vreg.gather [hbm4b:s3+s2], $0x80, v4, vm0, $0xb8;
	[tilespmem:$0x10200] =	vst v63  }
0x13d: {  	v3 =	vperm.xlane v3, v2;
	s30 =	simm.s32 $0xC900  }
0x13e: {  	[tilespmem:s30], [sflag:$0x2] =	stream.indirect_vreg.gather [hbm4b:s4+s2], $0x80, v4, vm0, $0xb8;
	[tilespmem:$0x10200] =	vst v63  }
0x13f: {  	s16 =	simm.s32 $0xD100;
	v3 =	vadd.s32 v1, v3  }
0x140: {  	[tilespmem:s16], [sflag:$0x2] =	stream.indirect_vreg.gather [hbm4b:s5+s2], $0x80, v4, vm0, $0xb8;
	[tilespmem:$0x10200] =	vst v63  }
0x141: {  	s17 =	simm.s32 $0xD900  }
0x142: {  	[tilespmem:s17], [sflag:$0x2] =	stream.indirect_vreg.gather [hbm4b:s6+s2], $0x80, v4, vm0, $0xb8;
	[tilespmem:$0x10200] =	vst v63  }
0x143: {  	s31 =	simm.s32 $0xE100  }
0x144: {  	[tilespmem:s31], [sflag:$0x2] =	stream.indirect_vreg.gather [hbm4b:s3+s2], $0x80, v3, vm0, $0xb8;
	[tilespmem:$0x10200] =	vst v63  }
0x145: {  	s22 =	simm.s32 $0xE900  }
0x146: {  	[tilespmem:s22], [sflag:$0x2] =	stream.indirect_vreg.gather [hbm4b:s4+s2], $0x80, v3, vm0, $0xb8;
	[tilespmem:$0x10200] =	vst v63  }
0x147: {  	s22 =	simm.s32 $0xF100  }
0x148: {  	[tilespmem:s22], [sflag:$0x2] =	stream.indirect_vreg.gather [hbm4b:s5+s2], $0x80, v3, vm0, $0xb8;
	[tilespmem:$0x10200] =	vst v63  }
0x149: {  	s21 =	simm.s32 $0xF900  }
0x14a: {  	[tilespmem:s21], [sflag:$0x2] =	stream.indirect_vreg.gather [hbm4b:s6+s2], $0x80, v3, vm0, $0xb8;
	[tilespmem:$0x10200] =	vst v63  }
0x14b: {  	_ =	swait.ge [sflag:s18], $0x8000  }
0x14c: {  	[sflag:s18] =	ssyncset.done $0x0  }
0x14d: {  	s21 =	rddreg [dreg:$0x8];
	[sflag:s18] =	ssyncadd.s32 $0xFFFF8000  }
0x14e: {  	[hbm4b:s21+s2] =	stream.linear.scatter [tilespmem:s26], [sflag:$0x4], $0x8000, $0x38;
	[tilespmem:$0x10200] =	vst v63  }
0x14f: {  	_ =	swait.ge [sflag:s19], $0x8000  }
0x150: {  	[sflag:s19] =	ssyncset.done $0x0  }
0x151: {  	[sflag:s19] =	ssyncadd.s32 $0xFFFF8000  }
0x152: {  	v3 =	vld [tilespmem:$0xC0];
	_ =	sdelay $0x4  }
0x153: {  	v56 =	vshll.u32 v3, $0x3  }
0x154: {  	v57 =	vand.u32 $0x7, v3;
	v4 =	vand.u32 $0xFFFFFFC0, v56  }
0x155: {  	v4 =	vor.u32 v57, v4  }
0x156: {  	v5 =	vperm.xlane v4, v0  }
0x157: {  	v58 =	vld [tilespmem:$0xD0]  }
0x158: {  	v5 =	vadd.s32 v1, v5;
	_ =	sdelay $0x2  }
0x159: {  	[tilespmem:$0x10100] =	vst v3  }
0x15a: {  	[tilespmem:$0x10110] =	vst v58  }
0x15b: {  	[tilespmem:s29], [sflag:$0x1] =	stream.indirect_vreg.gather [hbm4b:s3+s2], $0x80, v5, vm0, $0xb8;
	[tilespmem:$0x10200] =	vst v63  }
0x15c: {  	s21 =	simm.s32 $0x900;
	v3 =	vperm.xlane v4, v2  }
0x15d: {  	[tilespmem:s21], [sflag:$0x1] =	stream.indirect_vreg.gather [hbm4b:s4+s2], $0x80, v5, vm0, $0xb8;
	[tilespmem:$0x10200] =	vst v63  }
0x15e: {  	v3 =	vadd.s32 v1, v3;
	s21 =	simm.s32 $0x1100  }
0x15f: {  	[tilespmem:s21], [sflag:$0x1] =	stream.indirect_vreg.gather [hbm4b:s5+s2], $0x80, v5, vm0, $0xb8;
	[tilespmem:$0x10200] =	vst v63  }
0x160: {  	s9 =	simm.s32 $0x1900  }
0x161: {  	[tilespmem:s9], [sflag:$0x1] =	stream.indirect_vreg.gather [hbm4b:s6+s2], $0x80, v5, vm0, $0xb8;
	[tilespmem:$0x10200] =	vst v63  }
0x162: {  	s8 =	simm.s32 $0x2100  }
0x163: {  	[tilespmem:s8], [sflag:$0x1] =	stream.indirect_vreg.gather [hbm4b:s3+s2], $0x80, v3, vm0, $0xb8;
	[tilespmem:$0x10200] =	vst v63  }
0x164: {  	s9 =	simm.s32 $0x2900  }
0x165: {  	[tilespmem:s9], [sflag:$0x1] =	stream.indirect_vreg.gather [hbm4b:s4+s2], $0x80, v3, vm0, $0xb8;
	[tilespmem:$0x10200] =	vst v63  }
0x166: {  	s21 =	simm.s32 $0x3100  }
0x167: {  	[tilespmem:s21], [sflag:$0x1] =	stream.indirect_vreg.gather [hbm4b:s5+s2], $0x80, v3, vm0, $0xb8;
	[tilespmem:$0x10200] =	vst v63  }
0x168: {  	s9 =	simm.s32 $0x3900  }
0x169: {  	[tilespmem:s9], [sflag:$0x1] =	stream.indirect_vreg.gather [hbm4b:s6+s2], $0x80, v3, vm0, $0xb8;
	[tilespmem:$0x10200] =	vst v63  }
0x16a: {  	v3 =	vld [tilespmem:$0x10110];
	_ =	sdelay $0x4  }
0x16b: {  	v59 =	vshll.u32 v3, $0x3  }
0x16c: {  	v3 =	vand.u32 $0x7, v3;
	v4 =	vand.u32 $0xFFFFFFC0, v59  }
0x16d: {  	v3 =	vor.u32 v3, v4  }
0x16e: {  	v4 =	vperm.xlane v3, v0;
	_ =	sdelay $0x1  }
0x16f: {  	v4 =	vadd.s32 v1, v4;
	_ =	sdelay $0x3  }
0x170: {  	s21 =	simm.s32 $0x4100  }
0x171: {  	[tilespmem:s21], [sflag:$0x1] =	stream.indirect_vreg.gather [hbm4b:s3+s2], $0x80, v4, vm0, $0xb8;
	[tilespmem:$0x10200] =	vst v63  }
0x172: {  	s9 =	simm.s32 $0x4900;
	v3 =	vperm.xlane v3, v2  }
0x173: {  	[tilespmem:s9], [sflag:$0x1] =	stream.indirect_vreg.gather [hbm4b:s4+s2], $0x80, v4, vm0, $0xb8;
	[tilespmem:$0x10200] =	vst v63  }
0x174: {  	s10 =	simm.s32 $0x5100;
	v3 =	vadd.s32 v1, v3  }
0x175: {  	[tilespmem:s10], [sflag:$0x1] =	stream.indirect_vreg.gather [hbm4b:s5+s2], $0x80, v4, vm0, $0xb8;
	[tilespmem:$0x10200] =	vst v63  }
0x176: {  	s11 =	simm.s32 $0x5900  }
0x177: {  	[tilespmem:s11], [sflag:$0x1] =	stream.indirect_vreg.gather [hbm4b:s6+s2], $0x80, v4, vm0, $0xb8;
	[tilespmem:$0x10200] =	vst v63  }
0x178: {  	s12 =	simm.s32 $0x6100  }
0x179: {  	[tilespmem:s12], [sflag:$0x1] =	stream.indirect_vreg.gather [hbm4b:s3+s2], $0x80, v3, vm0, $0xb8;
	[tilespmem:$0x10200] =	vst v63  }
0x17a: {  	s13 =	simm.s32 $0x6900  }
0x17b: {  	[tilespmem:s13], [sflag:$0x1] =	stream.indirect_vreg.gather [hbm4b:s4+s2], $0x80, v3, vm0, $0xb8;
	[tilespmem:$0x10200] =	vst v63  }
0x17c: {  	s14 =	simm.s32 $0x7100  }
0x17d: {  	[tilespmem:s14], [sflag:$0x1] =	stream.indirect_vreg.gather [hbm4b:s5+s2], $0x80, v3, vm0, $0xb8;
	[tilespmem:$0x10200] =	vst v63  }
0x17e: {  	s15 =	simm.s32 $0x7900  }
0x17f: {  	[tilespmem:s15], [sflag:$0x1] =	stream.indirect_vreg.gather [hbm4b:s6+s2], $0x80, v3, vm0, $0xb8;
	[tilespmem:$0x10200] =	vst v63  }
0x180: {  	_ =	swait.ge [sflag:s25], $0x8000  }
0x181: {  	[sflag:s25] =	ssyncset.done $0x0  }
0x182: {  	s15 =	rddreg [dreg:$0x9];
	[sflag:s25] =	ssyncadd.s32 $0xFFFF8000  }
0x183: {  	[hbm4b:s15+s2] =	stream.linear.scatter [tilespmem:s29], [sflag:$0x3], $0x8000, $0x38;
	[tilespmem:$0x10200] =	vst v63  }
0x184: {  	_ =	swait.ge [sflag:s20], $0x8000  }
0x185: {  	[sflag:s20] =	ssyncset.done $0x0  }
0x186: {  	[sflag:s20] =	ssyncadd.s32 $0xFFFF8000  }
0x187: {  	v3 =	vld [tilespmem:$0xE0];
	_ =	sdelay $0x4  }
0x188: {  	v60 =	vshll.u32 v3, $0x3  }
0x189: {  	v61 =	vand.u32 $0x7, v3;
	v4 =	vand.u32 $0xFFFFFFC0, v60  }
0x18a: {  	v4 =	vor.u32 v61, v4  }
0x18b: {  	v5 =	vperm.xlane v4, v0  }
0x18c: {  	v62 =	vld [tilespmem:$0xF0]  }
0x18d: {  	v5 =	vadd.s32 v1, v5;
	_ =	sdelay $0x2  }
0x18e: {  	[tilespmem:$0x10180] =	vst v3  }
0x18f: {  	[tilespmem:$0x10190] =	vst v62  }
0x190: {  	[tilespmem:s26], [sflag:$0x2] =	stream.indirect_vreg.gather [hbm4b:s3+s2], $0x80, v5, vm0, $0xb8;
	[tilespmem:$0x10200] =	vst v63  }
0x191: {  	s1 =	simm.s32 $0x8900;
	v3 =	vperm.xlane v4, v2  }
0x192: {  	[tilespmem:s1], [sflag:$0x2] =	stream.indirect_vreg.gather [hbm4b:s4+s2], $0x80, v5, vm0, $0xb8;
	[tilespmem:$0x10200] =	vst v63  }
0x193: {  	s0 =	simm.s32 $0x9100;
	v3 =	vadd.s32 v1, v3  }
0x194: {  	[tilespmem:s0], [sflag:$0x2] =	stream.indirect_vreg.gather [hbm4b:s5+s2], $0x80, v5, vm0, $0xb8;
	[tilespmem:$0x10200] =	vst v63  }
0x195: {  	s21 =	simm.s32 $0x9900  }
0x196: {  	[tilespmem:s21], [sflag:$0x2] =	stream.indirect_vreg.gather [hbm4b:s6+s2], $0x80, v5, vm0, $0xb8;
	[tilespmem:$0x10200] =	vst v63  }
0x197: {  	s23 =	simm.s32 $0xA100  }
0x198: {  	[tilespmem:s23], [sflag:$0x2] =	stream.indirect_vreg.gather [hbm4b:s3+s2], $0x80, v3, vm0, $0xb8;
	[tilespmem:$0x10200] =	vst v63  }
0x199: {  	s24 =	simm.s32 $0xA900  }
0x19a: {  	[tilespmem:s24], [sflag:$0x2] =	stream.indirect_vreg.gather [hbm4b:s4+s2], $0x80, v3, vm0, $0xb8;
	[tilespmem:$0x10200] =	vst v63  }
0x19b: {  	s28 =	simm.s32 $0xB100  }
0x19c: {  	[tilespmem:s28], [sflag:$0x2] =	stream.indirect_vreg.gather [hbm4b:s5+s2], $0x80, v3, vm0, $0xb8;
	[tilespmem:$0x10200] =	vst v63  }
0x19d: {  	s23 =	simm.s32 $0xB900  }
0x19e: {  	[tilespmem:s23], [sflag:$0x2] =	stream.indirect_vreg.gather [hbm4b:s6+s2], $0x80, v3, vm0, $0xb8;
	[tilespmem:$0x10200] =	vst v63  }
0x19f: {  	v3 =	vld [tilespmem:$0x10190];
	_ =	sdelay $0x4  }
0x1a0: {  	v63 =	vshll.u32 v3, $0x3  }
0x1a1: {  	v3 =	vand.u32 $0x7, v3;
	v4 =	vand.u32 $0xFFFFFFC0, v63  }
0x1a2: {  	v3 =	vor.u32 v3, v4  }
0x1a3: {  	v4 =	vperm.xlane v3, v0;
	_ =	sdelay $0x1  }
0x1a4: {  	v4 =	vadd.s32 v1, v4;
	_ =	sdelay $0x3  }
0x1a5: {  	s24 =	simm.s32 $0xC100  }
0x1a6: {  	[tilespmem:s24], [sflag:$0x2] =	stream.indirect_vreg.gather [hbm4b:s3+s2], $0x80, v4, vm0, $0xb8;
	[tilespmem:$0x10200] =	vst v63  }
0x1a7: {  	s28 =	simm.s32 $0xC900;
	v3 =	vperm.xlane v3, v2  }
0x1a8: {  	[tilespmem:s28], [sflag:$0x2] =	stream.indirect_vreg.gather [hbm4b:s4+s2], $0x80, v4, vm0, $0xb8;
	[tilespmem:$0x10200] =	vst v63  }
0x1a9: {  	s30 =	simm.s32 $0xD100;
	v3 =	vadd.s32 v1, v3  }
0x1aa: {  	[tilespmem:s30], [sflag:$0x2] =	stream.indirect_vreg.gather [hbm4b:s5+s2], $0x80, v4, vm0, $0xb8;
	[tilespmem:$0x10200] =	vst v63  }
0x1ab: {  	s16 =	simm.s32 $0xD900  }
0x1ac: {  	[tilespmem:s16], [sflag:$0x2] =	stream.indirect_vreg.gather [hbm4b:s6+s2], $0x80, v4, vm0, $0xb8;
	[tilespmem:$0x10200] =	vst v63  }
0x1ad: {  	s31 =	simm.s32 $0xE100  }
0x1ae: {  	[tilespmem:s31], [sflag:$0x2] =	stream.indirect_vreg.gather [hbm4b:s3+s2], $0x80, v3, vm0, $0xb8;
	[tilespmem:$0x10200] =	vst v63  }
0x1af: {  	s17 =	simm.s32 $0xE900  }
0x1b0: {  	[tilespmem:s17], [sflag:$0x2] =	stream.indirect_vreg.gather [hbm4b:s4+s2], $0x80, v3, vm0, $0xb8;
	[tilespmem:$0x10200] =	vst v63  }
0x1b1: {  	s22 =	simm.s32 $0xF100  }
0x1b2: {  	[tilespmem:s22], [sflag:$0x2] =	stream.indirect_vreg.gather [hbm4b:s5+s2], $0x80, v3, vm0, $0xb8;
	[tilespmem:$0x10200] =	vst v63  }
0x1b3: {  	s30 =	simm.s32 $0xF900  }
0x1b4: {  	[tilespmem:s30], [sflag:$0x2] =	stream.indirect_vreg.gather [hbm4b:s6+s2], $0x80, v3, vm0, $0xb8;
	[tilespmem:$0x10200] =	vst v63  }
0x1b5: {  	_ =	swait.ge [sflag:s18], $0x8000  }
0x1b6: {  	[sflag:s18] =	ssyncset.done $0x0  }
0x1b7: {  	s31 =	rddreg [dreg:$0xa];
	[sflag:s18] =	ssyncadd.s32 $0xFFFF8000  }
0x1b8: {  	[hbm4b:s31+s2] =	stream.linear.scatter [tilespmem:s26], [sflag:$0x4], $0x8000, $0x38;
	[tilespmem:$0x10200] =	vst v63  }
0x1b9: {  	p0 =	sne.s32 s7, $0x1;
	_ =	swait.ge [sflag:s19], $0x8000  }
.Ltmp0:
0x1ba: {  	[sflag:s19] =	ssyncset.done $0x0;
	(pc) =	sbr.rel @p0 .LBB2_1-.Ltmp0, $4  }
0x1bb: {  	[sflag:s19] =	ssyncadd.s32 $0xFFFF8000  }
0x1bc: {  	_ =	swait.ge [sflag:s20], $0x8000  }
0x1bd: {  	[sflag:s20] =	ssyncset.done $0x0  }
0x1be: {  	s7 =	sadd.s32 $0xFFFFFFFF, s7;
	[sflag:s20] =	ssyncadd.s32 $0xFFFF8000  }
0x1bf: {  	_ =	sfence.sel $0x180000  }
0x1c0: {  	[bflag:$0x0] =	sbarrier.arrive $0xFFFF  }
0x1c1: {  	_ =	strace $0x9000004A  }
0x1c2: {  	s0 =	stileid.u32;
	[bflag:$0x2] =	sbarrier.arrive $0xFFFF  }
0x1c3: {  	p0 =	sne.s32 s0, $0x0;
	s0 =	rddreg [dreg:$0x1]  }
0x1c4: {  	s0 =	sadd.s32 @!p0 $0x100000, s0  }
0x1c5: {  	[sflag:s0] =	ssyncadd.tile.s32 @!p0 $0x1;
	_ =	shalt  }
.Lfunc_end2:
_tile_overlayer_lowered:
.L_overlay_start_2:
0x1c6: {  	(tag) =	ssettag $0x2  }
0x1c7: {  	s0 =	rddreg [dreg:$0x0];
	s2 =	stileid.u32  }
0x1c8: {  	s1 =	rddreg [dreg:$0x1];
	p0 =	sne.s32 s2, $0x0  }
0x1c9: {  	s3 =	rddreg [dreg:$0x2];
	[bflag:$0x3] =	sbarrier.arrive $0xFFFF;
	s2 =	simm.s32 @!p0 $0x1C05  }
0x1ca: {  	[timem:s3], [sflag:s2] =	dma.local @!p0 [hbm:s0], s1  }
0x1cb: {  	s0 =	simm.s32 @!p0 $0x5  }
0x1cc: {  	_ =	swait.ge @!p0 [sflag:s0], s1  }
0x1cd: {  	s1 =	ssub.s32 @!p0 $0x0, s1;
	[sflag:s0] =	ssyncset.done @!p0 $0x0  }
0x1ce: {  	[sflag:s0] =	ssyncadd.s32 @!p0 s1  }
0x1cf: {  	[bflag:$0x3] =	sbarrier.arrive $0xFFFF  }
0x1d0: {  	_ =	shalt  }

// kernel: kernel.7.cloned.1.call-start
scs
__scs_entry_jumppad:
0x0: {  	(pc) =	sbr.rel $0x88, $3  }
0x1: {  	(tag) =	ssettag $0x0;
	lr =	simm.s32 $0x1  }
0x2: {  	[smem:$0x3F9C] =	sst lr;
	_ =	strace $0xD0000000  }
0x3: {  	_ = 	snop  }
0x4: {  	_ = 	snop  }
0x5: {  	_ = 	snop  }
0x6: {  	_ = 	snop  }
0x7: {  	_ = 	snop  }
__scs_overlays_trampoline_lowered:
0x8: {  	[smem:$0x3FAB] =	sst s0  }
0x9: {  	[smem:$0x3FAC] =	sst s1  }
0xa: {  	[smem:$0x3FAD] =	sst s2  }
0xb: {  	[smem:$0x3FAE] =	sst s3  }
0xc: {  	[smem:$0x3FAF] =	sst s4  }
0xd: {  	[smem:$0x3FB0] =	sst s5  }
0xe: {  	[smem:$0x3FB1] =	sst s6  }
0xf: {  	[smem:$0x3FB2] =	sst s7  }
0x10: {  	[smem:$0x3FB3] =	sst s8  }
0x11: {  	[smem:$0x3FB4] =	sst s9;
	s0 =	simm.s32 @!p0 $0x0  }
0x12: {  	s1 =	sld [smem:$0x3F9A];
	s0 =	simm.s32 @p0 $0x1  }
0x13: {  	[smem:$0x3FB5] =	sst s0;
	s0 =	simm.s32 @!p1 $0x0  }
0x14: {  	s2 =	sld [smem:$0x3F99];
	s0 =	simm.s32 @p1 $0x1  }
0x15: {  	[smem:$0x3FB6] =	sst s0;
	s0 =	simm.s32 @!p2 $0x0  }
0x16: {  	s3 =	sld [smem:$0x3FDB];
	s0 =	simm.s32 @p2 $0x1  }
0x17: {  	s4 =	simm.s32 $0x1BF5;
	[smem:$0x3FB8] =	sst s0  }
0x18: {  	s0 =	sld [smem:$0x3F9B];
	_ =	swait.ge [sflag:s4], $0x0  }
0x19: {  	s7 =	sld [smem:$0x3F9C]  }
0x1a: {  	s8 =	sadd.s32 $0xFFFFE003, lr  }
0x1b: {  	s9 =	sadd.s32 $0xFFFFFEF7, lr;
	s5 =	simm.s32 $0xFFFFFFFF;
	p2 =	slt.u32 s8, $0xFFFFF086  }
0x1c: {  	p1 =	slt.u32 s9, $0xF7A;
	s5 =	simm.s32 @!p2 $0x0  }
0x1d: {  	s5 =	simm.s32 @p1 $0x1;
	p0 =	seq.s32 s7, s2  }
0x1e: {  	s7 =	smul.u32 @!p0 $0xF7A, s2;
	p2 =	seq.s32 @!p0 s5, $0x0  }
0x1f: {  	s9 =	smul.u32 $0xF7A, s1;
	s8 =	simm.s32 @!p0 $0x1BF5;
	p2 =	por !p2, p0  }
0x20: {  	[sflag:s8] =	ssyncset.s32 @!p0 $0xFFFFF086;
	s6 =	sadd.s32 @!p0 s3, s7;
	s7 =	simm.s32 @!p0 $0x108  }
0x21: {  	s3 =	sadd.s32 s3, s9;
	s6 =	sadd.s32 @!p0 $0x88, s6;
	s7 =	simm.s32 @p2 $0x1082  }
0x22: {  	[simem:s7], [sflag:s8] =	dma.local @!p0 [hbm:s6], $0xF7A  }
0x23: {  	s9 =	sor.u32 $0xD0000000, s2;
	s6 =	simm.s32 $0x108;
	_ =	swait.ge @!p0 [sflag:s8], $0x0  }
0x24: {  	s3 =	sadd.s32 $0x88, s3;
	s6 =	simm.s32 @!p1 $0x1082;
	[sflag:s4] =	ssyncset.s32 $0xFFFFF086  }
0x25: {  	[simem:s6], [sflag:s4] =	dma.local [hbm:s3], $0xF7A  }
0x26: {  	[smem:$0x3F9C] =	sst s1;
	(tag) =	ssettag s2;
	_ =	strace s9  }
0x27: {  	s1 =	sld [smem:$0x3FAC]  }
0x28: {  	s2 =	sld [smem:$0x3FAD]  }
0x29: {  	s4 =	sld [smem:$0x3FAF]  }
0x2a: {  	p0 =	seq.s32 s5, $0x0;
	s5 =	sld [smem:$0x3FB0]  }
0x2b: {  	s6 =	sld [smem:$0x3FB1]  }
0x2c: {  	s7 =	sld [smem:$0x3FB2]  }
0x2d: {  	s3 =	simm.s32 $0x108;
	s8 =	sld [smem:$0x3FB3]  }
0x2e: {  	s3 =	simm.s32 @!p0 $0x1082;
	s9 =	sld [smem:$0x3FB4]  }
0x2f: {  	lr =	sadd.s32 s0, s3;
	s0 =	sld [smem:$0x3FAB]  }
0x30: {  	s3 =	sld [smem:$0x3FAE]  }
0x31: {  	[smem:$0x3FB7] =	sst s10  }
0x32: {  	s10 =	sld [smem:$0x3FB5];
	_ =	sdelay $0x3  }
0x33: {  	p0 =	seq.s32 s10, $0x1;
	s10 =	sld [smem:$0x3FB7];
	_ =	sdelay $0x3  }
0x34: {  	[smem:$0x3FB7] =	sst s10  }
0x35: {  	s10 =	sld [smem:$0x3FB6];
	_ =	sdelay $0x3  }
0x36: {  	p1 =	seq.s32 s10, $0x1;
	s10 =	sld [smem:$0x3FB7];
	_ =	sdelay $0x3  }
0x37: {  	[smem:$0x3FB7] =	sst s10  }
0x38: {  	s10 =	sld [smem:$0x3FB8]  }
0x39: {  	_ = 	snop;
	(pc) =	sbr.ind lr, $3  }
0x3a: {  	_ = 	snop  }
0x3b: {  	_ = 	snop  }
0x3c: {  	p2 =	seq.s32 s10, $0x1;
	s10 =	sld [smem:$0x3FB7]  }
0x3d: {  	_ =	shalt  }
0x3e: {  	_ =	shalt  }
0x3f: {  	_ =	shalt  }
0x40: {  	_ =	shalt  }
0x41: {  	_ =	shalt  }
0x42: {  	_ =	shalt  }
0x43: {  	_ =	shalt  }
0x44: {  	_ =	shalt  }
0x45: {  	_ =	shalt  }
0x46: {  	_ =	shalt  }
0x47: {  	_ =	shalt  }
0x48: {  	_ =	shalt  }
0x49: {  	_ =	shalt  }
0x4a: {  	_ =	shalt  }
0x4b: {  	_ =	shalt  }
0x4c: {  	_ =	shalt  }
0x4d: {  	_ =	shalt  }
0x4e: {  	_ =	shalt  }
0x4f: {  	_ =	shalt  }
0x50: {  	_ =	shalt  }
0x51: {  	_ =	shalt  }
0x52: {  	_ =	shalt  }
0x53: {  	_ =	shalt  }
0x54: {  	_ =	shalt  }
0x55: {  	_ =	shalt  }
0x56: {  	_ =	shalt  }
0x57: {  	_ =	shalt  }
0x58: {  	_ =	shalt  }
0x59: {  	_ =	shalt  }
0x5a: {  	_ =	shalt  }
0x5b: {  	_ =	shalt  }
0x5c: {  	_ =	shalt  }
0x5d: {  	_ =	shalt  }
0x5e: {  	_ =	shalt  }
0x5f: {  	_ =	shalt  }
0x60: {  	_ =	shalt  }
0x61: {  	_ =	shalt  }
0x62: {  	_ =	shalt  }
0x63: {  	_ =	shalt  }
0x64: {  	_ =	shalt  }
0x65: {  	_ =	shalt  }
0x66: {  	_ =	shalt  }
0x67: {  	_ =	shalt  }
0x68: {  	_ =	shalt  }
0x69: {  	_ =	shalt  }
0x6a: {  	_ =	shalt  }
0x6b: {  	_ =	shalt  }
0x6c: {  	_ =	shalt  }
0x6d: {  	_ =	shalt  }
0x6e: {  	_ =	shalt  }
0x6f: {  	_ =	shalt  }
0x70: {  	_ =	shalt  }
0x71: {  	_ =	shalt  }
0x72: {  	_ =	shalt  }
0x73: {  	_ =	shalt  }
0x74: {  	_ =	shalt  }
0x75: {  	_ =	shalt  }
0x76: {  	_ =	shalt  }
0x77: {  	_ =	shalt  }
0x78: {  	_ =	shalt  }
0x79: {  	_ =	shalt  }
0x7a: {  	_ =	shalt  }
0x7b: {  	_ =	shalt  }
0x7c: {  	_ =	shalt  }
0x7d: {  	_ =	shalt  }
0x7e: {  	_ =	shalt  }
0x7f: {  	_ =	shalt  }
0x80: {  	_ =	shalt  }
0x81: {  	_ =	shalt  }
0x82: {  	_ =	shalt  }
0x83: {  	_ =	shalt  }
0x84: {  	_ =	shalt  }
0x85: {  	_ =	shalt  }
0x86: {  	_ =	shalt  }
0x87: {  	_ =	shalt  }
.Lfunc_end0:
.L_simem_size_0:
called_computation_lowered:
.L_overlay_start_0:
0x88: {  	s2 =	sld [smem:$0x3FD9]  }
0x89: {  	s3 =	sld [smem:$0x3FFE];
	_ =	sdelay $0x1  }
0x8a: {  	s1 =	srdreg.scid  }
0x8b: {  	s0 =	sand.u32 $0x1, s1  }
0x8c: {  	s17 =	sshll.u32 s0, $0xA;
	s2 =	sadd.s32 s3, s2  }
0x8d: {  	s2 =	sadd.s32 s2, s17  }
0x8e: {  	[smem:$0x3FC3] =	sst s2  }
0x8f: {  	_ = 	snop  }
0x90: {  	s2 =	sld [smem:$0x3FC9]  }
0x91: {  	s18 =	sld [smem:$0x3FD0];
	(tm) =	ssettm $0x1  }
0x92: {  	s4 =	sld [smem:$0x3FFB];
	_ =	sdelay $0x3  }
0x93: {  	_ =	strace s4  }
0x94: {  	s4 =	sld [smem:$0x3FFC];
	_ =	sdelay $0x3  }
0x95: {  	_ =	strace s4  }
0x96: {  	s4 =	sld [smem:$0x3FFD];
	_ =	sdelay $0x3  }
0x97: {  	_ =	strace s4  }
0x98: {  	_ =	strace $0x8FFFFFFF  }
0x99: {  	s19 =	sld [smem:$0x3FDB];
	_ =	sdelay $0x1  }
0x9a: {  	s5 =	simm.s32 $_scs_section_size  }
0x9b: {  	s6 =	simm.s32 $_size__tile_overlayer_lowered;
	s7 =	simm.s32 $_tile_overlayer_lowered  }
0x9c: {  	s22 =	simm.s32 $0x1BFF;
	s21 =	sshll.u32 s7, $0x1;
	s4 =	sadd.s32 s5, s19  }
0x9d: {  	s8 =	simm.s32 $0x0;
	s20 =	sshll.u32 s6, $0x1;
	s6 =	sadd.s32 s21, s4  }
0x9e: {  	[timem:s8], [sflag:s22] =	dma.local [hbm:s6], s20  }
0x9f: {  	_ =	swait.ge [sflag:s22], s20  }
0xa0: {  	s5 =	ssub.s32 $0x0, s20;
	[sflag:s22] =	ssyncset.done $0x0  }
0xa1: {  	[sflag:s22] =	ssyncadd.s32 s5;
	_ =	sdelay $0x1  }
0xa2: {  	s23 =	simm.s32 $0x1B8B  }
0xa3: {  	_ =	swait.ge [sflag:s23], $0x1  }
0xa4: {  	[sflag:s23] =	ssyncset.done $0x0  }
0xa5: {  	s25 =	simm.s32 $0x1B8E;
	s24 =	sld [smem:$0x3FFE];
	[sflag:s23] =	ssyncadd.s32 $0xFFFFFFFF  }
0xa6: {  	s26 =	simm.s32 $execute0_lowered;
	[smem:$0x3FD2] =	sst s25  }
0xa7: {  	s6 =	sshll.u32 s26, $0x1;
	_ =	strace $0x80000046;
	[dreg:$0x1] =	wrdreg $0xFFFFFFFF  }
0xa8: {  	s28 =	simm.s32 $_size_execute0_lowered;
	s4 =	sadd.s32 s4, s6;
	[dreg:$0x0] =	wrdreg $0x0  }
0xa9: {  	s6 =	sshll.u32 s28, $0x1;
	[dreg:$0x2] =	wrdreg s4  }
0xaa: {  	[dreg:$0x3] =	wrdreg s6  }
0xab: {  	[dreg:$0x4] =	wrdreg $0xC0  }
0xac: {  	_ =	task [dreg:s8], $0x5FFFF  }
0xad: {  	[dreg:$0x1] =	wrdreg $0xFFFFFFFF  }
0xae: {  	[dreg:$0x0] =	wrdreg $0x60  }
0xaf: {  	[dreg:$0x2] =	wrdreg s18  }
0xb0: {  	[dreg:$0x3] =	wrdreg s2  }
0xb1: {  	[dreg:$0x4] =	wrdreg s24  }
0xb2: {  	[dreg:$0x5] =	wrdreg $0x9  }
0xb3: {  	_ =	task.clear_ibuf [dreg:s8], $0x6FFFF;
	_ =	strace $0x90000046  }
0xb4: {  	s29 =	simm.s32 $0x9;
	_ =	strace $0x80000048  }
0xb5: {  	_ =	swait.ge [sflag:s29], $0x1  }
0xb6: {  	[sflag:s29] =	ssyncadd.s32 $0xFFFFFFFF  }
0xb7: {  	_ =	strace $0x90000048  }
0xb8: {  	_ =	sfence  }
0xb9: {  	s30 =	sld [smem:$0x0];
	_ =	sdelay $0x2  }
0xba: {  	s31 =	sshll.u32 s1, $0xD;
	s1 =	sshrl.u32 s1, $0x2  }
0xbb: {  	s3 =	sand.u32 $0x4000, s31;
	s1 =	sadd.s32 s1, s30  }
0xbc: {  	s0 =	sor.u32 s3, s0;
	s1 =	sshll.u32 s1, $0x11  }
0xbd: {  	s0 =	sor.u32 s1, s0  }
0xbe: {  	s0 =	sadd.s32 $0x8F2B, s0  }
0xbf: {  	[sflag:s0] =	ssyncadd.remote.s32 $0x1  }
0xc0: {  	_ =	sfence.sel $0xFFFF  }
0xc1: {  	[dreg:$0x0] =	wrdreg $0xFFFFFFFF;
	(pc) =	sbr.abs _section_cstart, $3  }
0xc2: {  	[dreg:$0x1] =	wrdreg $0xFFFFFFFF  }
0xc3: {  	_ =	task.clear_ibuf [dreg:s8], $0x2FFFF;
	_ =	strace $0x9FFFFFFF  }
0xc4: {  	(tm) =	ssettm $0x7FFFFFFF  }
0xc5: {  	_ =	shalt  }
tec
execute0_lowered:
.L_overlay_start_1:
0x0: {  	(tag) =	ssettag $0x1  }
0x1: {  	s0 =	rddreg [dreg:$0x0]  }
0x2: {  	s1 =	rddreg [dreg:$0x1]  }
0x3: {  	s4 =	rddreg [dreg:$0x2]  }
0x4: {  	s2 =	srdreg.scid;
	s11 =	stileid.u32  }
0x5: {  	s30 =	simm.s32 $0x1200;
	s6 =	sand.u32 $0x1, s2;
	s2 =	simm.s32 $0x0  }
0x6: {  	s5 =	sadd.s32 $0x2200, s4;
	s10 =	sadd.s32 $0x12400, s4;
	s12 =	sadd.s32 $0x12600, s4  }
0x7: {  	v0 =	vimm.s32 $0x0;
	vm3 =	vmmov $0x1;
	vm14 =	vcmask $0x32C;
	s25 =	sadd.s32 $0x12800, s4;
	s13 =	sadd.s32 $0x12C00, s4;
	[smem:$0x7FF] =	sst s2  }
0x8: {  	vm13 =	vcmask $0x72C;
	vm0 =	vcmask $0x2F2C;
	vm1 =	vcmask $0x2734;
	s14 =	sadd.s32 $0x12D00, s4;
	_ =	strace $0x80000047;
	[dreg:$0x4] =	wrdreg s5  }
0x9: {  	v1 =	vlaneseq.u32;
	v16 =	vimm.s32 $0x0;
	vm0 =	vmor vm1, vm0;
	s3 =	sshll.u32 s6, $0x4;
	s9 =	ssub.s32 $0x2, s6;
	[dreg:$0x5] =	wrdreg s10  }
0xa: {  	vm2 =	vmmov $0x7fff;
	v2 =	vmul.u32 $0x2, v1;
	s29 =	sor.u32 s11, s6;
	v16 =	vsel vm0, $0xFFFFFFFF, v16;
	s3 =	sor.u32 s11, s3;
	[dreg:$0x6] =	wrdreg s12  }
0xb: {  	vm1 =	vmmov $0x3fff;
	v11 =	vshrl.u32 v1, $0x3;
	s24 =	sshrl.u32 s9, $0x1;
	[dreg:$0x7] =	wrdreg s25;
	[tilespmem:$0x1FFC0] =	vst v16;
	v16 =	vimm.s32 $0x0;
	s7 =	sshll.u32 s3, $0x5  }
0xc: {  	v10 =	vand.u32 $0x7, v1;
	v12 =	vor.u32 $0x8, v1;
	s9 =	ssub.s32 s9, s24;
	v16 =	vsel vm1, $0xFFFFFFFF, v16;
	s8 =	sadd.s32 s7, s4;
	s0 =	sadd.s32 s0, s7  }
.Ltmp0:
0xd: {  	v11 =	vmul.u32 $0x8, v11;
	v3 =	vor.u32 $0x1, v2;
	s31 =	smax.u32 s9, $0x1;
	[tilespmem:$0x1FFD0] =	vst v16;
	v16 =	vimm.s32 $0x0;
	[dreg:$0x8] =	wrdreg s0;
	(pc) =	sbr.rel .LBB2_1-.Ltmp0, $4  }
0xe: {  	v4 =	vor.u32 $0x20, v2;
	v5 =	vor.u32 $0x21, v2;
	s28 =	sshll.u32 s3, $0xE;
	s26 =	sadd.s32 $0x212A00, s8;
	[dreg:$0xc] =	wrdreg s31;
	v16 =	vsel vm2, $0xFFFFFFFF, v16  }
0xf: {  	s5 =	sadd.s32 $0x12A00, s4;
	v6 =	vor.u32 $0x40, v2;
	v7 =	vor.u32 $0x41, v2;
	s0 =	sadd.s32 s1, s28;
	[dreg:$0x9] =	wrdreg s26;
	[tilespmem:$0x1FFE0] =	vst v16;
	v16 =	vimm.s32 $0x0  }
0x10: {  	s12 =	sadd.s32 $0x12B00, s4;
	v8 =	vor.u32 $0x60, v2;
	v9 =	vor.u32 $0x61, v2;
	[dreg:$0xa] =	wrdreg s0;
	s0 =	sadd.s32 $0x2000, s0;
	v16 =	vsel vm3, $0xFFFFFFFF, v16  }
0x11: {  	p0 =	sne.s32 s29, $0x0;
	v13 =	vor.u32 $0x80, v2;
	v14 =	vor.u32 $0x81, v2;
	v15 =	vor.u32 $0xA0, v2;
	s4 =	simm.s32 $0x0;
	[dreg:$0xb] =	wrdreg s0;
	[tilespmem:$0x1FFF0] =	vst v16  }
.LBB2_7:
0x12: {  	s4 =	sadd.s32 $0x1, s4;
	s1 =	rddreg [dreg:$0xc]  }
0x13: {  	p1 =	sne.s32 s4, s1  }
.Ltmp1:
0x14: {  	_ = 	snop;
	(pc) =	sbr.rel @!p1 .LBB2_8-.Ltmp1, $2  }
0x15: {  	_ =	sdelay $0x2  }
0x16: {  	vm13 =	vmmov vm15  }
.LBB2_1:
0x17: {  	[dreg:$0xd] =	wrdreg s4  }
0x18: {  	s1 =	rddreg [dreg:$0x8];
	s0 =	simm.s32 $0x3  }
0x19: {  	[tilespmem:s2], [sflag:$0x3] =	stream.linear.gather [hbm4b:s1+s2], $0x100, $0x38;
	[tilespmem:$0x11480] =	vst v63  }
0x1a: {  	_ =	swait.ge [sflag:s0], $0x100  }
0x1b: {  	[sflag:s0] =	ssyncset.done $0x0  }
0x1c: {  	s31 =	simm.s32 $0x200;
	s6 =	rddreg [dreg:$0x4];
	[sflag:s0] =	ssyncadd.s32 $0xFFFFFF00  }
0x1d: {  	[tilespmem:s31], [sflag:$0x3] =	stream.linear.gather [hbm4b:s6+s2], $0x1000, $0x38;
	[tilespmem:$0x11480] =	vst v63  }
0x1e: {  	_ =	swait.ge [sflag:s0], $0x1000  }
0x1f: {  	[sflag:s0] =	ssyncset.done $0x0  }
0x20: {  	[sflag:s0] =	ssyncadd.s32 $0xFFFFF000  }
0x21: {  	v17 =	vld [tilespmem:s31+$0x0];
	_ =	sdelay $0x3  }
0x22: {  	vm15 =	vmmov vm14;
	vm14 =	vmmov vm3;
	p1 =	sgt.s32 s3, $0x0  }
0x23: {  	s1 =	simm.s32 $0x1;
	s6 =	simm.s32 $0x280;
	v16 =	vadd.s32 v0, v17;
	v18 =	vpsel !p1, $0x0, v17;
	v17 =	vimm.s32 $0x0  }
.LBB2_2:
0x24: {  	v19 =	vld [tilespmem:s6+$0x0];
	p1 =	sne.s32 s1, $0x1F;
	v17 =	vadd.s32 v17, v18;
	s7 =	smov.u32 s1;
	s1 =	sadd.s32 $0x1, s1  }
.Ltmp2:
0x25: {  	(pc) =	sbr.rel @p1 .LBB2_2-.Ltmp2, $3  }
0x26: {  	_ =	sdelay $0x1  }
0x27: {  	p2 =	slt.s32 s7, s3  }
0x28: {  	s6 =	sadd.s32 $0x80, s6;
	v16 =	vadd.s32 v16, v19;
	v18 =	vpsel !p2, $0x0, v19  }
0x29: {  	v16 =	vadd.s32 $0x1FF, v16  }
0x2a: {  	v19 =	vshra.s32 v16, $0x1F;
	v20 =	vand.u32 $0x1FF, v16  }
0x2b: {  	vm0 =	vlt.s32 v16, $0x1;
	v19 =	vshrl.u32 v19, $0x17;
	vm1 =	vne.s32 v20, $0x0  }
0x2c: {  	s1 =	simm.s32 $0x0;
	v16 =	vadd.s32 v19, v16;
	vm0 =	vmand vm0, vm1  }
0x2d: {  	v20 =	vld [tilespmem:s1+$0x0];
	v16 =	vshra.s32 v16, $0x9;
	v19 =	vsel vm0, $0xFFFFFFFF, v0  }
0x2e: {  	v19 =	vadd.s32 v19, v16  }
0x2f: {  	(xrf0) =	vadd.scan.msk.s32 $0xffff, v19;
	_ =	sdelay $0x2  }
0x30: {  	vm6 =	veq.s32 v20, $0x0  }
0x31: {  	vm12 =	veq.s32 v20, $0x1;
	v21 =	vsel vm6, $0x1, v0  }
0x32: {  	v22 =	vsel vm12, $0x1, v0;
	(xrf0) =	vadd.scan.msk.s32 $0xffff, v21  }
0x33: {  	v17 =	vadd.s32 v17, v18;
	vm9 =	veq.s32 v20, $0x2;
	vm1 =	veq.s32 v20, $0xD;
	(xrf0) =	vadd.scan.msk.s32 $0xffff, v22;
	v16, _, _ =	vpop (xrf0)  }
0x34: {  	vm2 =	veq.s32 v20, $0xC;
	vm11 =	veq.s32 v20, $0x3;
	v19 =	vsub.s32 v16, v19  }
0x35: {  	vm3 =	veq.s32 v20, $0xB;
	vm0 =	veq.s32 v20, $0x4;
	v18 =	vshll.u32 v19, $0x9  }
0x36: {  	v19 =	vadd.s32 v17, v18;
	v17 =	vsel vm9, $0x1, v0;
	v18 =	vsel vm11, $0x1, v0  }
0x37: {  	vm4 =	veq.s32 v20, $0xA;
	vm8 =	veq.s32 v20, $0x5;
	vm5 =	veq.s32 v20, $0x9;
	(xrf0) =	vadd.scan.msk.s32 $0xffff, v17  }
0x38: {  	vm10 =	veq.s32 v20, $0x6;
	vm7 =	veq.s32 v20, $0x7;
	v21, _, _ =	vpop (xrf0);
	v17 =	vsel vm0, $0x1, v0;
	(xrf0) =	vadd.scan.msk.s32 $0xffff, v18  }
0x39: {  	v23 =	vsel vm8, $0x1, v0;
	v22 =	vadd.s32 $0xFFFFFFFF, v21;
	v21 =	vbroadcast v21, $0xF;
	v18, _, _ =	vpop (xrf0);
	(xrf0) =	vadd.scan.msk.s32 $0xffff, v17  }
0x3a: {  	v24 =	vsel vm1, $0x1, v0;
	v25 =	vsel vm2, $0x1, v0;
	v28 =	vsel vm4, $0x1, v0  }
0x3b: {  	v17 =	vnsel vm6, $0x0, v22;
	v21 =	vadd.s32 v19, v21;
	v22 =	vadd.s32 $0xFFFFFFFF, v18;
	(xrf0) =	vadd.scan.msk.s32 $0xffff, v23  }
0x3c: {  	v18 =	vbroadcast v18, $0xF;
	v17 =	vsel vm12, v22, v17;
	v22 =	vsel vm10, $0x1, v0  }
0x3d: {  	vm6 =	veq.s32 v20, $0x8;
	v23 =	vsel vm7, $0x1, v0;
	v21 =	vsel vm14, v21, v19;
	(xrf0) =	vadd.scan.msk.s32 $0xffff, v22;
	v26, _, _ =	vpop (xrf0)  }
0x3e: {  	v22 =	vsel vm6, $0x1, v0;
	v18 =	vadd.s32 v18, v19;
	(xrf0) =	vadd.scan.msk.s32 $0xffff, v23;
	v27 =	vbroadcast v26, $0xF;
	v29, _, _ =	vpop (xrf0)  }
0x3f: {  	vm12 =	vcmask $0xB2C;
	v23 =	vsel vm5, $0x1, v0;
	v18 =	vsel vm15, v21, v18;
	(xrf0) =	vadd.scan.msk.s32 $0xffff, v22;
	v30, _, _ =	vpop (xrf0)  }
0x40: {  	v22 =	vbroadcast v29, $0xF;
	(xrf0) =	vadd.scan.msk.s32 $0xffff, v23;
	v21 =	vadd.s32 v27, v19;
	v23 =	vbroadcast v30, $0xF  }
0x41: {  	v27 =	vsel vm3, $0x1, v0;
	(xrf0) =	vadd.scan.msk.s32 $0xffff, v28;
	v28, _, _ =	vpop (xrf0);
	v30 =	vadd.s32 $0xFFFFFFFF, v30;
	v18 =	vsel vm13, v18, v21  }
0x42: {  	v21 =	vadd.s32 v22, v19;
	v22 =	vbroadcast v28, $0xF;
	v28 =	vadd.s32 $0xFFFFFFFF, v28  }
0x43: {  	v31, _, _ =	vpop (xrf0);
	v18 =	vsel vm12, v18, v21;
	v21 =	vadd.s32 v23, v19;
	vm12 =	vcmask $0xF2C  }
0x44: {  	v23 =	vbroadcast v31, $0xF;
	v18 =	vsel vm12, v18, v21;
	v21 =	vadd.s32 $0xFFFFFFFF, v26  }
0x45: {  	(xrf0) =	vadd.scan.msk.s32 $0xffff, v27;
	v22 =	vadd.s32 v22, v19;
	vm12 =	vcmask $0x132C;
	v31 =	vadd.s32 $0xFFFFFFFF, v31  }
0x46: {  	v34 =	vld [tilespmem:$0x1FFC0];
	(xrf0) =	vadd.scan.msk.s32 $0xffff, v25;
	v27, _, _ =	vpop (xrf0);
	v17 =	vsel vm9, v21, v17;
	vm9 =	veq.s32 v20, $0xE;
	v21 =	vimm.s32 $0x0  }
0x47: {  	(xrf0) =	vadd.scan.msk.s32 $0xffff, v24;
	v25 =	vbroadcast v27, $0xF;
	v18 =	vsel vm12, v18, v22;
	v21 =	vsel vm9, $0xFFFFFFFF, v21  }
0x48: {  	v24, _, _ =	vpop (xrf0);
	vm12 =	vcmask $0x172C;
	v27 =	vadd.s32 $0xFFFFFFFF, v27;
	[tilespmem:$0x1FFB0] =	vst v21;
	v21 =	vadd.s32 v23, v19  }
0x49: {  	v22 =	vbroadcast v24, $0xF;
	v24 =	vadd.s32 $0xFFFFFFFF, v24;
	v18 =	vsel vm12, v18, v21  }
0x4a: {  	v23, _, _ =	vpop (xrf0);
	v21 =	vadd.s32 v25, v19;
	v25 =	vsel vm9, $0x1, v0;
	vm12 =	vcmask $0x1B2C  }
0x4b: {  	vm9 =	vnez.u8 v34;
	v26 =	vbroadcast v23, $0xF;
	v18 =	vsel vm12, v18, v21  }
0x4c: {  	v32, _, _ =	vpop (xrf0);
	(xrf0) =	vadd.scan.msk.s32 $0xffff, v25;
	v21 =	vadd.s32 v22, v19;
	v25 =	vadd.s32 $0xFFFFFFFF, v29;
	vm12 =	veq.s32 v20, $0xF  }
0x4d: {  	v22 =	vbroadcast v32, $0xF;
	v17 =	vsel vm11, v25, v17;
	vm11 =	vcmask $0x1F2C  }
0x4e: {  	v18 =	vsel vm11, v18, v21;
	v21 =	vadd.s32 v26, v19;
	vm11 =	vcmask $0x232C  }
0x4f: {  	v23 =	vadd.s32 $0xFFFFFFFF, v23;
	v30 =	vsel vm0, v30, v17;
	v18 =	vsel vm11, v18, v21  }
0x50: {  	s6 =	simm.s32 $0x10;
	v25, _, _ =	vpop (xrf0);
	v21 =	vadd.s32 v22, v19;
	vm11 =	vcmask $0x2B34;
	v28 =	vsel vm8, v28, v30  }
0x51: {  	v17 =	vld [tilespmem:s6+$0x0];
	v26 =	vbroadcast v25, $0xF;
	v29, _, _ =	vpop (xrf0);
	v21 =	vsel vm9, v18, v21;
	v28 =	vsel vm10, v31, v28  }
0x52: {  	v25 =	vadd.s32 $0xFFFFFFFF, v25;
	v22 =	vbroadcast v29, $0xF;
	v33, _, _ =	vpop (xrf0);
	v27 =	vsel vm7, v27, v28  }
0x53: {  	v26 =	vadd.s32 v26, v18;
	v49 =	vbroadcast v33, $0xF;
	v24 =	vsel vm6, v24, v27  }
0x54: {  	v26 =	vsel vm11, v21, v26;
	v18 =	vadd.s32 v22, v18;
	vm11 =	vcmask $0x2F38  }
0x55: {  	v18 =	vsel vm11, v26, v18;
	v26 =	vadd.s32 v49, v26;
	vm11 =	vcmask $0x333C  }
0x56: {  	v22 =	vsel vm12, $0x1, v0;
	v26 =	vsel vm11, v18, v26;
	vm11 =	veq.s32 v17, $0x0  }
0x57: {  	vm8 =	veq.s32 v17, $0x1;
	vm7 =	veq.s32 v17, $0x2;
	(xrf0) =	vadd.scan.msk.s32 $0xffff, v22;
	v30 =	vsel vm11, $0x1, v0  }
0x58: {  	vm6 =	veq.s32 v17, $0x3;
	v23 =	vsel vm5, v23, v24;
	v28 =	vsel vm8, $0x1, v0;
	(xrf0) =	vadd.scan.msk.s32 $0xffff, v30  }
0x59: {  	v21, _, _ =	vpop (xrf0);
	vm5 =	veq.s32 v17, $0x4;
	v22 =	vadd.s32 $0xFFFFFFFF, v32;
	v27 =	vsel vm7, $0x1, v0;
	(xrf0) =	vadd.scan.msk.s32 $0xffff, v28  }
0x5a: {  	v24 =	vsel vm6, $0x1, v0;
	v22 =	vsel vm4, v22, v23;
	vm4 =	veq.s32 v17, $0x5;
	v28 =	vld [tilespmem:$0x1FFD0];
	(xrf0) =	vadd.scan.msk.s32 $0xffff, v27  }
0x5b: {  	v29 =	vadd.s32 $0xFFFFFFFF, v29;
	v23 =	vsel vm5, $0x1, v0;
	(xrf0) =	vadd.scan.msk.s32 $0xffff, v24;
	v24 =	vsel vm4, $0x1, v0  }
0x5c: {  	vm10 =	veq.s32 v17, $0x6;
	v50 =	vbroadcast v21, $0xF;
	v22 =	vsel vm3, v25, v22;
	(xrf0) =	vadd.scan.msk.s32 $0xffff, v23  }
0x5d: {  	v22 =	vsel vm2, v29, v22;
	vm2 =	veq.s32 v17, $0x7;
	v27, _, _ =	vpop (xrf0);
	v23 =	vsel vm10, $0x1, v0;
	(xrf0) =	vadd.scan.msk.s32 $0xffff, v24  }
0x5e: {  	vm1 =	vmmov vm1;
	v25 =	vsel vm2, $0x1, v0;
	v24, _, _ =	vpop (xrf0);
	(xrf0) =	vadd.scan.msk.s32 $0xffff, v23  }
0x5f: {  	vm14 =	vmmov vm13;
	v18 =	vadd.s32 v50, v18;
	vm0 =	vnez.u8 v28;
	v29, _, _ =	vpop (xrf0);
	(xrf0) =	vadd.scan.msk.s32 $0xffff, v25;
	v25 =	vld [tilespmem:$0x1FFE0]  }
0x60: {  	vm3 =	veq.s32 v17, $0xF;
	v23 =	vadd.s32 $0xFFFFFFFF, v24;
	v18 =	vsel vm0, v26, v18  }
0x61: {  	v58 =	vld [tilespmem:$0x1FFF0];
	v26 =	vadd.s32 v27, v26;
	v24 =	vbroadcast v24, $0xF;
	v23 =	vnsel vm11, $0x0, v23  }
0x62: {  	v28 =	vadd.s32 $0xFFFFFFFF, v29;
	vm11 =	veq.s32 v17, $0xC;
	v29 =	vbroadcast v29, $0xF  }
0x63: {  	v23 =	vsel vm8, v28, v23;
	vm8 =	veq.s32 v17, $0x8;
	v56 =	vsel vm11, $0x1, v0  }
0x64: {  	v36 =	vsel vm8, $0x1, v0;
	vm13 =	vnez.u8 v25;
	v25 =	vadd.s32 $0xFFFFFFFF, v33  }
0x65: {  	v18 =	vsel vm13, v18, v26;
	v26, _, _ =	vpop (xrf0);
	v25 =	vsel vm1, v25, v22;
	v22 =	vsel vm3, $0x1, v0  }
0x66: {  	vm1 =	vnez.u8 v58;
	v28 =	vadd.s32 $0xFFFFFFFF, v26;
	v24 =	vadd.s32 v18, v24  }
0x67: {  	v30, _, _ =	vpop (xrf0);
	v26 =	vbroadcast v26, $0xF;
	v29 =	vadd.s32 v29, v18;
	v23 =	vsel vm7, v28, v23  }
0x68: {  	v31, _, _ =	vpop (xrf0);
	v28 =	vadd.s32 $0xFFFFFFFF, v30;
	vm7 =	veq.s32 v17, $0xE;
	v24 =	vsel vm1, v24, v18  }
0x69: {  	v30 =	vbroadcast v30, $0xF;
	v52 =	vadd.s32 $0xFFFFFFFF, v31;
	v23 =	vsel vm6, v28, v23  }
0x6a: {  	v51, _, _ =	vpop (xrf0);
	vm6 =	veq.s32 v17, $0xA;
	v24 =	vsel vm15, v24, v29;
	v26 =	vadd.s32 v26, v18  }
0x6b: {  	v29 =	vbroadcast v31, $0xF;
	v28 =	vadd.s32 $0xFFFFFFFF, v51;
	v23 =	vsel vm5, v52, v23  }
0x6c: {  	v53, _, _ =	vpop (xrf0);
	vm5 =	veq.s32 v17, $0xD;
	v57 =	vsel vm6, $0x1, v0;
	v24 =	vsel vm14, v24, v26  }
0x6d: {  	v26 =	vadd.s32 v30, v18;
	v30 =	vbroadcast v51, $0xF;
	v35 =	vadd.s32 $0xFFFFFFFF, v53  }
0x6e: {  	v54, _, _ =	vpop (xrf0);
	v23 =	vsel vm4, v28, v23;
	vm4 =	vmmov vm7;
	vm7 =	veq.s32 v17, $0x9  }
0x6f: {  	(xrf0) =	vadd.scan.msk.s32 $0xffff, v36;
	v28 =	vadd.s32 $0xFFFFFFFF, v54;
	v23 =	vsel vm10, v35, v23;
	v38 =	vsel vm7, $0x1, v0  }
0x70: {  	vm10 =	veq.s32 v17, $0xB;
	v28 =	vsel vm2, v28, v23;
	v23 =	vimm.s32 $0x0;
	(xrf0) =	vadd.scan.msk.s32 $0xffff, v38  }
0x71: {  	v39 =	vsel vm10, $0x1, v0;
	vm2 =	vcmask $0xB2C;
	v23 =	vsel vm5, $0xFFFFFFFF, v23;
	(xrf0) =	vadd.scan.msk.s32 $0xffff, v57  }
0x72: {  	v24 =	vsel vm2, v24, v26;
	v26 =	vadd.s32 v29, v18;
	v29 =	vbroadcast v53, $0xF;
	(xrf0) =	vadd.scan.msk.s32 $0xffff, v39  }
0x73: {  	vm2 =	vcmask $0xF2C;
	[tilespmem:$0x1FF90] =	vst v23;
	v23 =	vsel vm5, $0x1, v0;
	(xrf0) =	vadd.scan.msk.s32 $0xffff, v56  }
0x74: {  	(xrf0) =	vadd.scan.msk.s32 $0xffff, v23;
	v23 =	vsel vm2, v24, v26;
	v24 =	vadd.s32 v30, v18;
	vm2 =	vcmask $0x132C  }
0x75: {  	v55 =	vsel vm4, $0x1, v0;
	v26 =	vbroadcast v54, $0xF;
	v30, _, _ =	vpop (xrf0);
	v23 =	vsel vm2, v23, v24  }
0x76: {  	v24 =	vadd.s32 v29, v18;
	v29 =	vbroadcast v30, $0xF;
	vm2 =	vcmask $0x172C;
	v31, _, _ =	vpop (xrf0)  }
0x77: {  	(xrf0) =	vadd.scan.msk.s32 $0xffff, v55;
	v23 =	vsel vm2, v23, v24;
	v24 =	vadd.s32 v26, v18;
	vm2 =	vcmask $0x1B2C;
	v59, _, _ =	vpop (xrf0)  }
0x78: {  	v23 =	vsel vm2, v23, v24;
	v24 =	vadd.s32 v29, v18;
	vm2 =	vcmask $0x1F2C;
	v60, _, _ =	vpop (xrf0)  }
0x79: {  	(xrf0) =	vadd.scan.msk.s32 $0xffff, v22;
	v26 =	vbroadcast v31, $0xF;
	v22 =	vsel vm2, v23, v24;
	v24 =	vbroadcast v60, $0xF;
	_ =	sdelay $0x1  }
0x7a: {  	v29 =	vbroadcast v59, $0xF;
	vm2 =	vcmask $0x232C;
	v23 =	vadd.s32 v26, v18;
	v61, _, _ =	vpop (xrf0)  }
0x7b: {  	v22 =	vsel vm2, v22, v23;
	v26 =	vbroadcast v61, $0xF;
	v62, _, _ =	vpop (xrf0)  }
0x7c: {  	v23 =	vadd.s32 v29, v18;
	v29 =	vadd.s32 v24, v22;
	v24, _, _ =	vpop (xrf0)  }
0x7d: {  	v23 =	vsel vm9, v22, v23;
	v22 =	vadd.s32 v26, v22;
	v26 =	vbroadcast v24, $0xF  }
0x7e: {  	v20 =	vadd.s32 $0x10, v20;
	vm2 =	vcmask $0x2B34;
	v63 =	vbroadcast v62, $0xF  }
0x7f: {  	v29 =	vsel vm2, v23, v29;
	v23 =	vadd.s32 $0xFFFFFFFF, v21;
	vm2 =	vcmask $0x2F38  }
0x80: {  	v21 =	vsel vm2, v29, v22;
	v29 =	vadd.s32 v63, v29;
	vm2 =	vcmask $0x333C  }
0x81: {  	v22 =	vadd.s32 $0xFFFFFFFF, v27;
	v27 =	vsel vm2, v21, v29;
	v21 =	vadd.s32 v26, v21;
	v26, _, _ =	vpop (xrf0)  }
0x82: {  	v19 =	vperm.xlane v19, v20;
	v20 =	vsel vm0, v27, v21;
	v21 =	vadd.s32 v26, v27;
	v27 =	vld [tilespmem:$0x1FFB0];
	_ =	sdelay $0x1  }
0x83: {  	v37 =	vimm.s32 $0x0  }
0x84: {  	v37 =	vsel vm11, $0xFFFFFFFF, v37;
	v32 =	vadd.s32 $0xFFFFFFFF, v30;
	v31 =	vadd.s32 $0xFFFFFFFF, v31  }
0x85: {  	v30 =	vadd.s32 $0xFFFFFFFF, v59;
	vm9 =	vmmov vm10;
	v29 =	vadd.s32 $0xFFFFFFFF, v60  }
0x86: {  	v20 =	vsel vm13, v20, v21;
	v21 =	vadd.s32 $0xFFFFFFFF, v62;
	vm0 =	vnez.u8 v27  }
0x87: {  	s8 =	simm.s32 $0x20;
	s7 =	simm.s32 $0xC0;
	[tilespmem:$0x1FFA0] =	vst v37;
	v27 =	vadd.s32 $0xFFFFFFFF, v61;
	vm5 =	vmmov vm0;
	vm0 =	vmmov vm12  }
.LBB2_4:
0x88: {  	v28 =	vsel vm8, v32, v28  }
0x89: {  	v26 =	vadd.s32 $0xFFFFFFFF, v26;
	v25 =	vsel vm5, v23, v25;
	v28 =	vsel vm7, v31, v28  }
0x8a: {  	v25 =	vsel vm0, v22, v25;
	vm0 =	vmmov vm4;
	v28 =	vsel vm6, v30, v28  }
0x8b: {  	v22 =	vmovc v26;
	v26 =	vsel vm9, v29, v28;
	v28 =	vadd.s32 v19, v25;
	v25 =	vimm.s32 $0x0  }
0x8c: {  	v25 =	vsel vm0, $0xFFFFFFFF, v25  }
0x8d: {  	[tilespmem:$0x1FF60] =	vst v25;
	v25 =	vld [tilespmem:$0x1FFA0];
	_ =	sdelay $0x2  }
0x8e: {  	v33 =	vadd.s32 $0x10, v17;
	v24 =	vadd.s32 $0xFFFFFFFF, v24  }
0x8f: {  	v23 =	vmov v24;
	v24 =	vperm.xlane v18, v33  }
0x90: {  	vm0 =	vnez.u8 v25  }
0x91: {  	v19 =	vmovc v24;
	v24 =	vimm.s32 $0x0;
	v25 =	vsel vm0, v27, v26;
	vm0 =	vmmov vm3  }
0x92: {  	v24 =	vsel vm0, $0xFFFFFFFF, v24  }
0x93: {  	[tilespmem:$0x1FF70] =	vst v24;
	v24 =	vld [tilespmem:$0x1FF90];
	_ =	sdelay $0x1  }
0x94: {  	v17 =	vld [tilespmem:s8+$0x0];
	_ =	sdelay $0x2  }
0x95: {  	vm0 =	vnez.u8 v24  }
0x96: {  	v24 =	vimm.s32 $0x0;
	vm1 =	vmmov vm0  }
0x97: {  	[tilespmem:s1+$0x100] =	vst v28;
	vm12 =	veq.s32 v17, $0x0;
	v24 =	vsel vm1, $0xFFFFFFFF, v24  }
0x98: {  	v28 =	vimm.s32 $0x0;
	vm5 =	veq.s32 v17, $0xE;
	[tilespmem:$0x1FF80] =	vst v24;
	v24 =	vsel vm12, $0x1, v0  }
0x99: {  	vm4 =	veq.s32 v17, $0xF;
	vm13 =	veq.s32 v17, $0x1;
	vm9 =	veq.s32 v17, $0xC;
	(xrf0) =	vadd.scan.msk.s32 $0xffff, v24  }
0x9a: {  	vm10 =	veq.s32 v17, $0x3;
	v26 =	vsel vm13, $0x1, v0;
	vm0 =	veq.s32 v17, $0x2  }
0x9b: {  	vm11 =	veq.s32 v17, $0xB;
	vm14 =	veq.s32 v17, $0x4;
	v24 =	vsel vm0, $0x1, v0;
	(xrf0) =	vadd.scan.msk.s32 $0xffff, v26  }
0x9c: {  	vm6 =	veq.s32 v17, $0xA;
	vm15 =	veq.s32 v17, $0x5;
	v26 =	vsel vm10, $0x1, v0;
	(xrf0) =	vadd.scan.msk.s32 $0xffff, v24  }
0x9d: {  	v49 =	vld [tilespmem:$0x1FFF0];
	vm7 =	veq.s32 v17, $0x9;
	vm8 =	veq.s32 v17, $0x8;
	v24 =	vsel vm14, $0x1, v0;
	(xrf0) =	vadd.scan.msk.s32 $0xffff, v26  }
0x9e: {  	vm2 =	veq.s32 v17, $0x6;
	v31 =	vsel vm8, $0x1, v0;
	v26 =	vsel vm15, $0x1, v0;
	(xrf0) =	vadd.scan.msk.s32 $0xffff, v24  }
0x9f: {  	v47 =	vsel vm9, $0x1, v0;
	vm3 =	veq.s32 v17, $0xD;
	v24 =	vsel vm2, $0x1, v0;
	(xrf0) =	vadd.scan.msk.s32 $0xffff, v26;
	v30, _, _ =	vpop (xrf0)  }
0xa0: {  	v28 =	vsel vm3, $0xFFFFFFFF, v28;
	vm1 =	veq.s32 v17, $0x7;
	(xrf0) =	vadd.scan.msk.s32 $0xffff, v24;
	v24 =	vbroadcast v30, $0xF  }
0xa1: {  	v34 =	vsel vm7, $0x1, v0;
	[tilespmem:$0x1FF90] =	vst v28;
	v28 =	vsel vm3, $0x1, v0;
	v26 =	vsel vm1, $0x1, v0;
	v48, _, _ =	vpop (xrf0)  }
0xa2: {  	vm3 =	vnez.u8 v49;
	(xrf0) =	vadd.scan.msk.s32 $0xffff, v26;
	v26 =	vbroadcast v48, $0xF;
	v36, _, _ =	vpop (xrf0);
	v24 =	vadd.s32 v20, v24  }
0xa3: {  	v35 =	vsel vm11, $0x1, v0;
	(xrf0) =	vadd.scan.msk.s32 $0xffff, v31;
	v31 =	vbroadcast v36, $0xF;
	v38, _, _ =	vpop (xrf0);
	v24 =	vsel vm3, v24, v20  }
0xa4: {  	v26 =	vadd.s32 v26, v20;
	v50 =	vbroadcast v38, $0xF;
	vm3 =	vcmask $0x32C  }
0xa5: {  	v39, _, _ =	vpop (xrf0);
	v24 =	vsel vm3, v24, v26;
	v26 =	vadd.s32 v31, v20;
	vm3 =	vcmask $0x72C  }
0xa6: {  	v40 =	vsel vm6, $0x1, v0;
	(xrf0) =	vadd.scan.msk.s32 $0xffff, v34;
	v31 =	vbroadcast v39, $0xF;
	v37, _, _ =	vpop (xrf0);
	v24 =	vsel vm3, v24, v26  }
0xa7: {  	(xrf0) =	vadd.scan.msk.s32 $0xffff, v40;
	v26 =	vadd.s32 v50, v20;
	v51 =	vbroadcast v37, $0xF;
	vm3 =	vcmask $0xB2C  }
0xa8: {  	(xrf0) =	vadd.scan.msk.s32 $0xffff, v35;
	v52, _, _ =	vpop (xrf0);
	v24 =	vsel vm3, v24, v26;
	v26 =	vadd.s32 v31, v20;
	vm3 =	vcmask $0xF2C  }
0xa9: {  	v29 =	vsel vm5, $0x1, v0;
	(xrf0) =	vadd.scan.msk.s32 $0xffff, v47;
	v41 =	vbroadcast v52, $0xF;
	v53, _, _ =	vpop (xrf0);
	v24 =	vsel vm3, v24, v26  }
0xaa: {  	(xrf0) =	vadd.scan.msk.s32 $0xffff, v28;
	v26 =	vadd.s32 v51, v20;
	v28 =	vbroadcast v53, $0xF;
	vm3 =	vcmask $0x132C  }
0xab: {  	v54, _, _ =	vpop (xrf0);
	v24 =	vsel vm3, v24, v26;
	v26 =	vadd.s32 v41, v20;
	vm3 =	vcmask $0x172C  }
0xac: {  	v27 =	vsel vm4, $0x1, v0;
	(xrf0) =	vadd.scan.msk.s32 $0xffff, v29;
	v29 =	vbroadcast v54, $0xF;
	v24 =	vsel vm3, v24, v26  }
0xad: {  	v31, _, _ =	vpop (xrf0);
	vm3 =	vmmov vm4;
	v26 =	vadd.s32 v28, v20;
	vm4 =	vcmask $0x1B2C  }
0xae: {  	v43 =	vbroadcast v31, $0xF;
	v24 =	vsel vm4, v24, v26  }
0xaf: {  	vm4 =	vmmov vm5;
	v26 =	vadd.s32 v29, v20;
	vm5 =	vcmask $0x1F2C  }
0xb0: {  	v24 =	vsel vm5, v24, v26;
	v26 =	vadd.s32 v43, v20;
	vm5 =	vcmask $0x232C  }
0xb1: {  	v55, _, _ =	vpop (xrf0);
	v26 =	vsel vm5, v24, v26;
	v24 =	vld [tilespmem:$0x1FFC0]  }
0xb2: {  	v29 =	vbroadcast v55, $0xF;
	v56, _, _ =	vpop (xrf0)  }
0xb3: {  	(xrf0) =	vadd.scan.msk.s32 $0xffff, v27;
	v27 =	vbroadcast v56, $0xF;
	v28, _, _ =	vpop (xrf0)  }
0xb4: {  	v18 =	vmov v20;
	v20 =	vadd.s32 v29, v20;
	v29 =	vbroadcast v28, $0xF;
	v42, _, _ =	vpop (xrf0)  }
0xb5: {  	v58 =	vld [tilespmem:$0x1FFD0];
	v27 =	vadd.s32 v27, v26;
	v57 =	vbroadcast v42, $0xF  }
0xb6: {  	v60 =	vld [tilespmem:$0x1FFE0];
	v44 =	vadd.s32 v29, v26;
	v29 =	vadd.s32 $0xFFFFFFFF, v30;
	vm5 =	vnez.u8 v24  }
0xb7: {  	v29 =	vnsel vm12, $0x0, v29;
	v24, _, _ =	vpop (xrf0);
	v20 =	vsel vm5, v26, v20;
	vm5 =	vcmask $0x2B34  }
0xb8: {  	v20 =	vsel vm5, v20, v27;
	v27 =	vbroadcast v24, $0xF;
	vm5 =	vcmask $0x2F38  }
0xb9: {  	v30 =	vsel vm5, v20, v44;
	v20 =	vadd.s32 v57, v20;
	vm5 =	vcmask $0x333C  }
0xba: {  	v20 =	vsel vm5, v30, v20;
	v27 =	vadd.s32 v27, v30;
	vm5 =	vnez.u8 v58  }
0xbb: {  	vm12 =	vnez.u8 v60;
	v26, _, _ =	vpop (xrf0);
	v30 =	vadd.s32 $0xFFFFFFFF, v48;
	v27 =	vsel vm5, v20, v27  }
0xbc: {  	v20 =	vadd.s32 v26, v20;
	v29 =	vsel vm13, v30, v29;
	v30 =	vadd.s32 $0xFFFFFFFF, v36  }
0xbd: {  	v20 =	vsel vm12, v27, v20;
	v27 =	vsel vm0, v30, v29;
	v29 =	vld [tilespmem:$0x1FF70];
	_ =	sdelay $0x2  }
0xbe: {  	v46 =	vimm.s32 $0x0  }
0xbf: {  	v32 =	vsel vm9, $0xFFFFFFFF, v46;
	v59 =	vld [tilespmem:$0x1FF60]  }
0xc0: {  	vm9 =	vmmov vm11;
	v63 =	vld [tilespmem:$0x1FF80];
	vm0 =	vnez.u8 v29;
	v29 =	vadd.s32 $0xFFFFFFFF, v38  }
0xc1: {  	p1 =	sne.s32 s7, $0x3C0;
	v61 =	vadd.s32 $0xFFFFFFFF, v52;
	v30 =	vadd.s32 $0xFFFFFFFF, v39;
	v27 =	vsel vm10, v29, v27  }
.Ltmp3:
0xc2: {  	v62 =	vadd.s32 $0xFFFFFFFF, v53;
	v29 =	vadd.s32 $0xFFFFFFFF, v37;
	v27 =	vsel vm14, v30, v27;
	(pc) =	sbr.rel @p1 .LBB2_4-.Ltmp3, $4  }
0xc3: {  	[tilespmem:$0x1FFA0] =	vst v32;
	v32 =	vadd.s32 $0xFFFFFFFF, v54;
	v31 =	vadd.s32 $0xFFFFFFFF, v31;
	v27 =	vsel vm15, v29, v27  }
0xc4: {  	vm5 =	vnez.u8 v59;
	v30 =	vadd.s32 $0xFFFFFFFF, v55;
	v33 =	vsel vm2, v61, v27  }
0xc5: {  	s1 =	smov.u32 s6;
	v27 =	vadd.s32 $0xFFFFFFFF, v28;
	v28 =	vsel vm1, v62, v33;
	vm1 =	vnez.u8 v63  }
0xc6: {  	s6 =	smov.u32 s8;
	s8 =	sshra.s32 s7, $0x2;
	s7 =	sadd.s32 $0x40, s7;
	v29 =	vadd.s32 $0xFFFFFFFF, v56;
	v25 =	vsel vm1, v21, v25;
	v21 =	vadd.s32 $0xFFFFFFFF, v42  }
0xc7: {  	v33 =	vld [tilespmem:s8+$0x0];
	_ =	sdelay $0x3  }
0xc8: {  	v28 =	vsel vm8, v32, v28  }
0xc9: {  	v23 =	vsel vm5, v23, v25;
	v24 =	vadd.s32 $0xFFFFFFFF, v24;
	vm2 =	veq.s32 v33, $0x0  }
0xca: {  	v17 =	vadd.s32 $0x10, v17;
	v28 =	vsel vm7, v31, v28;
	v34 =	vsel vm2, $0x1, v0  }
0xcb: {  	v22 =	vsel vm0, v22, v23;
	v17 =	vperm.xlane v18, v17;
	vm13 =	veq.s32 v33, $0x1;
	(xrf0) =	vadd.scan.msk.s32 $0xffff, v34  }
0xcc: {  	v53 =	vsel vm6, v30, v28;
	vm12 =	veq.s32 v33, $0x2;
	v51 =	vsel vm13, $0x1, v0  }
0xcd: {  	v18 =	vadd.s32 v19, v22;
	vm11 =	veq.s32 v33, $0x3;
	v52 =	vsel vm12, $0x1, v0;
	(xrf0) =	vadd.scan.msk.s32 $0xffff, v51  }
0xce: {  	v25 =	vsel vm9, v29, v53;
	vm10 =	veq.s32 v33, $0x4;
	v54 =	vsel vm11, $0x1, v0;
	(xrf0) =	vadd.scan.msk.s32 $0xffff, v52  }
0xcf: {  	vm8 =	veq.s32 v33, $0x5;
	vm0 =	veq.s32 v33, $0xA;
	v55 =	vsel vm10, $0x1, v0;
	(xrf0) =	vadd.scan.msk.s32 $0xffff, v54  }
0xd0: {  	vm9 =	veq.s32 v33, $0x6;
	vm7 =	veq.s32 v33, $0x7;
	v56 =	vsel vm8, $0x1, v0;
	(xrf0) =	vadd.scan.msk.s32 $0xffff, v55  }
0xd1: {  	vm1 =	veq.s32 v33, $0x8;
	vm6 =	veq.s32 v33, $0xB;
	v58 =	vsel vm9, $0x1, v0;
	v57, _, _ =	vpop (xrf0);
	(xrf0) =	vadd.scan.msk.s32 $0xffff, v56  }
0xd2: {  	vm5 =	veq.s32 v33, $0xC;
	v60 =	vsel vm7, $0x1, v0;
	v62 =	vsel vm1, $0x1, v0;
	(xrf0) =	vadd.scan.msk.s32 $0xffff, v58  }
0xd3: {  	v35 =	vsel vm0, $0x1, v0;
	v37 =	vsel vm6, $0x1, v0;
	v59 =	vadd.s32 $0xFFFFFFFF, v57;
	v61, _, _ =	vpop (xrf0);
	(xrf0) =	vadd.scan.msk.s32 $0xffff, v60  }
0xd4: {  	v23 =	vnsel vm2, $0x0, v59;
	vm2 =	veq.s32 v33, $0x9;
	v63, _, _ =	vpop (xrf0);
	v29 =	vadd.s32 $0xFFFFFFFF, v61;
	(xrf0) =	vadd.scan.msk.s32 $0xffff, v62  }
0xd5: {  	v34 =	vsel vm2, $0x1, v0;
	v23 =	vsel vm13, v29, v23;
	v28 =	vadd.s32 $0xFFFFFFFF, v63;
	v36, _, _ =	vpop (xrf0)  }
0xd6: {  	v40 =	vsel vm5, $0x1, v0;
	(xrf0) =	vadd.scan.msk.s32 $0xffff, v34;
	v23 =	vsel vm12, v28, v23;
	v38, _, _ =	vpop (xrf0);
	v39 =	vadd.s32 $0xFFFFFFFF, v36  }
0xd7: {  	v60 =	vadd.s32 $0xFFFFFFFF, v26;
	(xrf0) =	vadd.scan.msk.s32 $0xffff, v35;
	v23 =	vsel vm11, v39, v23;
	v42 =	vadd.s32 $0xFFFFFFFF, v38;
	v41, _, _ =	vpop (xrf0)  }
0xd8: {  	v51 =	vld [tilespmem:$0x1FFA0];
	v62 =	vadd.s32 $0x10, v33;
	(xrf0) =	vadd.scan.msk.s32 $0xffff, v37;
	v23 =	vsel vm10, v42, v23;
	v43, _, _ =	vpop (xrf0);
	v44 =	vadd.s32 $0xFFFFFFFF, v41  }
0xd9: {  	vm10 =	veq.s32 v33, $0xD;
	v23 =	vsel vm8, v44, v23;
	v46, _, _ =	vpop (xrf0);
	v28 =	vadd.s32 $0xFFFFFFFF, v43  }
0xda: {  	v57 =	vld [tilespmem:$0x1FF90];
	(xrf0) =	vadd.scan.msk.s32 $0xffff, v40;
	v45 =	vsel vm10, $0x1, v0;
	v23 =	vsel vm9, v28, v23;
	v47, _, _ =	vpop (xrf0);
	v48 =	vadd.s32 $0xFFFFFFFF, v46  }
0xdb: {  	vm8 =	veq.s32 v33, $0xE;
	(xrf0) =	vadd.scan.msk.s32 $0xffff, v45;
	v23 =	vsel vm7, v48, v23;
	v28 =	vadd.s32 $0xFFFFFFFF, v47  }
0xdc: {  	v49 =	vsel vm8, $0x1, v0;
	v50, _, _ =	vpop (xrf0);
	v23 =	vsel vm1, v28, v23;
	vm1 =	veq.s32 v33, $0xF  }
0xdd: {  	vm11 =	vnez.u8 v51;
	(xrf0) =	vadd.scan.msk.s32 $0xffff, v49;
	v52, _, _ =	vpop (xrf0);
	v53 =	vadd.s32 $0xFFFFFFFF, v50;
	v55 =	vsel vm1, $0x1, v0  }
0xde: {  	v25 =	vsel vm11, v27, v25;
	v23 =	vsel vm2, v53, v23;
	v54, _, _ =	vpop (xrf0);
	v27 =	vadd.s32 $0xFFFFFFFF, v52;
	(xrf0) =	vadd.scan.msk.s32 $0xffff, v55  }
0xdf: {  	v20 =	vperm.xlane v20, v62;
	v23 =	vsel vm0, v27, v23;
	vm0 =	vnez.u8 v57  }
0xe0: {  	vm2 =	vmmov vm10;
	v56, _, _ =	vpop (xrf0);
	v28 =	vadd.s32 $0xFFFFFFFF, v54;
	vm0 =	vmmov vm0  }
0xe1: {  	v23 =	vsel vm6, v28, v23;
	v58 =	vadd.s32 $0xFFFFFFFF, v56;
	v59, _, _ =	vpop (xrf0);
	v21 =	vsel vm0, v21, v25  }
0xe2: {  	v23 =	vsel vm5, v58, v23;
	vm0 =	vmmov vm4;
	v25 =	vadd.s32 $0xFFFFFFFF, v59  }
0xe3: {  	v21 =	vsel vm0, v24, v21;
	v23 =	vsel vm2, v25, v23;
	v61, _, _ =	vpop (xrf0);
	vm0 =	vmmov vm3  }
0xe4: {  	vm2 =	vmmov vm8;
	v25 =	vadd.s32 $0xFFFFFFFF, v61;
	v21 =	vsel vm0, v60, v21;
	v19, _, _ =	vpop (xrf0)  }
0xe5: {  	vm0 =	vmmov vm1;
	v23 =	vsel vm2, v25, v23;
	v19 =	vadd.s32 $0xFFFFFFFF, v19  }
0xe6: {  	[tilespmem:s1+$0x100] =	vst v18;
	v17 =	vadd.s32 v17, v21;
	v18 =	vsel vm0, v19, v23  }
0xe7: {  	[tilespmem:s6+$0x100] =	vst v17;
	v17 =	vadd.s32 v20, v18  }
0xe8: {  	s19 =	rddreg [dreg:$0x9];
	s17 =	simm.s32 $0x100;
	s0 =	simm.s32 $0x3;
	[tilespmem:s8+$0x100] =	vst v17  }
0xe9: {  	[hbm4b:s19+s2] =	stream.linear.scatter [tilespmem:s17], [sflag:$0x3], $0x100, $0x38;
	[tilespmem:$0x11480] =	vst v63  }
0xea: {  	_ =	swait.ge [sflag:s0], $0x100  }
0xeb: {  	[sflag:s0] =	ssyncset.done $0x0  }
0xec: {  	s20 =	rddreg [dreg:$0xa];
	[sflag:s0] =	ssyncadd.s32 $0xFFFFFF00  }
0xed: {  	[tilespmem:s30], [sflag:$0x3] =	stream.linear.gather [hbm4b:s20+s2], $0x10000, $0x38;
	[tilespmem:$0x11480] =	vst v63  }
0xee: {  	_ =	swait.ge [sflag:s0], $0x10000  }
0xef: {  	[sflag:s0] =	ssyncset.done $0x0  }
0xf0: {  	[sflag:s0] =	ssyncadd.s32 $0xFFFF0000  }
0xf1: {  	v17 =	vld.idx.msk [tilespmem:v2+s17+$0x0], $0xffff;
	_ =	sdelay $0x4  }
0xf2: {  	[tilespmem:$0x11200] =	vst v17  }
0xf3: {  	v17 =	vld.idx.msk [tilespmem:v3+s17+$0x0], $0xffff;
	_ =	sdelay $0x4  }
0xf4: {  	[tilespmem:$0x11280] =	vst v17  }
0xf5: {  	v17 =	vld.idx.msk [tilespmem:v4+s17+$0x0], $0xffff;
	_ =	sdelay $0x4  }
0xf6: {  	[tilespmem:$0x11210] =	vst v17  }
0xf7: {  	v17 =	vld.idx.msk [tilespmem:v5+s17+$0x0], $0xffff;
	_ =	sdelay $0x4  }
0xf8: {  	[tilespmem:$0x11290] =	vst v17  }
0xf9: {  	v17 =	vld.idx.msk [tilespmem:v6+s17+$0x0], $0xffff;
	_ =	sdelay $0x4  }
0xfa: {  	[tilespmem:$0x11220] =	vst v17  }
0xfb: {  	v17 =	vld.idx.msk [tilespmem:v7+s17+$0x0], $0xffff;
	_ =	sdelay $0x2  }
0xfc: {  	v18 =	vld [tilespmem:$0x11200];
	_ =	sdelay $0x1  }
0xfd: {  	[tilespmem:$0x112A0] =	vst v17  }
0xfe: {  	v17 =	vld.idx.msk [tilespmem:v8+s17+$0x0], $0xffff;
	_ =	sdelay $0x1  }
0xff: {  	v19 =	vshll.u32 v18, $0x3  }
0x100: {  	v18 =	vand.u32 $0x7, v18;
	v19 =	vand.u32 $0xFFFFFFC0, v19  }
0x101: {  	v18 =	vor.u32 v18, v19  }
0x102: {  	[tilespmem:$0x11230] =	vst v17;
	v17 =	vperm.xlane v18, v10  }
0x103: {  	v19 =	vld.idx.msk [tilespmem:v9+s17+$0x0], $0xffff  }
0x104: {  	v17 =	vadd.s32 v11, v17;
	_ =	sdelay $0x3  }
0x105: {  	vm1 =	vmmov $0xffff;
	[tilespmem:$0x112B0] =	vst v19  }
0x106: {  	[hbm4b:s5+s2] =	stream.indirect_vreg.scatter [tilespmem:s30], [sflag:$0x1], $0x80, v17, vm1, $0xb8;
	[tilespmem:$0x11480] =	vst v63  }
0x107: {  	s21 =	simm.s32 $0x1A00;
	v18 =	vperm.xlane v18, v12  }
0x108: {  	[hbm4b:s12+s2] =	stream.indirect_vreg.scatter [tilespmem:s21], [sflag:$0x1], $0x80, v17, vm1, $0xb8;
	[tilespmem:$0x11480] =	vst v63  }
0x109: {  	s22 =	simm.s32 $0x2200;
	v18 =	vadd.s32 v11, v18  }
0x10a: {  	[hbm4b:s13+s2] =	stream.indirect_vreg.scatter [tilespmem:s22], [sflag:$0x1], $0x80, v17, vm1, $0xb8;
	[tilespmem:$0x11480] =	vst v63  }
0x10b: {  	s23 =	simm.s32 $0x2A00  }
0x10c: {  	[hbm4b:s14+s2] =	stream.indirect_vreg.scatter [tilespmem:s23], [sflag:$0x1], $0x80, v17, vm1, $0xb8;
	[tilespmem:$0x11480] =	vst v63  }
0x10d: {  	s24 =	simm.s32 $0x3200  }
0x10e: {  	[hbm4b:s5+s2] =	stream.indirect_vreg.scatter [tilespmem:s24], [sflag:$0x1], $0x80, v18, vm1, $0xb8;
	[tilespmem:$0x11480] =	vst v63  }
0x10f: {  	s25 =	simm.s32 $0x3A00  }
0x110: {  	[hbm4b:s12+s2] =	stream.indirect_vreg.scatter [tilespmem:s25], [sflag:$0x1], $0x80, v18, vm1, $0xb8;
	[tilespmem:$0x11480] =	vst v63  }
0x111: {  	s26 =	simm.s32 $0x4200  }
0x112: {  	[hbm4b:s13+s2] =	stream.indirect_vreg.scatter [tilespmem:s26], [sflag:$0x1], $0x80, v18, vm1, $0xb8;
	[tilespmem:$0x11480] =	vst v63  }
0x113: {  	s28 =	simm.s32 $0x4A00  }
0x114: {  	[hbm4b:s14+s2] =	stream.indirect_vreg.scatter [tilespmem:s28], [sflag:$0x1], $0x80, v18, vm1, $0xb8;
	[tilespmem:$0x11480] =	vst v63  }
0x115: {  	v17 =	vld [tilespmem:$0x11210];
	_ =	sdelay $0x4  }
0x116: {  	v18 =	vshll.u32 v17, $0x3  }
0x117: {  	v17 =	vand.u32 $0x7, v17;
	v18 =	vand.u32 $0xFFFFFFC0, v18  }
0x118: {  	v17 =	vor.u32 v17, v18  }
0x119: {  	v18 =	vperm.xlane v17, v10;
	_ =	sdelay $0x1  }
0x11a: {  	v18 =	vadd.s32 v11, v18;
	_ =	sdelay $0x3  }
0x11b: {  	s31 =	simm.s32 $0x5200  }
0x11c: {  	[hbm4b:s5+s2] =	stream.indirect_vreg.scatter [tilespmem:s31], [sflag:$0x1], $0x80, v18, vm1, $0xb8;
	[tilespmem:$0x11480] =	vst v63  }
0x11d: {  	s6 =	simm.s32 $0x5A00;
	v17 =	vperm.xlane v17, v12  }
0x11e: {  	[hbm4b:s12+s2] =	stream.indirect_vreg.scatter [tilespmem:s6], [sflag:$0x1], $0x80, v18, vm1, $0xb8;
	[tilespmem:$0x11480] =	vst v63  }
0x11f: {  	s7 =	simm.s32 $0x6200;
	v17 =	vadd.s32 v11, v17  }
0x120: {  	[hbm4b:s13+s2] =	stream.indirect_vreg.scatter [tilespmem:s7], [sflag:$0x1], $0x80, v18, vm1, $0xb8;
	[tilespmem:$0x11480] =	vst v63  }
0x121: {  	s8 =	simm.s32 $0x6A00  }
0x122: {  	[hbm4b:s14+s2] =	stream.indirect_vreg.scatter [tilespmem:s8], [sflag:$0x1], $0x80, v18, vm1, $0xb8;
	[tilespmem:$0x11480] =	vst v63  }
0x123: {  	s15 =	simm.s32 $0x7200  }
0x124: {  	[hbm4b:s5+s2] =	stream.indirect_vreg.scatter [tilespmem:s15], [sflag:$0x1], $0x80, v17, vm1, $0xb8;
	[tilespmem:$0x11480] =	vst v63  }
0x125: {  	s16 =	simm.s32 $0x7A00  }
0x126: {  	[hbm4b:s12+s2] =	stream.indirect_vreg.scatter [tilespmem:s16], [sflag:$0x1], $0x80, v17, vm1, $0xb8;
	[tilespmem:$0x11480] =	vst v63  }
0x127: {  	s18 =	simm.s32 $0x8200  }
0x128: {  	[hbm4b:s13+s2] =	stream.indirect_vreg.scatter [tilespmem:s18], [sflag:$0x1], $0x80, v17, vm1, $0xb8;
	[tilespmem:$0x11480] =	vst v63  }
0x129: {  	s20 =	simm.s32 $0x8A00  }
0x12a: {  	[hbm4b:s14+s2] =	stream.indirect_vreg.scatter [tilespmem:s20], [sflag:$0x1], $0x80, v17, vm1, $0xb8;
	[tilespmem:$0x11480] =	vst v63  }
0x12b: {  	v17 =	vld [tilespmem:$0x11220];
	_ =	sdelay $0x4  }
0x12c: {  	v18 =	vshll.u32 v17, $0x3  }
0x12d: {  	v17 =	vand.u32 $0x7, v17;
	v18 =	vand.u32 $0xFFFFFFC0, v18  }
0x12e: {  	v17 =	vor.u32 v17, v18  }
0x12f: {  	v18 =	vperm.xlane v17, v10;
	_ =	sdelay $0x1  }
0x130: {  	v18 =	vadd.s32 v11, v18;
	_ =	sdelay $0x3  }
0x131: {  	s25 =	simm.s32 $0x9200  }
0x132: {  	[hbm4b:s5+s2] =	stream.indirect_vreg.scatter [tilespmem:s25], [sflag:$0x1], $0x80, v18, vm1, $0xb8;
	[tilespmem:$0x11480] =	vst v63  }
0x133: {  	s26 =	simm.s32 $0x9A00;
	v17 =	vperm.xlane v17, v12  }
0x134: {  	[hbm4b:s12+s2] =	stream.indirect_vreg.scatter [tilespmem:s26], [sflag:$0x1], $0x80, v18, vm1, $0xb8;
	[tilespmem:$0x11480] =	vst v63  }
0x135: {  	s31 =	simm.s32 $0xA200;
	v17 =	vadd.s32 v11, v17  }
0x136: {  	[hbm4b:s13+s2] =	stream.indirect_vreg.scatter [tilespmem:s31], [sflag:$0x1], $0x80, v18, vm1, $0xb8;
	[tilespmem:$0x11480] =	vst v63  }
0x137: {  	s6 =	simm.s32 $0xAA00  }
0x138: {  	[hbm4b:s14+s2] =	stream.indirect_vreg.scatter [tilespmem:s6], [sflag:$0x1], $0x80, v18, vm1, $0xb8;
	[tilespmem:$0x11480] =	vst v63  }
0x139: {  	s7 =	simm.s32 $0xB200  }
0x13a: {  	[hbm4b:s5+s2] =	stream.indirect_vreg.scatter [tilespmem:s7], [sflag:$0x1], $0x80, v17, vm1, $0xb8;
	[tilespmem:$0x11480] =	vst v63  }
0x13b: {  	s8 =	simm.s32 $0xBA00  }
0x13c: {  	[hbm4b:s12+s2] =	stream.indirect_vreg.scatter [tilespmem:s8], [sflag:$0x1], $0x80, v17, vm1, $0xb8;
	[tilespmem:$0x11480] =	vst v63  }
0x13d: {  	s20 =	simm.s32 $0xC200  }
0x13e: {  	[hbm4b:s13+s2] =	stream.indirect_vreg.scatter [tilespmem:s20], [sflag:$0x1], $0x80, v17, vm1, $0xb8;
	[tilespmem:$0x11480] =	vst v63  }
0x13f: {  	s6 =	simm.s32 $0xCA00  }
0x140: {  	[hbm4b:s14+s2] =	stream.indirect_vreg.scatter [tilespmem:s6], [sflag:$0x1], $0x80, v17, vm1, $0xb8;
	[tilespmem:$0x11480] =	vst v63  }
0x141: {  	v17 =	vld [tilespmem:$0x11230];
	_ =	sdelay $0x4  }
0x142: {  	v18 =	vshll.u32 v17, $0x3  }
0x143: {  	v17 =	vand.u32 $0x7, v17;
	v18 =	vand.u32 $0xFFFFFFC0, v18  }
0x144: {  	v17 =	vor.u32 v17, v18  }
0x145: {  	v18 =	vperm.xlane v17, v10;
	_ =	sdelay $0x1  }
0x146: {  	v18 =	vadd.s32 v11, v18;
	_ =	sdelay $0x3  }
0x147: {  	s7 =	simm.s32 $0xD200  }
0x148: {  	[hbm4b:s5+s2] =	stream.indirect_vreg.scatter [tilespmem:s7], [sflag:$0x1], $0x80, v18, vm1, $0xb8;
	[tilespmem:$0x11480] =	vst v63  }
0x149: {  	s8 =	simm.s32 $0xDA00;
	v17 =	vperm.xlane v17, v12  }
0x14a: {  	[hbm4b:s12+s2] =	stream.indirect_vreg.scatter [tilespmem:s8], [sflag:$0x1], $0x80, v18, vm1, $0xb8;
	[tilespmem:$0x11480] =	vst v63  }
0x14b: {  	s1 =	simm.s32 $0xE200;
	v17 =	vadd.s32 v11, v17  }
0x14c: {  	[hbm4b:s13+s2] =	stream.indirect_vreg.scatter [tilespmem:s1], [sflag:$0x1], $0x80, v18, vm1, $0xb8;
	[tilespmem:$0x11480] =	vst v63  }
0x14d: {  	s1 =	simm.s32 $0xEA00  }
0x14e: {  	[hbm4b:s14+s2] =	stream.indirect_vreg.scatter [tilespmem:s1], [sflag:$0x1], $0x80, v18, vm1, $0xb8;
	[tilespmem:$0x11480] =	vst v63  }
0x14f: {  	s1 =	simm.s32 $0xF200  }
0x150: {  	[hbm4b:s5+s2] =	stream.indirect_vreg.scatter [tilespmem:s1], [sflag:$0x1], $0x80, v17, vm1, $0xb8;
	[tilespmem:$0x11480] =	vst v63  }
0x151: {  	s1 =	simm.s32 $0xFA00  }
0x152: {  	[hbm4b:s12+s2] =	stream.indirect_vreg.scatter [tilespmem:s1], [sflag:$0x1], $0x80, v17, vm1, $0xb8;
	[tilespmem:$0x11480] =	vst v63  }
0x153: {  	s1 =	simm.s32 $0x10200  }
0x154: {  	[hbm4b:s13+s2] =	stream.indirect_vreg.scatter [tilespmem:s1], [sflag:$0x1], $0x80, v17, vm1, $0xb8;
	[tilespmem:$0x11480] =	vst v63  }
0x155: {  	s1 =	simm.s32 $0x10A00  }
0x156: {  	[hbm4b:s14+s2] =	stream.indirect_vreg.scatter [tilespmem:s1], [sflag:$0x1], $0x80, v17, vm1, $0xb8;
	[tilespmem:$0x11480] =	vst v63  }
0x157: {  	v17 =	vld [tilespmem:$0x11280];
	_ =	sdelay $0x4  }
0x158: {  	v18 =	vshll.u32 v17, $0x3  }
0x159: {  	v17 =	vand.u32 $0x7, v17;
	v18 =	vand.u32 $0xFFFFFFC0, v18  }
0x15a: {  	v17 =	vor.u32 v17, v18  }
0x15b: {  	v18 =	vperm.xlane v17, v10;
	_ =	sdelay $0x1  }
0x15c: {  	v18 =	vadd.s32 v11, v18;
	_ =	sdelay $0x4  }
0x15d: {  	[hbm4b:s5+s2] =	stream.indirect_vreg.scatter [tilespmem:s30], [sflag:$0x2], $0x80, v18, vm1, $0xb8;
	[tilespmem:$0x11480] =	vst v63  }
0x15e: {  	s4 =	simm.s32 $0x1A00;
	v17 =	vperm.xlane v17, v12  }
0x15f: {  	[hbm4b:s12+s2] =	stream.indirect_vreg.scatter [tilespmem:s4], [sflag:$0x2], $0x80, v18, vm1, $0xb8;
	[tilespmem:$0x11480] =	vst v63  }
0x160: {  	v17 =	vadd.s32 v11, v17;
	s4 =	simm.s32 $0x2200  }
0x161: {  	[hbm4b:s13+s2] =	stream.indirect_vreg.scatter [tilespmem:s4], [sflag:$0x2], $0x80, v18, vm1, $0xb8;
	[tilespmem:$0x11480] =	vst v63  }
0x162: {  	s4 =	simm.s32 $0x2A00  }
0x163: {  	[hbm4b:s14+s2] =	stream.indirect_vreg.scatter [tilespmem:s4], [sflag:$0x2], $0x80, v18, vm1, $0xb8;
	[tilespmem:$0x11480] =	vst v63  }
0x164: {  	s29 =	simm.s32 $0x3200  }
0x165: {  	[hbm4b:s5+s2] =	stream.indirect_vreg.scatter [tilespmem:s29], [sflag:$0x2], $0x80, v17, vm1, $0xb8;
	[tilespmem:$0x11480] =	vst v63  }
0x166: {  	s29 =	simm.s32 $0x3A00  }
0x167: {  	[hbm4b:s12+s2] =	stream.indirect_vreg.scatter [tilespmem:s29], [sflag:$0x2], $0x80, v17, vm1, $0xb8;
	[tilespmem:$0x11480] =	vst v63  }
0x168: {  	s19 =	simm.s32 $0x4200  }
0x169: {  	[hbm4b:s13+s2] =	stream.indirect_vreg.scatter [tilespmem:s19], [sflag:$0x2], $0x80, v17, vm1, $0xb8;
	[tilespmem:$0x11480] =	vst v63  }
0x16a: {  	s10 =	simm.s32 $0x4A00  }
0x16b: {  	[hbm4b:s14+s2] =	stream.indirect_vreg.scatter [tilespmem:s10], [sflag:$0x2], $0x80, v17, vm1, $0xb8;
	[tilespmem:$0x11480] =	vst v63  }
0x16c: {  	v17 =	vld [tilespmem:$0x11290];
	_ =	sdelay $0x4  }
0x16d: {  	v18 =	vshll.u32 v17, $0x3  }
0x16e: {  	v17 =	vand.u32 $0x7, v17;
	v18 =	vand.u32 $0xFFFFFFC0, v18  }
0x16f: {  	v17 =	vor.u32 v17, v18  }
0x170: {  	v18 =	vperm.xlane v17, v10;
	_ =	sdelay $0x1  }
0x171: {  	v18 =	vadd.s32 v11, v18;
	_ =	sdelay $0x3  }
0x172: {  	s11 =	simm.s32 $0x5200  }
0x173: {  	[hbm4b:s5+s2] =	stream.indirect_vreg.scatter [tilespmem:s11], [sflag:$0x2], $0x80, v18, vm1, $0xb8;
	[tilespmem:$0x11480] =	vst v63  }
0x174: {  	s9 =	simm.s32 $0x5A00;
	v17 =	vperm.xlane v17, v12  }
0x175: {  	[hbm4b:s12+s2] =	stream.indirect_vreg.scatter [tilespmem:s9], [sflag:$0x2], $0x80, v18, vm1, $0xb8;
	[tilespmem:$0x11480] =	vst v63  }
0x176: {  	s21 =	simm.s32 $0x6200;
	v17 =	vadd.s32 v11, v17  }
0x177: {  	[hbm4b:s13+s2] =	stream.indirect_vreg.scatter [tilespmem:s21], [sflag:$0x2], $0x80, v18, vm1, $0xb8;
	[tilespmem:$0x11480] =	vst v63  }
0x178: {  	s22 =	simm.s32 $0x6A00  }
0x179: {  	[hbm4b:s14+s2] =	stream.indirect_vreg.scatter [tilespmem:s22], [sflag:$0x2], $0x80, v18, vm1, $0xb8;
	[tilespmem:$0x11480] =	vst v63  }
0x17a: {  	s23 =	simm.s32 $0x7200  }
0x17b: {  	[hbm4b:s5+s2] =	stream.indirect_vreg.scatter [tilespmem:s23], [sflag:$0x2], $0x80, v17, vm1, $0xb8;
	[tilespmem:$0x11480] =	vst v63  }
0x17c: {  	s24 =	simm.s32 $0x7A00  }
0x17d: {  	[hbm4b:s12+s2] =	stream.indirect_vreg.scatter [tilespmem:s24], [sflag:$0x2], $0x80, v17, vm1, $0xb8;
	[tilespmem:$0x11480] =	vst v63  }
0x17e: {  	s28 =	simm.s32 $0x8200  }
0x17f: {  	[hbm4b:s13+s2] =	stream.indirect_vreg.scatter [tilespmem:s28], [sflag:$0x2], $0x80, v17, vm1, $0xb8;
	[tilespmem:$0x11480] =	vst v63  }
0x180: {  	s18 =	simm.s32 $0x8A00  }
0x181: {  	[hbm4b:s14+s2] =	stream.indirect_vreg.scatter [tilespmem:s18], [sflag:$0x2], $0x80, v17, vm1, $0xb8;
	[tilespmem:$0x11480] =	vst v63  }
0x182: {  	v17 =	vld [tilespmem:$0x112A0];
	_ =	sdelay $0x4  }
0x183: {  	v18 =	vshll.u32 v17, $0x3  }
0x184: {  	v17 =	vand.u32 $0x7, v17;
	v18 =	vand.u32 $0xFFFFFFC0, v18  }
0x185: {  	v17 =	vor.u32 v17, v18  }
0x186: {  	v18 =	vperm.xlane v17, v10;
	_ =	sdelay $0x1  }
0x187: {  	v18 =	vadd.s32 v11, v18;
	_ =	sdelay $0x3  }
0x188: {  	s15 =	simm.s32 $0x9200  }
0x189: {  	[hbm4b:s5+s2] =	stream.indirect_vreg.scatter [tilespmem:s15], [sflag:$0x2], $0x80, v18, vm1, $0xb8;
	[tilespmem:$0x11480] =	vst v63  }
0x18a: {  	s16 =	simm.s32 $0x9A00;
	v17 =	vperm.xlane v17, v12  }
0x18b: {  	[hbm4b:s12+s2] =	stream.indirect_vreg.scatter [tilespmem:s16], [sflag:$0x2], $0x80, v18, vm1, $0xb8;
	[tilespmem:$0x11480] =	vst v63  }
0x18c: {  	s25 =	simm.s32 $0xA200;
	v17 =	vadd.s32 v11, v17  }
0x18d: {  	[hbm4b:s13+s2] =	stream.indirect_vreg.scatter [tilespmem:s25], [sflag:$0x2], $0x80, v18, vm1, $0xb8;
	[tilespmem:$0x11480] =	vst v63  }
0x18e: {  	s26 =	simm.s32 $0xAA00  }
0x18f: {  	[hbm4b:s14+s2] =	stream.indirect_vreg.scatter [tilespmem:s26], [sflag:$0x2], $0x80, v18, vm1, $0xb8;
	[tilespmem:$0x11480] =	vst v63  }
0x190: {  	s18 =	simm.s32 $0xB200  }
0x191: {  	[hbm4b:s5+s2] =	stream.indirect_vreg.scatter [tilespmem:s18], [sflag:$0x2], $0x80, v17, vm1, $0xb8;
	[tilespmem:$0x11480] =	vst v63  }
0x192: {  	s31 =	simm.s32 $0xBA00  }
0x193: {  	[hbm4b:s12+s2] =	stream.indirect_vreg.scatter [tilespmem:s31], [sflag:$0x2], $0x80, v17, vm1, $0xb8;
	[tilespmem:$0x11480] =	vst v63  }
0x194: {  	s20 =	simm.s32 $0xC200  }
0x195: {  	[hbm4b:s13+s2] =	stream.indirect_vreg.scatter [tilespmem:s20], [sflag:$0x2], $0x80, v17, vm1, $0xb8;
	[tilespmem:$0x11480] =	vst v63  }
0x196: {  	s6 =	simm.s32 $0xCA00  }
0x197: {  	[hbm4b:s14+s2] =	stream.indirect_vreg.scatter [tilespmem:s6], [sflag:$0x2], $0x80, v17, vm1, $0xb8;
	[tilespmem:$0x11480] =	vst v63  }
0x198: {  	v17 =	vld [tilespmem:$0x112B0];
	_ =	sdelay $0x4  }
0x199: {  	v18 =	vshll.u32 v17, $0x3  }
0x19a: {  	v17 =	vand.u32 $0x7, v17;
	v18 =	vand.u32 $0xFFFFFFC0, v18  }
0x19b: {  	v17 =	vor.u32 v17, v18  }
0x19c: {  	v18 =	vperm.xlane v17, v10;
	_ =	sdelay $0x1  }
0x19d: {  	v18 =	vadd.s32 v11, v18;
	_ =	sdelay $0x3  }
0x19e: {  	s7 =	simm.s32 $0xD200  }
0x19f: {  	[hbm4b:s5+s2] =	stream.indirect_vreg.scatter [tilespmem:s7], [sflag:$0x2], $0x80, v18, vm1, $0xb8;
	[tilespmem:$0x11480] =	vst v63  }
0x1a0: {  	s8 =	simm.s32 $0xDA00;
	v17 =	vperm.xlane v17, v12  }
0x1a1: {  	[hbm4b:s12+s2] =	stream.indirect_vreg.scatter [tilespmem:s8], [sflag:$0x2], $0x80, v18, vm1, $0xb8;
	[tilespmem:$0x11480] =	vst v63  }
0x1a2: {  	v17 =	vadd.s32 v11, v17;
	s8 =	simm.s32 $0xE200  }
0x1a3: {  	[hbm4b:s13+s2] =	stream.indirect_vreg.scatter [tilespmem:s8], [sflag:$0x2], $0x80, v18, vm1, $0xb8;
	[tilespmem:$0x11480] =	vst v63  }
0x1a4: {  	s9 =	simm.s32 $0xEA00  }
0x1a5: {  	[hbm4b:s14+s2] =	stream.indirect_vreg.scatter [tilespmem:s9], [sflag:$0x2], $0x80, v18, vm1, $0xb8;
	[tilespmem:$0x11480] =	vst v63  }
0x1a6: {  	s10 =	simm.s32 $0xF200  }
0x1a7: {  	[hbm4b:s5+s2] =	stream.indirect_vreg.scatter [tilespmem:s10], [sflag:$0x2], $0x80, v17, vm1, $0xb8;
	[tilespmem:$0x11480] =	vst v63  }
0x1a8: {  	s11 =	simm.s32 $0xFA00  }
0x1a9: {  	[hbm4b:s12+s2] =	stream.indirect_vreg.scatter [tilespmem:s11], [sflag:$0x2], $0x80, v17, vm1, $0xb8;
	[tilespmem:$0x11480] =	vst v63  }
0x1aa: {  	s16 =	simm.s32 $0x10200  }
0x1ab: {  	[hbm4b:s13+s2] =	stream.indirect_vreg.scatter [tilespmem:s16], [sflag:$0x2], $0x80, v17, vm1, $0xb8;
	[tilespmem:$0x11480] =	vst v63  }
0x1ac: {  	s1 =	simm.s32 $0x10A00;
	s4 =	simm.s32 $0x1  }
0x1ad: {  	[hbm4b:s14+s2] =	stream.indirect_vreg.scatter [tilespmem:s1], [sflag:$0x2], $0x80, v17, vm1, $0xb8;
	[tilespmem:$0x11480] =	vst v63  }
0x1ae: {  	_ =	swait.ge [sflag:s4], $0x10000  }
0x1af: {  	[sflag:s4] =	ssyncset.done $0x0  }
0x1b0: {  	s6 =	simm.s32 $0x2;
	[sflag:s4] =	ssyncadd.s32 $0xFFFF0000  }
0x1b1: {  	_ =	swait.ge [sflag:s6], $0x10000  }
0x1b2: {  	[sflag:s6] =	ssyncset.done $0x0  }
0x1b3: {  	s18 =	rddreg [dreg:$0xb];
	[sflag:s6] =	ssyncadd.s32 $0xFFFF0000  }
0x1b4: {  	[tilespmem:s30], [sflag:$0x3] =	stream.linear.gather [hbm4b:s18+s2], $0x10000, $0x38;
	[tilespmem:$0x11480] =	vst v63  }
0x1b5: {  	_ =	swait.ge [sflag:s0], $0x10000  }
0x1b6: {  	[sflag:s0] =	ssyncset.done $0x0  }
0x1b7: {  	[sflag:s0] =	ssyncadd.s32 $0xFFFF0000  }
0x1b8: {  	v17 =	vld.idx.msk [tilespmem:v13+s17+$0x0], $0xffff;
	_ =	sdelay $0x4  }
0x1b9: {  	[tilespmem:$0x11200] =	vst v17  }
0x1ba: {  	v17 =	vld.idx.msk [tilespmem:v14+s17+$0x0], $0xffff;
	_ =	sdelay $0x4  }
0x1bb: {  	[tilespmem:$0x11280] =	vst v17  }
0x1bc: {  	v17 =	vld.idx.msk [tilespmem:v15+s17+$0x0], $0xffff  }
0x1bd: {  	v18 =	vor.u32 $0xA1, v2;
	_ =	sdelay $0x3  }
0x1be: {  	[tilespmem:$0x11210] =	vst v17  }
0x1bf: {  	v17 =	vld.idx.msk [tilespmem:v18+s17+$0x0], $0xffff  }
0x1c0: {  	v18 =	vor.u32 $0xC0, v2;
	_ =	sdelay $0x3  }
0x1c1: {  	[tilespmem:$0x11290] =	vst v17  }
0x1c2: {  	v17 =	vld.idx.msk [tilespmem:v18+s17+$0x0], $0xffff  }
0x1c3: {  	v18 =	vor.u32 $0xC1, v2;
	_ =	sdelay $0x3  }
0x1c4: {  	[tilespmem:$0x11220] =	vst v17  }
0x1c5: {  	v17 =	vld.idx.msk [tilespmem:v18+s17+$0x0], $0xffff  }
0x1c6: {  	v18 =	vor.u32 $0xE0, v2;
	_ =	sdelay $0x1  }
0x1c7: {  	v19 =	vld [tilespmem:$0x11200];
	_ =	sdelay $0x1  }
0x1c8: {  	[tilespmem:$0x112A0] =	vst v17  }
0x1c9: {  	v17 =	vld.idx.msk [tilespmem:v18+s17+$0x0], $0xffff  }
0x1ca: {  	v18 =	vor.u32 $0xE1, v2  }
0x1cb: {  	v63 =	vshll.u32 v19, $0x3  }
0x1cc: {  	v19 =	vand.u32 $0x7, v19;
	v20 =	vand.u32 $0xFFFFFFC0, v63  }
0x1cd: {  	v19 =	vor.u32 v19, v20  }
0x1ce: {  	[tilespmem:$0x11230] =	vst v17;
	v17 =	vperm.xlane v19, v10  }
0x1cf: {  	v18 =	vld.idx.msk [tilespmem:v18+s17+$0x0], $0xffff  }
0x1d0: {  	v17 =	vadd.s32 v11, v17;
	_ =	sdelay $0x3  }
0x1d1: {  	[tilespmem:$0x112B0] =	vst v18  }
0x1d2: {  	[hbm4b:s5+s2] =	stream.indirect_vreg.scatter [tilespmem:s30], [sflag:$0x1], $0x80, v17, vm1, $0xb8;
	[tilespmem:$0x11480] =	vst v63  }
0x1d3: {  	s7 =	simm.s32 $0x1A00;
	v18 =	vperm.xlane v19, v12  }
0x1d4: {  	[hbm4b:s12+s2] =	stream.indirect_vreg.scatter [tilespmem:s7], [sflag:$0x1], $0x80, v17, vm1, $0xb8;
	[tilespmem:$0x11480] =	vst v63  }
0x1d5: {  	s16 =	simm.s32 $0x2200;
	v18 =	vadd.s32 v11, v18  }
0x1d6: {  	[hbm4b:s13+s2] =	stream.indirect_vreg.scatter [tilespmem:s16], [sflag:$0x1], $0x80, v17, vm1, $0xb8;
	[tilespmem:$0x11480] =	vst v63  }
0x1d7: {  	s18 =	simm.s32 $0x2A00  }
0x1d8: {  	[hbm4b:s14+s2] =	stream.indirect_vreg.scatter [tilespmem:s18], [sflag:$0x1], $0x80, v17, vm1, $0xb8;
	[tilespmem:$0x11480] =	vst v63  }
0x1d9: {  	s8 =	simm.s32 $0x3200  }
0x1da: {  	[hbm4b:s5+s2] =	stream.indirect_vreg.scatter [tilespmem:s8], [sflag:$0x1], $0x80, v18, vm1, $0xb8;
	[tilespmem:$0x11480] =	vst v63  }
0x1db: {  	s29 =	simm.s32 $0x3A00  }
0x1dc: {  	[hbm4b:s12+s2] =	stream.indirect_vreg.scatter [tilespmem:s29], [sflag:$0x1], $0x80, v18, vm1, $0xb8;
	[tilespmem:$0x11480] =	vst v63  }
0x1dd: {  	s19 =	simm.s32 $0x4200  }
0x1de: {  	[hbm4b:s13+s2] =	stream.indirect_vreg.scatter [tilespmem:s19], [sflag:$0x1], $0x80, v18, vm1, $0xb8;
	[tilespmem:$0x11480] =	vst v63  }
0x1df: {  	s31 =	simm.s32 $0x4A00  }
0x1e0: {  	[hbm4b:s14+s2] =	stream.indirect_vreg.scatter [tilespmem:s31], [sflag:$0x1], $0x80, v18, vm1, $0xb8;
	[tilespmem:$0x11480] =	vst v63  }
0x1e1: {  	v17 =	vld [tilespmem:$0x11210];
	_ =	sdelay $0x4  }
0x1e2: {  	v18 =	vshll.u32 v17, $0x3  }
0x1e3: {  	v17 =	vand.u32 $0x7, v17;
	v18 =	vand.u32 $0xFFFFFFC0, v18  }
0x1e4: {  	v17 =	vor.u32 v17, v18  }
0x1e5: {  	v18 =	vperm.xlane v17, v10;
	_ =	sdelay $0x1  }
0x1e6: {  	v18 =	vadd.s32 v11, v18;
	_ =	sdelay $0x3  }
0x1e7: {  	s1 =	simm.s32 $0x5200  }
0x1e8: {  	[hbm4b:s5+s2] =	stream.indirect_vreg.scatter [tilespmem:s1], [sflag:$0x1], $0x80, v18, vm1, $0xb8;
	[tilespmem:$0x11480] =	vst v63  }
0x1e9: {  	s17 =	simm.s32 $0x5A00;
	v17 =	vperm.xlane v17, v12  }
0x1ea: {  	[hbm4b:s12+s2] =	stream.indirect_vreg.scatter [tilespmem:s17], [sflag:$0x1], $0x80, v18, vm1, $0xb8;
	[tilespmem:$0x11480] =	vst v63  }
0x1eb: {  	s21 =	simm.s32 $0x6200;
	v17 =	vadd.s32 v11, v17  }
0x1ec: {  	[hbm4b:s13+s2] =	stream.indirect_vreg.scatter [tilespmem:s21], [sflag:$0x1], $0x80, v18, vm1, $0xb8;
	[tilespmem:$0x11480] =	vst v63  }
0x1ed: {  	s22 =	simm.s32 $0x6A00  }
0x1ee: {  	[hbm4b:s14+s2] =	stream.indirect_vreg.scatter [tilespmem:s22], [sflag:$0x1], $0x80, v18, vm1, $0xb8;
	[tilespmem:$0x11480] =	vst v63  }
0x1ef: {  	s23 =	simm.s32 $0x7200  }
0x1f0: {  	[hbm4b:s5+s2] =	stream.indirect_vreg.scatter [tilespmem:s23], [sflag:$0x1], $0x80, v17, vm1, $0xb8;
	[tilespmem:$0x11480] =	vst v63  }
0x1f1: {  	s24 =	simm.s32 $0x7A00  }
0x1f2: {  	[hbm4b:s12+s2] =	stream.indirect_vreg.scatter [tilespmem:s24], [sflag:$0x1], $0x80, v17, vm1, $0xb8;
	[tilespmem:$0x11480] =	vst v63  }
0x1f3: {  	s28 =	simm.s32 $0x8200  }
0x1f4: {  	[hbm4b:s13+s2] =	stream.indirect_vreg.scatter [tilespmem:s28], [sflag:$0x1], $0x80, v17, vm1, $0xb8;
	[tilespmem:$0x11480] =	vst v63  }
0x1f5: {  	s31 =	simm.s32 $0x8A00  }
0x1f6: {  	[hbm4b:s14+s2] =	stream.indirect_vreg.scatter [tilespmem:s31], [sflag:$0x1], $0x80, v17, vm1, $0xb8;
	[tilespmem:$0x11480] =	vst v63  }
0x1f7: {  	v17 =	vld [tilespmem:$0x11220];
	_ =	sdelay $0x4  }
0x1f8: {  	v18 =	vshll.u32 v17, $0x3  }
0x1f9: {  	v17 =	vand.u32 $0x7, v17;
	v18 =	vand.u32 $0xFFFFFFC0, v18  }
0x1fa: {  	v17 =	vor.u32 v17, v18  }
0x1fb: {  	v18 =	vperm.xlane v17, v10;
	_ =	sdelay $0x1  }
0x1fc: {  	v18 =	vadd.s32 v11, v18;
	_ =	sdelay $0x3  }
0x1fd: {  	s1 =	simm.s32 $0x9200  }
0x1fe: {  	[hbm4b:s5+s2] =	stream.indirect_vreg.scatter [tilespmem:s1], [sflag:$0x1], $0x80, v18, vm1, $0xb8;
	[tilespmem:$0x11480] =	vst v63  }
0x1ff: {  	s17 =	simm.s32 $0x9A00;
	v17 =	vperm.xlane v17, v12  }
0x200: {  	[hbm4b:s12+s2] =	stream.indirect_vreg.scatter [tilespmem:s17], [sflag:$0x1], $0x80, v18, vm1, $0xb8;
	[tilespmem:$0x11480] =	vst v63  }
0x201: {  	s25 =	simm.s32 $0xA200;
	v17 =	vadd.s32 v11, v17  }
0x202: {  	[hbm4b:s13+s2] =	stream.indirect_vreg.scatter [tilespmem:s25], [sflag:$0x1], $0x80, v18, vm1, $0xb8;
	[tilespmem:$0x11480] =	vst v63  }
0x203: {  	s26 =	simm.s32 $0xAA00  }
0x204: {  	[hbm4b:s14+s2] =	stream.indirect_vreg.scatter [tilespmem:s26], [sflag:$0x1], $0x80, v18, vm1, $0xb8;
	[tilespmem:$0x11480] =	vst v63  }
0x205: {  	s0 =	simm.s32 $0xB200  }
0x206: {  	[hbm4b:s5+s2] =	stream.indirect_vreg.scatter [tilespmem:s0], [sflag:$0x1], $0x80, v17, vm1, $0xb8;
	[tilespmem:$0x11480] =	vst v63  }
0x207: {  	s1 =	simm.s32 $0xBA00  }
0x208: {  	[hbm4b:s12+s2] =	stream.indirect_vreg.scatter [tilespmem:s1], [sflag:$0x1], $0x80, v17, vm1, $0xb8;
	[tilespmem:$0x11480] =	vst v63  }
0x209: {  	s15 =	simm.s32 $0xC200  }
0x20a: {  	[hbm4b:s13+s2] =	stream.indirect_vreg.scatter [tilespmem:s15], [sflag:$0x1], $0x80, v17, vm1, $0xb8;
	[tilespmem:$0x11480] =	vst v63  }
0x20b: {  	s20 =	simm.s32 $0xCA00  }
0x20c: {  	[hbm4b:s14+s2] =	stream.indirect_vreg.scatter [tilespmem:s20], [sflag:$0x1], $0x80, v17, vm1, $0xb8;
	[tilespmem:$0x11480] =	vst v63  }
0x20d: {  	v17 =	vld [tilespmem:$0x11230];
	_ =	sdelay $0x4  }
0x20e: {  	v18 =	vshll.u32 v17, $0x3  }
0x20f: {  	v17 =	vand.u32 $0x7, v17;
	v18 =	vand.u32 $0xFFFFFFC0, v18  }
0x210: {  	v17 =	vor.u32 v17, v18  }
0x211: {  	v18 =	vperm.xlane v17, v10;
	_ =	sdelay $0x1  }
0x212: {  	v18 =	vadd.s32 v11, v18;
	_ =	sdelay $0x3  }
0x213: {  	s20 =	simm.s32 $0xD200  }
0x214: {  	[hbm4b:s5+s2] =	stream.indirect_vreg.scatter [tilespmem:s20], [sflag:$0x1], $0x80, v18, vm1, $0xb8;
	[tilespmem:$0x11480] =	vst v63  }
0x215: {  	v17 =	vperm.xlane v17, v12;
	s20 =	simm.s32 $0xDA00  }
0x216: {  	[hbm4b:s12+s2] =	stream.indirect_vreg.scatter [tilespmem:s20], [sflag:$0x1], $0x80, v18, vm1, $0xb8;
	[tilespmem:$0x11480] =	vst v63  }
0x217: {  	s17 =	simm.s32 $0xE200;
	v17 =	vadd.s32 v11, v17  }
0x218: {  	[hbm4b:s13+s2] =	stream.indirect_vreg.scatter [tilespmem:s17], [sflag:$0x1], $0x80, v18, vm1, $0xb8;
	[tilespmem:$0x11480] =	vst v63  }
0x219: {  	s20 =	simm.s32 $0xEA00  }
0x21a: {  	[hbm4b:s14+s2] =	stream.indirect_vreg.scatter [tilespmem:s20], [sflag:$0x1], $0x80, v18, vm1, $0xb8;
	[tilespmem:$0x11480] =	vst v63  }
0x21b: {  	s9 =	simm.s32 $0xF200  }
0x21c: {  	[hbm4b:s5+s2] =	stream.indirect_vreg.scatter [tilespmem:s9], [sflag:$0x1], $0x80, v17, vm1, $0xb8;
	[tilespmem:$0x11480] =	vst v63  }
0x21d: {  	s10 =	simm.s32 $0xFA00  }
0x21e: {  	[hbm4b:s12+s2] =	stream.indirect_vreg.scatter [tilespmem:s10], [sflag:$0x1], $0x80, v17, vm1, $0xb8;
	[tilespmem:$0x11480] =	vst v63  }
0x21f: {  	s11 =	simm.s32 $0x10200  }
0x220: {  	[hbm4b:s13+s2] =	stream.indirect_vreg.scatter [tilespmem:s11], [sflag:$0x1], $0x80, v17, vm1, $0xb8;
	[tilespmem:$0x11480] =	vst v63  }
0x221: {  	s20 =	simm.s32 $0x10A00  }
0x222: {  	[hbm4b:s14+s2] =	stream.indirect_vreg.scatter [tilespmem:s20], [sflag:$0x1], $0x80, v17, vm1, $0xb8;
	[tilespmem:$0x11480] =	vst v63  }
0x223: {  	v17 =	vld [tilespmem:$0x11280];
	_ =	sdelay $0x4  }
0x224: {  	v18 =	vshll.u32 v17, $0x3  }
0x225: {  	v17 =	vand.u32 $0x7, v17;
	v18 =	vand.u32 $0xFFFFFFC0, v18  }
0x226: {  	v17 =	vor.u32 v17, v18  }
0x227: {  	v18 =	vperm.xlane v17, v10;
	_ =	sdelay $0x1  }
0x228: {  	v18 =	vadd.s32 v11, v18;
	_ =	sdelay $0x4  }
0x229: {  	[hbm4b:s5+s2] =	stream.indirect_vreg.scatter [tilespmem:s30], [sflag:$0x2], $0x80, v18, vm1, $0xb8;
	[tilespmem:$0x11480] =	vst v63  }
0x22a: {  	v17 =	vperm.xlane v17, v12  }
0x22b: {  	[hbm4b:s12+s2] =	stream.indirect_vreg.scatter [tilespmem:s7], [sflag:$0x2], $0x80, v18, vm1, $0xb8;
	[tilespmem:$0x11480] =	vst v63  }
0x22c: {  	v17 =	vadd.s32 v11, v17  }
0x22d: {  	[hbm4b:s13+s2] =	stream.indirect_vreg.scatter [tilespmem:s16], [sflag:$0x2], $0x80, v18, vm1, $0xb8;
	[tilespmem:$0x11480] =	vst v63  }
0x22e: {  	_ = 	snop  }
0x22f: {  	[hbm4b:s14+s2] =	stream.indirect_vreg.scatter [tilespmem:s18], [sflag:$0x2], $0x80, v18, vm1, $0xb8;
	[tilespmem:$0x11480] =	vst v63  }
0x230: {  	_ = 	snop  }
0x231: {  	[hbm4b:s5+s2] =	stream.indirect_vreg.scatter [tilespmem:s8], [sflag:$0x2], $0x80, v17, vm1, $0xb8;
	[tilespmem:$0x11480] =	vst v63  }
0x232: {  	s29 =	simm.s32 $0x3A00  }
0x233: {  	[hbm4b:s12+s2] =	stream.indirect_vreg.scatter [tilespmem:s29], [sflag:$0x2], $0x80, v17, vm1, $0xb8;
	[tilespmem:$0x11480] =	vst v63  }
0x234: {  	s19 =	simm.s32 $0x4200  }
0x235: {  	[hbm4b:s13+s2] =	stream.indirect_vreg.scatter [tilespmem:s19], [sflag:$0x2], $0x80, v17, vm1, $0xb8;
	[tilespmem:$0x11480] =	vst v63  }
0x236: {  	s16 =	simm.s32 $0x4A00  }
0x237: {  	[hbm4b:s14+s2] =	stream.indirect_vreg.scatter [tilespmem:s16], [sflag:$0x2], $0x80, v17, vm1, $0xb8;
	[tilespmem:$0x11480] =	vst v63  }
0x238: {  	v17 =	vld [tilespmem:$0x11290];
	_ =	sdelay $0x4  }
0x239: {  	v18 =	vshll.u32 v17, $0x3  }
0x23a: {  	v17 =	vand.u32 $0x7, v17;
	v18 =	vand.u32 $0xFFFFFFC0, v18  }
0x23b: {  	v17 =	vor.u32 v17, v18  }
0x23c: {  	v18 =	vperm.xlane v17, v10;
	_ =	sdelay $0x1  }
0x23d: {  	v18 =	vadd.s32 v11, v18;
	_ =	sdelay $0x3  }
0x23e: {  	s18 =	simm.s32 $0x5200  }
0x23f: {  	[hbm4b:s5+s2] =	stream.indirect_vreg.scatter [tilespmem:s18], [sflag:$0x2], $0x80, v18, vm1, $0xb8;
	[tilespmem:$0x11480] =	vst v63  }
0x240: {  	s19 =	simm.s32 $0x5A00;
	v17 =	vperm.xlane v17, v12  }
0x241: {  	[hbm4b:s12+s2] =	stream.indirect_vreg.scatter [tilespmem:s19], [sflag:$0x2], $0x80, v18, vm1, $0xb8;
	[tilespmem:$0x11480] =	vst v63  }
0x242: {  	s21 =	simm.s32 $0x6200;
	v17 =	vadd.s32 v11, v17  }
0x243: {  	[hbm4b:s13+s2] =	stream.indirect_vreg.scatter [tilespmem:s21], [sflag:$0x2], $0x80, v18, vm1, $0xb8;
	[tilespmem:$0x11480] =	vst v63  }
0x244: {  	s22 =	simm.s32 $0x6A00  }
0x245: {  	[hbm4b:s14+s2] =	stream.indirect_vreg.scatter [tilespmem:s22], [sflag:$0x2], $0x80, v18, vm1, $0xb8;
	[tilespmem:$0x11480] =	vst v63  }
0x246: {  	s23 =	simm.s32 $0x7200  }
0x247: {  	[hbm4b:s5+s2] =	stream.indirect_vreg.scatter [tilespmem:s23], [sflag:$0x2], $0x80, v17, vm1, $0xb8;
	[tilespmem:$0x11480] =	vst v63  }
0x248: {  	s24 =	simm.s32 $0x7A00  }
0x249: {  	[hbm4b:s12+s2] =	stream.indirect_vreg.scatter [tilespmem:s24], [sflag:$0x2], $0x80, v17, vm1, $0xb8;
	[tilespmem:$0x11480] =	vst v63  }
0x24a: {  	s28 =	simm.s32 $0x8200  }
0x24b: {  	[hbm4b:s13+s2] =	stream.indirect_vreg.scatter [tilespmem:s28], [sflag:$0x2], $0x80, v17, vm1, $0xb8;
	[tilespmem:$0x11480] =	vst v63  }
0x24c: {  	s22 =	simm.s32 $0x8A00  }
0x24d: {  	[hbm4b:s14+s2] =	stream.indirect_vreg.scatter [tilespmem:s22], [sflag:$0x2], $0x80, v17, vm1, $0xb8;
	[tilespmem:$0x11480] =	vst v63  }
0x24e: {  	v17 =	vld [tilespmem:$0x112A0];
	_ =	sdelay $0x4  }
0x24f: {  	v18 =	vshll.u32 v17, $0x3  }
0x250: {  	v17 =	vand.u32 $0x7, v17;
	v18 =	vand.u32 $0xFFFFFFC0, v18  }
0x251: {  	v17 =	vor.u32 v17, v18  }
0x252: {  	v18 =	vperm.xlane v17, v10;
	_ =	sdelay $0x1  }
0x253: {  	v18 =	vadd.s32 v11, v18;
	_ =	sdelay $0x3  }
0x254: {  	s23 =	simm.s32 $0x9200  }
0x255: {  	[hbm4b:s5+s2] =	stream.indirect_vreg.scatter [tilespmem:s23], [sflag:$0x2], $0x80, v18, vm1, $0xb8;
	[tilespmem:$0x11480] =	vst v63  }
0x256: {  	s24 =	simm.s32 $0x9A00;
	v17 =	vperm.xlane v17, v12  }
0x257: {  	[hbm4b:s12+s2] =	stream.indirect_vreg.scatter [tilespmem:s24], [sflag:$0x2], $0x80, v18, vm1, $0xb8;
	[tilespmem:$0x11480] =	vst v63  }
0x258: {  	s25 =	simm.s32 $0xA200;
	v17 =	vadd.s32 v11, v17  }
0x259: {  	[hbm4b:s13+s2] =	stream.indirect_vreg.scatter [tilespmem:s25], [sflag:$0x2], $0x80, v18, vm1, $0xb8;
	[tilespmem:$0x11480] =	vst v63  }
0x25a: {  	s26 =	simm.s32 $0xAA00  }
0x25b: {  	[hbm4b:s14+s2] =	stream.indirect_vreg.scatter [tilespmem:s26], [sflag:$0x2], $0x80, v18, vm1, $0xb8;
	[tilespmem:$0x11480] =	vst v63  }
0x25c: {  	_ = 	snop  }
0x25d: {  	[hbm4b:s5+s2] =	stream.indirect_vreg.scatter [tilespmem:s0], [sflag:$0x2], $0x80, v17, vm1, $0xb8;
	[tilespmem:$0x11480] =	vst v63  }
0x25e: {  	_ = 	snop  }
0x25f: {  	[hbm4b:s12+s2] =	stream.indirect_vreg.scatter [tilespmem:s1], [sflag:$0x2], $0x80, v17, vm1, $0xb8;
	[tilespmem:$0x11480] =	vst v63  }
0x260: {  	s15 =	simm.s32 $0xC200  }
0x261: {  	[hbm4b:s13+s2] =	stream.indirect_vreg.scatter [tilespmem:s15], [sflag:$0x2], $0x80, v17, vm1, $0xb8;
	[tilespmem:$0x11480] =	vst v63  }
0x262: {  	s31 =	simm.s32 $0xCA00  }
0x263: {  	[hbm4b:s14+s2] =	stream.indirect_vreg.scatter [tilespmem:s31], [sflag:$0x2], $0x80, v17, vm1, $0xb8;
	[tilespmem:$0x11480] =	vst v63  }
0x264: {  	v17 =	vld [tilespmem:$0x112B0];
	_ =	sdelay $0x4  }
0x265: {  	v18 =	vshll.u32 v17, $0x3  }
0x266: {  	v17 =	vand.u32 $0x7, v17;
	v18 =	vand.u32 $0xFFFFFFC0, v18  }
0x267: {  	v17 =	vor.u32 v17, v18  }
0x268: {  	v18 =	vperm.xlane v17, v10;
	_ =	sdelay $0x1  }
0x269: {  	v18 =	vadd.s32 v11, v18;
	_ =	sdelay $0x3  }
0x26a: {  	s28 =	simm.s32 $0xD200  }
0x26b: {  	[hbm4b:s5+s2] =	stream.indirect_vreg.scatter [tilespmem:s28], [sflag:$0x2], $0x80, v18, vm1, $0xb8;
	[tilespmem:$0x11480] =	vst v63  }
0x26c: {  	s29 =	simm.s32 $0xDA00;
	v17 =	vperm.xlane v17, v12  }
0x26d: {  	[hbm4b:s12+s2] =	stream.indirect_vreg.scatter [tilespmem:s29], [sflag:$0x2], $0x80, v18, vm1, $0xb8;
	[tilespmem:$0x11480] =	vst v63  }
0x26e: {  	v17 =	vadd.s32 v11, v17  }
0x26f: {  	[hbm4b:s13+s2] =	stream.indirect_vreg.scatter [tilespmem:s17], [sflag:$0x2], $0x80, v18, vm1, $0xb8;
	[tilespmem:$0x11480] =	vst v63  }
0x270: {  	s31 =	simm.s32 $0xEA00  }
0x271: {  	[hbm4b:s14+s2] =	stream.indirect_vreg.scatter [tilespmem:s31], [sflag:$0x2], $0x80, v18, vm1, $0xb8;
	[tilespmem:$0x11480] =	vst v63  }
0x272: {  	s9 =	simm.s32 $0xF200  }
0x273: {  	[hbm4b:s5+s2] =	stream.indirect_vreg.scatter [tilespmem:s9], [sflag:$0x2], $0x80, v17, vm1, $0xb8;
	[tilespmem:$0x11480] =	vst v63  }
0x274: {  	s10 =	simm.s32 $0xFA00  }
0x275: {  	[hbm4b:s12+s2] =	stream.indirect_vreg.scatter [tilespmem:s10], [sflag:$0x2], $0x80, v17, vm1, $0xb8;
	[tilespmem:$0x11480] =	vst v63  }
0x276: {  	s11 =	simm.s32 $0x10200  }
0x277: {  	[hbm4b:s13+s2] =	stream.indirect_vreg.scatter [tilespmem:s11], [sflag:$0x2], $0x80, v17, vm1, $0xb8;
	[tilespmem:$0x11480] =	vst v63  }
0x278: {  	s20 =	simm.s32 $0x10A00  }
0x279: {  	[hbm4b:s14+s2] =	stream.indirect_vreg.scatter [tilespmem:s20], [sflag:$0x2], $0x80, v17, vm1, $0xb8;
	[tilespmem:$0x11480] =	vst v63  }
0x27a: {  	_ =	swait.ge [sflag:s4], $0x10000  }
0x27b: {  	[sflag:s4] =	ssyncset.done $0x0  }
0x27c: {  	[sflag:s4] =	ssyncadd.s32 $0xFFFF0000  }
0x27d: {  	_ =	swait.ge [sflag:s6], $0x10000  }
0x27e: {  	v17 =	vld [tilespmem:$0x1FFF0];
	_ =	sdelay $0x4  }
0x27f: {  	vm3 =	vnez.u8 v17;
	v17 =	vld [tilespmem:$0x1FFE0]  }
.Ltmp4:
0x280: {  	_ = 	snop;
	(pc) =	sbr.rel @p0 .LBB2_7-.Ltmp4, $3  }
0x281: {  	_ =	sdelay $0x1  }
0x282: {  	[sflag:s6] =	ssyncset.done $0x0  }
0x283: {  	vm15 =	vcmask $0x72C;
	vm14 =	vcmask $0x32C;
	s4 =	rddreg [dreg:$0xd];
	[sflag:s6] =	ssyncadd.s32 $0xFFFF0000;
	vm2 =	vnez.u8 v17  }
0x284: {  	v17 =	vnsel vm3, $0x0, v16;
	vm0 =	vcmask $0x308  }
0x285: {  	(xrf0) =	vadd.scan.msk.s32 $0xffff, v17;
	v17 =	vsel vm0, $0x0, v16;
	vm0 =	vcmask $0x70C  }
0x286: {  	(xrf0) =	vadd.scan.msk.s32 $0xffff, v17;
	v17 =	vsel vm0, $0x0, v16  }
0x287: {  	(xrf0) =	vadd.scan.msk.s32 $0xffff, v17  }
0x288: {  	vm0 =	vcmask $0xB10  }
0x289: {  	v17 =	vsel vm0, $0x0, v16;
	vm0 =	vcmask $0xF14  }
0x28a: {  	vm1 =	vcmask $0x171C;
	(xrf0) =	vadd.scan.msk.s32 $0xffff, v17;
	v17 =	vsel vm0, $0x0, v16  }
0x28b: {  	(v2sf) =	vpush v16, $0xF;
	v23 =	vsel vm1, $0x0, v16;
	vm0 =	vcmask $0x1318;
	v18, _, _ =	vpop (xrf0);
	(xrf0) =	vadd.scan.msk.s32 $0xffff, v17  }
0x28c: {  	vm1 =	vcmask $0x1F24;
	v19 =	vsel vm0, $0x0, v16;
	v17 =	vbroadcast v18, $0xF;
	v45, _, _ =	vpop (xrf0)  }
0x28d: {  	v20 =	vadd.s32 $0x1, v1;
	v49 =	vsel vm1, $0x0, v16;
	(xrf0) =	vadd.scan.msk.s32 $0xffff, v19;
	v18 =	vbroadcast v45, $0xF;
	v21, _, _ =	vpop (xrf0)  }
0x28e: {  	vm1 =	vcmask $0x2328;
	vm0 =	vlt.s32 v17, v20;
	v19 =	vbroadcast v21, $0xF  }
0x28f: {  	v51 =	vsel vm1, $0x0, v16;
	v46 =	vsel vm0, $0x1, v0;
	vm0 =	vlt.s32 v18, v20  }
0x290: {  	vm1 =	vcmask $0x3338;
	(xrf0) =	vadd.scan.msk.s32 $0xffff, v23;
	v22, _, _ =	vpop (xrf0);
	v24 =	vsel vm0, $0x1, v0;
	vm0 =	vlt.s32 v19, v20  }
0x291: {  	v22 =	vbroadcast v22, $0xF;
	v47 =	vsel vm0, $0x1, v0;
	v48, _, _ =	vpop (xrf0);
	vm0 =	vcmask $0x1B20  }
0x292: {  	v21 =	vadd.s32 v24, v46;
	v25 =	vsel vm0, $0x0, v16;
	v24 =	vbroadcast v48, $0xF  }
0x293: {  	v61 =	vsel vm2, $0x0, v16;
	v58 =	vsel vm1, $0x0, v16;
	vm0 =	vlt.s32 v22, v20;
	v26, _, _ =	vpop (xrf0);
	(xrf0) =	vadd.scan.msk.s32 $0xffff, v25  }
0x294: {  	v50 =	vsel vm0, $0x1, v0;
	v25 =	vbroadcast v26, $0xF;
	(xrf0) =	vadd.scan.msk.s32 $0xffff, v49;
	vm0 =	vlt.s32 v24, v20  }
0x295: {  	v45 =	vadd.s32 $0x11, v1;
	v52 =	vsel vm0, $0x1, v0;
	vm0 =	vcmask $0x272C  }
0x296: {  	v21 =	vadd.s32 v47, v21;
	v54, _, _ =	vpop (xrf0);
	(xrf0) =	vadd.scan.msk.s32 $0xffff, v51;
	v53 =	vsel vm0, $0x0, v16;
	vm0 =	vlt.s32 v25, v20  }
0x297: {  	v23 =	vbroadcast v54, $0xF;
	(xrf0) =	vadd.scan.msk.s32 $0xffff, v53;
	v55 =	vsel vm0, $0x1, v0;
	vm0 =	vcmask $0x2B30  }
0x298: {  	v21 =	vadd.s32 v50, v21;
	v27 =	vsel vm0, $0x0, v16;
	vm0 =	vcmask $0x2F34  }
0x299: {  	v21 =	vadd.s32 v52, v21;
	v56, _, _ =	vpop (xrf0);
	(xrf0) =	vadd.scan.msk.s32 $0xffff, v27;
	v57 =	vsel vm0, $0x0, v16;
	vm0 =	vlt.s32 v23, v20  }
0x29a: {  	s1 =	spop (v2sf);
	v26 =	vbroadcast v56, $0xF;
	v28, _, _ =	vpop (xrf0);
	(xrf0) =	vadd.scan.msk.s32 $0xffff, v57;
	v29 =	vsel vm0, $0x1, v0;
	vm0 =	vcmask $0x373C  }
0x29b: {  	s1 =	sadd.s32 $0xFFFFFFFF, s1;
	v21 =	vadd.s32 v55, v21;
	v28 =	vbroadcast v28, $0xF;
	(xrf0) =	vadd.scan.msk.s32 $0xffff, v58;
	v59 =	vsel vm0, $0x0, v16  }
0x29c: {  	v48 =	vmov s1;
	v21 =	vadd.s32 v29, v21;
	v60, _, _ =	vpop (xrf0);
	vm0 =	vlt.s32 v26, v20;
	(xrf0) =	vadd.scan.msk.s32 $0xffff, v59  }
0x29d: {  	v29 =	vbroadcast v60, $0xF;
	v30 =	vsel vm0, $0x1, v0;
	vm0 =	vlt.s32 v28, v20;
	v31, _, _ =	vpop (xrf0);
	(xrf0) =	vadd.scan.msk.s32 $0xffff, v61  }
0x29e: {  	v21 =	vadd.s32 v30, v21;
	v62 =	vsel vm0, $0x1, v0;
	v63 =	vbroadcast v31, $0xF  }
0x29f: {  	v16 =	vbroadcast v16, $0xF;
	vm0 =	vlt.s32 v29, v20;
	v39, _, _ =	vpop (xrf0);
	v21 =	vadd.s32 v62, v21  }
0x2a0: {  	v32 =	vsel vm0, $0x1, v0;
	v40, _, _ =	vpop (xrf0);
	vm0 =	vlt.s32 v63, v20;
	v31 =	vbroadcast v39, $0xF  }
0x2a1: {  	v21 =	vadd.s32 v32, v21;
	v33, _, _ =	vpop (xrf0);
	v41 =	vsel vm0, $0x1, v0;
	v27 =	vbroadcast v40, $0xF  }
0x2a2: {  	v34, _, _ =	vpop (xrf0);
	v21 =	vadd.s32 v41, v21;
	vm0 =	vlt.s32 v31, v20;
	v42 =	vbroadcast v33, $0xF  }
0x2a3: {  	v43 =	vsel vm0, $0x1, v0;
	vm0 =	vlt.s32 v27, v20;
	v34 =	vbroadcast v34, $0xF;
	v35, _, _ =	vpop (xrf0)  }
0x2a4: {  	v36 =	vsel vm0, $0x1, v0;
	vm0 =	vlt.s32 v42, v20;
	v35 =	vbroadcast v35, $0xF  }
0x2a5: {  	v21 =	vadd.s32 v43, v21;
	v44 =	vsel vm0, $0x1, v0;
	vm0 =	vlt.s32 v34, v20  }
0x2a6: {  	v21 =	vadd.s32 v36, v21;
	v37 =	vsel vm0, $0x1, v0;
	vm0 =	vlt.s32 v35, v20  }
0x2a7: {  	v46 =	vsel vm0, $0x1, v0;
	vm0 =	vlt.s32 v17, v45;
	v17 =	vadd.s32 v44, v21  }
0x2a8: {  	v47 =	vsel vm0, $0x1, v0;
	vm0 =	vlt.s32 v18, v45;
	v17 =	vadd.s32 v37, v17  }
0x2a9: {  	v18 =	vsel vm0, $0x1, v0;
	vm0 =	vlt.s32 v19, v45;
	v17 =	vadd.s32 v46, v17  }
0x2aa: {  	v18 =	vadd.s32 v18, v47;
	v49 =	vsel vm0, $0x1, v0;
	vm0 =	vlt.s32 v48, v1  }
0x2ab: {  	v17 =	vmin.u32 v17, $0xF;
	v50 =	vsel vm0, s1, v1;
	vm0 =	vlt.s32 v22, v45  }
0x2ac: {  	v18 =	vadd.s32 v49, v18;
	v22 =	vsel vm0, $0x1, v0;
	vm0 =	vlt.s32 v24, v45  }
0x2ad: {  	v18 =	vadd.s32 v22, v18;
	v51 =	vsel vm0, $0x1, v0;
	vm0 =	vlt.s32 v25, v45  }
0x2ae: {  	v18 =	vadd.s32 v51, v18;
	v52 =	vsel vm0, $0x1, v0;
	vm0 =	vlt.s32 v23, v45  }
0x2af: {  	v18 =	vadd.s32 v52, v18;
	v53 =	vsel vm0, $0x1, v0;
	vm0 =	vlt.s32 v26, v45  }
0x2b0: {  	v18 =	vadd.s32 v53, v18;
	v54 =	vsel vm0, $0x1, v0;
	vm0 =	vlt.s32 v28, v45  }
0x2b1: {  	v18 =	vadd.s32 v54, v18;
	v55 =	vsel vm0, $0x1, v0;
	vm0 =	vlt.s32 v29, v45  }
0x2b2: {  	v18 =	vadd.s32 v55, v18;
	v56 =	vsel vm0, $0x1, v0;
	vm0 =	vlt.s32 v63, v45  }
0x2b3: {  	v18 =	vadd.s32 v56, v18;
	v57 =	vsel vm0, $0x1, v0;
	vm0 =	vlt.s32 v31, v45  }
0x2b4: {  	v18 =	vadd.s32 v57, v18;
	v58 =	vsel vm0, $0x1, v0;
	vm0 =	vlt.s32 v27, v45  }
0x2b5: {  	v18 =	vadd.s32 v58, v18;
	v59 =	vsel vm0, $0x1, v0;
	vm0 =	vlt.s32 v42, v45  }
0x2b6: {  	v18 =	vadd.s32 v59, v18;
	v60 =	vsel vm0, $0x1, v0;
	vm0 =	vlt.s32 v34, v45  }
0x2b7: {  	v18 =	vadd.s32 v60, v18;
	v61 =	vsel vm0, $0x1, v0;
	vm0 =	vlt.s32 v35, v45  }
0x2b8: {  	[tilespmem:$0x11300] =	vst v17;
	v17 =	vsel vm0, $0x1, v0;
	vm0 =	vgt.s32 v16, v1;
	v18 =	vadd.s32 v61, v18  }
0x2b9: {  	[tilespmem:$0x11380] =	vst v50;
	v63 =	vor.u32 $0x10, v1;
	v62 =	vsel vm0, $0x1, v0;
	v17 =	vadd.s32 v17, v18  }
0x2ba: {  	vm0 =	vlt.s32 v48, v63;
	[tilespmem:$0x11400] =	vst v62;
	v17 =	vmin.u32 v17, $0xF  }
0x2bb: {  	[tilespmem:$0x11310] =	vst v17;
	v17 =	vsel vm0, s1, v63;
	vm0 =	vgt.s32 v16, v63  }
0x2bc: {  	v16 =	vsel vm0, $0x1, v0;
	[tilespmem:$0x11390] =	vst v17  }
0x2bd: {  	s25 =	rddreg [dreg:$0x5];
	s0 =	simm.s32 $0x11300;
	s26 =	simm.s32 $0x3;
	[tilespmem:$0x11410] =	vst v16  }
0x2be: {  	[hbm4b:s25+s2] =	stream.linear.scatter [tilespmem:s0], [sflag:$0x3], $0x80, $0x38;
	[tilespmem:$0x11480] =	vst v63  }
0x2bf: {  	_ =	swait.ge [sflag:s26], $0x80  }
0x2c0: {  	[sflag:s26] =	ssyncset.done $0x0  }
0x2c1: {  	s6 =	simm.s32 $0x11380;
	s28 =	rddreg [dreg:$0x6];
	[sflag:s26] =	ssyncadd.s32 $0xFFFFFF80  }
0x2c2: {  	[hbm4b:s28+s2] =	stream.linear.scatter [tilespmem:s6], [sflag:$0x3], $0x80, $0x38;
	[tilespmem:$0x11480] =	vst v63  }
0x2c3: {  	_ =	swait.ge [sflag:s26], $0x80  }
0x2c4: {  	s31 =	simm.s32 $0x11400;
	[sflag:s26] =	ssyncset.done $0x0  }
.Ltmp5:
0x2c5: {  	s29 =	rddreg [dreg:$0x7];
	[sflag:s26] =	ssyncadd.s32 $0xFFFFFF80;
	(pc) =	sbr.rel .LBB2_7-.Ltmp5, $4  }
0x2c6: {  	[hbm4b:s29+s2] =	stream.linear.scatter [tilespmem:s31], [sflag:$0x3], $0x80, $0x38;
	[tilespmem:$0x11480] =	vst v63  }
0x2c7: {  	_ =	swait.ge [sflag:s26], $0x80  }
0x2c8: {  	[sflag:s26] =	ssyncset.done $0x0  }
0x2c9: {  	[sflag:s26] =	ssyncadd.s32 $0xFFFFFF80  }
.LBB2_8:
0x2ca: {  	_ =	sfence.sel $0x180000  }
0x2cb: {  	[bflag:$0x0] =	sbarrier.arrive $0xFFFF  }
0x2cc: {  	_ =	strace $0x90000047  }
0x2cd: {  	s0 =	stileid.u32;
	[bflag:$0x2] =	sbarrier.arrive $0xFFFF  }
0x2ce: {  	p0 =	sne.s32 s0, $0x0;
	s0 =	rddreg [dreg:$0x3]  }
0x2cf: {  	s0 =	sadd.s32 @!p0 $0x100000, s0  }
0x2d0: {  	[sflag:s0] =	ssyncadd.tile.s32 @!p0 $0x1;
	_ =	shalt  }
.Lfunc_end2:
_tile_overlayer_lowered:
.L_overlay_start_2:
0x2d1: {  	(tag) =	ssettag $0x2  }
0x2d2: {  	s0 =	rddreg [dreg:$0x0];
	s2 =	stileid.u32  }
0x2d3: {  	s1 =	rddreg [dreg:$0x1];
	p0 =	sne.s32 s2, $0x0  }
0x2d4: {  	s3 =	rddreg [dreg:$0x2];
	[bflag:$0x3] =	sbarrier.arrive $0xFFFF;
	s2 =	simm.s32 @!p0 $0x1C03  }
0x2d5: {  	[timem:s3], [sflag:s2] =	dma.local @!p0 [hbm:s0], s1  }
0x2d6: {  	s0 =	simm.s32 @!p0 $0x3  }
0x2d7: {  	_ =	swait.ge @!p0 [sflag:s0], s1  }
0x2d8: {  	s1 =	ssub.s32 @!p0 $0x0, s1;
	[sflag:s0] =	ssyncset.done @!p0 $0x0  }
0x2d9: {  	[sflag:s0] =	ssyncadd.s32 @!p0 s1  }
0x2da: {  	[bflag:$0x3] =	sbarrier.arrive $0xFFFF  }
0x2db: {  	_ =	shalt  }

</sc_bundles>
